<compile_context>
chip_gen: v7x
topology: tpu7x:2x2x1
jax: 0.10.2.dev20260603
libtpu: 0.0.44.dev20260713+nightly
codegen_flags: <defaults>
</compile_context>

<pallas_src>
import functools

import jax
import jax.numpy as jnp
from jax import lax
from jax.experimental import pallas as pl
from jax.experimental.pallas import tpu as pltpu
from jax.experimental.pallas import tpu_sc as plsc

D = 16
BATCH = 16384
NW = 32
BPW = BATCH // NW
CHUNK = 128
NCH = BPW // CHUNK
COFF = 0.1
R = BATCH * D // 128

_mesh = plsc.VectorSubcoreMesh(core_axis_name="c", subcore_axis_name="s")


@functools.partial(
    pl.kernel,
    out_type=jax.ShapeDtypeStruct((5, BATCH, D), jnp.float32),
    mesh=_mesh,
    compiler_params=pltpu.CompilerParams(
        use_tc_tiling_on_sc=False, needs_layout_passes=False
    ),
    scratch_types=[
        pltpu.VMEM((5 * BPW,), jnp.int32),
        pltpu.VMEM((5 * BPW,), jnp.int32),
        pltpu.VMEM((5, BPW, D), jnp.float32),
        pltpu.SemaphoreType.DMA,
    ],
)
def _gather5(pnp_hbm, table_hbm, out_hbm, pnp_v, idx_v, rows_v, sem):
    wid = lax.axis_index("s") * 2 + lax.axis_index("c")
    base = wid * BPW
    pltpu.sync_copy(pnp_hbm.at[pl.ds(base * 5, 5 * BPW)], pnp_v)
    lane = lax.iota(jnp.int32, 16)
    l5 = lane * 5
    for j in range(5):
        for g in range(BPW // 16):
            vals = plsc.load_gather(pnp_v, [l5 + (g * 80 + j)])
            idx_v[pl.ds(j * BPW + g * 16, 16)] = vals
    copies = []
    for j in range(5):
        for k in range(NCH):
            copies.append(
                pltpu.async_copy(
                    table_hbm.at[idx_v.at[pl.ds(j * BPW + k * CHUNK, CHUNK)]],
                    rows_v.at[j, pl.ds(k * CHUNK, CHUNK), :],
                    sem,
                )
            )
    for c in copies:
        c.wait()
    for j in range(5):
        pltpu.sync_copy(rows_v.at[j], out_hbm.at[j, pl.ds(base, BPW), :])


def _softplus(z):
    return jnp.maximum(z, 0.0) + jnp.log1p(jnp.exp(-jnp.abs(z)))


def _loss_body(g_ref, out_ref):
    ru = g_ref[pl.ds(0 * R, R), :]
    rpi = g_ref[pl.ds(1 * R, R), :]
    rni = g_ref[pl.ds(2 * R, R), :]
    rpe = g_ref[pl.ds(3 * R, R), :]
    rne = g_ref[pl.ds(4 * R, R), :]

    d = lax.broadcasted_iota(jnp.int32, (128, 8), 0)
    k = lax.broadcasted_iota(jnp.int32, (128, 8), 1)
    sel = jnp.where(d // D == k, 1.0, 0.0).astype(jnp.float32)

    def gsum(x):
        return jnp.dot(x, sel, preferred_element_type=jnp.float32)

    pos_pred = gsum(ru * rpi)
    neg_pred = gsum(ru * rni)
    cf = jnp.sum(_softplus(neg_pred - pos_pred))

    n_pi = gsum(rpi * rpi)
    n_pe = gsum(rpe * rpe)
    n_ne = gsum(rne * rne)
    a = gsum(rpi * rpe)
    b = gsum(rpi * rne)
    iv_pi = 1.0 / jnp.maximum(jnp.sqrt(n_pi), 1e-12)
    iv_pe = 1.0 / jnp.maximum(jnp.sqrt(n_pe), 1e-12)
    iv_ne = 1.0 / jnp.maximum(jnp.sqrt(n_ne), 1e-12)
    pos_reg = n_pi * iv_pi * iv_pi - 2.0 * a * iv_pi * iv_pe + n_pe * iv_pe * iv_pe
    neg_reg = n_pi * iv_pi * iv_pi - 2.0 * b * iv_pi * iv_ne + n_ne * iv_ne * iv_ne
    reg = jnp.sum(_softplus(neg_reg - pos_reg))

    out_ref[0, 0] = cf + COFF * reg


_loss = pl.pallas_call(
    _loss_body,
    out_shape=jax.ShapeDtypeStruct((1, 1), jnp.float32),
    in_specs=[pl.BlockSpec(memory_space=pltpu.VMEM)],
    out_specs=pl.BlockSpec(memory_space=pltpu.SMEM),
)


@jax.jit
def kernel(repr_x, pos_neg_pair_t):
    idx = pos_neg_pair_t.reshape(5 * BATCH)
    g = _gather5(idx, repr_x)
    g2 = g.reshape(5 * R, 128)
    return _loss(g2)[0, 0]

# --- scband reference (transcript-rebuilt; emitter-appended) ---
"""Pipeline reference for scband-graph-recsys-model-46772193853887 (READ-ONLY COPY).

The authoritative reference and input builder live on the scoring server;
editing this copy changes nothing except your own understanding.
"""

import jax, jax.numpy as jnp
import numpy as np

N_NODES = 1000000
EMBED_DIM = 16
BATCH = 16384
ENTITY_AWARE_COFF = 0.1


def setup_inputs(seed: int = 0) -> dict:
    key = jax.random.key(seed)
    k1, k2 = jax.random.split(key)
    repr_x = jax.random.normal(k1, (N_NODES, EMBED_DIM), dtype=jnp.float32)
    pos_neg_pair_t = jax.random.randint(k2, (BATCH, 5), 0, N_NODES, dtype=jnp.int32)
    return {"repr_x": repr_x, "pos_neg_pair_t": pos_neg_pair_t}


def reference(repr_x, pos_neg_pair_t):
    # self.cached_repr = self.forward() -> modeled as the learned node repr table repr_x
    u = pos_neg_pair_t[:, 0]
    pi = pos_neg_pair_t[:, 1]
    ni = pos_neg_pair_t[:, 2]
    pe = pos_neg_pair_t[:, 3]
    ne = pos_neg_pair_t[:, 4]
    # predict(unids, inids) = dot(repr[u], repr[i])
    pos_pred = jnp.sum(jnp.take(repr_x, u, axis=0) * jnp.take(repr_x, pi, axis=0), axis=-1)
    neg_pred = jnp.sum(jnp.take(repr_x, u, axis=0) * jnp.take(repr_x, ni, axis=0), axis=-1)
    cf_loss = -jnp.sum(jnp.log(jax.nn.sigmoid(pos_pred - neg_pred)))
    # entity-aware regularization: F.normalize(cached_repr) along last dim (eps=1e-12)
    norm = jnp.linalg.norm(repr_x, axis=-1, keepdims=True)
    x = repr_x / jnp.maximum(norm, 1e-12)
    d_pos = jnp.take(x, pi, axis=0) - jnp.take(x, pe, axis=0)
    d_neg = jnp.take(x, pi, axis=0) - jnp.take(x, ne, axis=0)
    pos_reg = jnp.sum(d_pos * d_pos, axis=-1)
    neg_reg = jnp.sum(d_neg * d_neg, axis=-1)
    reg_loss = -jnp.sum(jnp.log(jax.nn.sigmoid(pos_reg - neg_reg)))
    loss = cf_loss + ENTITY_AWARE_COFF * reg_loss
    return loss

if __name__ == "__main__":
    import jax
    _d = setup_inputs()
    print(jax.jit(kernel)(*tuple(_d.values())))

</pallas_src>

<mosaic_0001>
#map = affine_map<(d0, d1) -> (0)>
#map1 = affine_map<(d0, d1) -> (0, 0)>
#map2 = affine_map<(d0, d1) -> (0, 0, 0)>
module attributes {stable_mosaic.version = 14 : i64} {
  func.func @_gather5(%arg0: i32, %arg1: i32, %arg2: memref<81920xi32, #tpu.memory_space<hbm>>, %arg3: memref<1000000x16xf32, #tpu.memory_space<hbm>>, %arg4: memref<5x16384x16xf32, #tpu.memory_space<hbm>>, %arg5: memref<2560xi32, #tpu.memory_space<vmem>>, %arg6: memref<2560xi32, #tpu.memory_space<vmem>>, %arg7: memref<5x512x16xf32, #tpu.memory_space<vmem>>, %arg8: memref<!tpu.dma_semaphore, #tpu.memory_space<semaphore_mem>>) attributes {dimension_semantics = [#tpu.dimension_semantics<core_parallel>, #tpu.dimension_semantics<subcore_parallel>], iteration_bounds = array<i64: 2, 16>, scalar_prefetch = 0 : i64, scratch_operands = 4 : i64, tpu.core_type = #tpu.core_type<sc_vector_subcore>, window_params = [{transform_indices = #map}, {transform_indices = #map1}, {transform_indices = #map2}]} {
    %mul3A = arith.constant 2 : i32
    %mul3A_0 = arith.muli %arg1, %mul3A : i32
    %add3A = arith.addi %mul3A_0, %arg0 : i32
    %mul3A_1 = arith.constant 512 : i32
    %mul3A_2 = arith.muli %add3A, %mul3A_1 : i32
    %mul3A_3 = arith.constant 5 : i32
    %mul3A_4 = arith.muli %mul3A_2, %mul3A_3 : i32
    "tpu.region"() ({
      %run_scoped3A_1373 = tpu.sem_alloc : memref<!tpu.dma_semaphore, #tpu.memory_space<semaphore_mem>>
      %dma_start3A_1374 = tpu.memref_slice %arg2[%mul3A_4] : memref<81920xi32, #tpu.memory_space<hbm>> -> memref<2560xi32, #tpu.memory_space<hbm>>
      %dma_start3A_1375 = tpu.memref_slice %arg2[%mul3A_4] : memref<81920xi32, #tpu.memory_space<hbm>> -> memref<2560xi32, #tpu.memory_space<hbm>>
      tpu.enqueue_dma source(%dma_start3A_1375 : memref<2560xi32, #tpu.memory_space<hbm>>) target(%arg5 : memref<2560xi32, #tpu.memory_space<vmem>>) target_semaphore(%run_scoped3A_1373 : memref<!tpu.dma_semaphore, #tpu.memory_space<semaphore_mem>>)
      %dma_wait3A_1376 = tpu.memref_slice %arg2[%mul3A_4] : memref<81920xi32, #tpu.memory_space<hbm>> -> memref<2560xi32, #tpu.memory_space<hbm>>
      %dma_wait3A_1377 = tpu.memref_slice %arg2[%mul3A_4] : memref<81920xi32, #tpu.memory_space<hbm>> -> memref<2560xi32, #tpu.memory_space<hbm>>
      tpu.wait_dma2 semaphore(%run_scoped3A_1373 : memref<!tpu.dma_semaphore, #tpu.memory_space<semaphore_mem>>) src(%dma_wait3A_1377 : memref<2560xi32, #tpu.memory_space<hbm>>) dst(%arg5 : memref<2560xi32, #tpu.memory_space<vmem>>)
      tpu.yield
    }) : () -> ()
    %iota3A = tpu.iota {dimensions = array<i32: 0>} : vector<16xi32>
    %mul3A_5 = arith.constant 5 : i32
    %mul3A_6 = vector.broadcast %mul3A_5 : i32 to vector<16xi32>
    %mul3A_7 = arith.muli %iota3A, %mul3A_6 : vector<16xi32>
    %add3A_8 = arith.constant 0 : i32
    %add3A_9 = vector.broadcast %add3A_8 : i32 to vector<16xi32>
    %add3A_10 = arith.addi %mul3A_7, %add3A_9 : vector<16xi32>
    %gather3A = tpu.vector_load_idx %arg5[%add3A_10] : memref<2560xi32, #tpu.memory_space<vmem>>[vector<16xi32>], vector<16xi32>,
    %swap3A = arith.constant 0 : index
    %swap3A_11 = tpu.vector_load %arg6[%swap3A] {strides = array<i32>} : memref<2560xi32, #tpu.memory_space<vmem>>, vector<16xi32>,
    tpu.vector_store %arg6[%swap3A], %gather3A {strides = array<i32>} : memref<2560xi32, #tpu.memory_space<vmem>>, vector<16xi32>,
    %add3A_12 = arith.constant 80 : i32
    %add3A_13 = vector.broadcast %add3A_12 : i32 to vector<16xi32>
    %add3A_14 = arith.addi %mul3A_7, %add3A_13 : vector<16xi32>
    %gather3A_15 = tpu.vector_load_idx %arg5[%add3A_14] : memref<2560xi32, #tpu.memory_space<vmem>>[vector<16xi32>], vector<16xi32>,
    %swap3A_16 = arith.constant 16 : index
    %swap3A_17 = tpu.vector_load %arg6[%swap3A_16] {strides = array<i32>} : memref<2560xi32, #tpu.memory_space<vmem>>, vector<16xi32>,
    tpu.vector_store %arg6[%swap3A_16], %gather3A_15 {strides = array<i32>} : memref<2560xi32, #tpu.memory_space<vmem>>, vector<16xi32>,
    %add3A_18 = arith.constant 160 : i32
    %add3A_19 = vector.broadcast %add3A_18 : i32 to vector<16xi32>
    %add3A_20 = arith.addi %mul3A_7, %add3A_19 : vector<16xi32>
    %gather3A_21 = tpu.vector_load_idx %arg5[%add3A_20] : memref<2560xi32, #tpu.memory_space<vmem>>[vector<16xi32>], vector<16xi32>,
    %swap3A_22 = arith.constant 32 : index
    %swap3A_23 = tpu.vector_load %arg6[%swap3A_22] {strides = array<i32>} : memref<2560xi32, #tpu.memory_space<vmem>>, vector<16xi32>,
    tpu.vector_store %arg6[%swap3A_22], %gather3A_21 {strides = array<i32>} : memref<2560xi32, #tpu.memory_space<vmem>>, vector<16xi32>,
    %add3A_24 = arith.constant 240 : i32
    %add3A_25 = vector.broadcast %add3A_24 : i32 to vector<16xi32>
    %add3A_26 = arith.addi %mul3A_7, %add3A_25 : vector<16xi32>
    %gather3A_27 = tpu.vector_load_idx %arg5[%add3A_26] : memref<2560xi32, #tpu.memory_space<vmem>>[vector<16xi32>], vector<16xi32>,
    %swap3A_28 = arith.constant 48 : index
    %swap3A_29 = tpu.vector_load %arg6[%swap3A_28] {strides = array<i32>} : memref<2560xi32, #tpu.memory_space<vmem>>, vector<16xi32>,
    tpu.vector_store %arg6[%swap3A_28], %gather3A_27 {strides = array<i32>} : memref<2560xi32, #tpu.memory_space<vmem>>, vector<16xi32>,
    %add3A_30 = arith.constant 320 : i32
    %add3A_31 = vector.broadcast %add3A_30 : i32 to vector<16xi32>
    %add3A_32 = arith.addi %mul3A_7, %add3A_31 : vector<16xi32>
    %gather3A_33 = tpu.vector_load_idx %arg5[%add3A_32] : memref<2560xi32, #tpu.memory_space<vmem>>[vector<16xi32>], vector<16xi32>,
    %swap3A_34 = arith.constant 64 : index
    %swap3A_35 = tpu.vector_load %arg6[%swap3A_34] {strides = array<i32>} : memref<2560xi32, #tpu.memory_space<vmem>>, vector<16xi32>,
    tpu.vector_store %arg6[%swap3A_34], %gather3A_33 {strides = array<i32>} : memref<2560xi32, #tpu.memory_space<vmem>>, vector<16xi32>,
    %add3A_36 = arith.constant 400 : i32
    %add3A_37 = vector.broadcast %add3A_36 : i32 to vector<16xi32>
    %add3A_38 = arith.addi %mul3A_7, %add3A_37 : vector<16xi32>
    %gather3A_39 = tpu.vector_load_idx %arg5[%add3A_38] : memref<2560xi32, #tpu.memory_space<vmem>>[vector<16xi32>], vector<16xi32>,
    %swap3A_40 = arith.constant 80 : index
    %swap3A_41 = tpu.vector_load %arg6[%swap3A_40] {strides = array<i32>} : memref<2560xi32, #tpu.memory_space<vmem>>, vector<16xi32>,
    tpu.vector_store %arg6[%swap3A_40], %gather3A_39 {strides = array<i32>} : memref<2560xi32, #tpu.memory_space<vmem>>, vector<16xi32>,
    %add3A_42 = arith.constant 480 : i32
    %add3A_43 = vector.broadcast %add3A_42 : i32 to vector<16xi32>
    %add3A_44 = arith.addi %mul3A_7, %add3A_43 : vector<16xi32>
    %gather3A_45 = tpu.vector_load_idx %arg5[%add3A_44] : memref<2560xi32, #tpu.memory_space<vmem>>[vector<16xi32>], vector<16xi32>,
    %swap3A_46 = arith.constant 96 : index
    %swap3A_47 = tpu.vector_load %arg6[%swap3A_46] {strides = array<i32>} : memref<2560xi32, #tpu.memory_space<vmem>>, vector<16xi32>,
    tpu.vector_store %arg6[%swap3A_46], %gather3A_45 {strides = array<i32>} : memref<2560xi32, #tpu.memory_space<vmem>>, vector<16xi32>,
    %add3A_48 = arith.constant 560 : i32
    %add3A_49 = vector.broadcast %add3A_48 : i32 to vector<16xi32>
    %add3A_50 = arith.addi %mul3A_7, %add3A_49 : vector<16xi32>
    %gather3A_51 = tpu.vector_load_idx %arg5[%add3A_50] : memref<2560xi32, #tpu.memory_space<vmem>>[vector<16xi32>], vector<16xi32>,
    %swap3A_52 = arith.constant 112 : index
    %swap3A_53 = tpu.vector_load %arg6[%swap3A_52] {strides = array<i32>} : memref<2560xi32, #tpu.memory_space<vmem>>, vector<16xi32>,
    tpu.vector_store %arg6[%swap3A_52], %gather3A_51 {strides = array<i32>} : memref<2560xi32, #tpu.memory_space<vmem>>, vector<16xi32>,
    %add3A_54 = arith.constant 640 : i32
    %add3A_55 = vector.broadcast %add3A_54 : i32 to vector<16xi32>
    %add3A_56 = arith.addi %mul3A_7, %add3A_55 : vector<16xi32>
    %gather3A_57 = tpu.vector_load_idx %arg5[%add3A_56] : memref<2560xi32, #tpu.memory_space<vmem>>[vector<16xi32>], vector<16xi32>,
    %swap3A_58 = arith.constant 128 : index
    %swap3A_59 = tpu.vector_load %arg6[%swap3A_58] {strides = array<i32>} : memref<2560xi32, #tpu.memory_space<vmem>>, vector<16xi32>,
    tpu.vector_store %arg6[%swap3A_58], %gather3A_57 {strides = array<i32>} : memref<2560xi32, #tpu.memory_space<vmem>>, vector<16xi32>,
    %add3A_60 = arith.constant 720 : i32
    %add3A_61 = vector.broadcast %add3A_60 : i32 to vector<16xi32>
    %add3A_62 = arith.addi %mul3A_7, %add3A_61 : vector<16xi32>
    %gather3A_63 = tpu.vector_load_idx %arg5[%add3A_62] : memref<2560xi32, #tpu.memory_space<vmem>>[vector<16xi32>], vector<16xi32>,
    %swap3A_64 = arith.constant 144 : index
    %swap3A_65 = tpu.vector_load %arg6[%swap3A_64] {strides = array<i32>} : memref<2560xi32, #tpu.memory_space<vmem>>, vector<16xi32>,
    tpu.vector_store %arg6[%swap3A_64], %gather3A_63 {strides = array<i32>} : memref<2560xi32, #tpu.memory_space<vmem>>, vector<16xi32>,
    %add3A_66 = arith.constant 800 : i32
    %add3A_67 = vector.broadcast %add3A_66 : i32 to vector<16xi32>
    %add3A_68 = arith.addi %mul3A_7, %add3A_67 : vector<16xi32>
    %gather3A_69 = tpu.vector_load_idx %arg5[%add3A_68] : memref<2560xi32, #tpu.memory_space<vmem>>[vector<16xi32>], vector<16xi32>,
    %swap3A_70 = arith.constant 160 : index
    %swap3A_71 = tpu.vector_load %arg6[%swap3A_70] {strides = array<i32>} : memref<2560xi32, #tpu.memory_space<vmem>>, vector<16xi32>,
    tpu.vector_store %arg6[%swap3A_70], %gather3A_69 {strides = array<i32>} : memref<2560xi32, #tpu.memory_space<vmem>>, vector<16xi32>,
    %add3A_72 = arith.constant 880 : i32
    %add3A_73 = vector.broadcast %add3A_72 : i32 to vector<16xi32>
    %add3A_74 = arith.addi %mul3A_7, %add3A_73 : vector<16xi32>
    %gather3A_75 = tpu.vector_load_idx %arg5[%add3A_74] : memref<2560xi32, #tpu.memory_space<vmem>>[vector<16xi32>], vector<16xi32>,
    %swap3A_76 = arith.constant 176 : index
    %swap3A_77 = tpu.vector_load %arg6[%swap3A_76] {strides = array<i32>} : memref<2560xi32, #tpu.memory_space<vmem>>, vector<16xi32>,
    tpu.vector_store %arg6[%swap3A_76], %gather3A_75 {strides = array<i32>} : memref<2560xi32, #tpu.memory_space<vmem>>, vector<16xi32>,
    %add3A_78 = arith.constant 960 : i32
    %add3A_79 = vector.broadcast %add3A_78 : i32 to vector<16xi32>
    %add3A_80 = arith.addi %mul3A_7, %add3A_79 : vector<16xi32>
    %gather3A_81 = tpu.vector_load_idx %arg5[%add3A_80] : memref<2560xi32, #tpu.memory_space<vmem>>[vector<16xi32>], vector<16xi32>,
    %swap3A_82 = arith.constant 192 : index
    %swap3A_83 = tpu.vector_load %arg6[%swap3A_82] {strides = array<i32>} : memref<2560xi32, #tpu.memory_space<vmem>>, vector<16xi32>,
    tpu.vector_store %arg6[%swap3A_82], %gather3A_81 {strides = array<i32>} : memref<2560xi32, #tpu.memory_space<vmem>>, vector<16xi32>,
    %add3A_84 = arith.constant 1040 : i32
    %add3A_85 = vector.broadcast %add3A_84 : i32 to vector<16xi32>
    %add3A_86 = arith.addi %mul3A_7, %add3A_85 : vector<16xi32>
    %gather3A_87 = tpu.vector_load_idx %arg5[%add3A_86] : memref<2560xi32, #tpu.memory_space<vmem>>[vector<16xi32>], vector<16xi32>,
    %swap3A_88 = arith.constant 208 : index
    %swap3A_89 = tpu.vector_load %arg6[%swap3A_88] {strides = array<i32>} : memref<2560xi32, #tpu.memory_space<vmem>>, vector<16xi32>,
    tpu.vector_store %arg6[%swap3A_88], %gather3A_87 {strides = array<i32>} : memref<2560xi32, #tpu.memory_space<vmem>>, vector<16xi32>,
    %add3A_90 = arith.constant 1120 : i32
    %add3A_91 = vector.broadcast %add3A_90 : i32 to vector<16xi32>
    %add3A_92 = arith.addi %mul3A_7, %add3A_91 : vector<16xi32>
    %gather3A_93 = tpu.vector_load_idx %arg5[%add3A_92] : memref<2560xi32, #tpu.memory_space<vmem>>[vector<16xi32>], vector<16xi32>,
    %swap3A_94 = arith.constant 224 : index
    %swap3A_95 = tpu.vector_load %arg6[%swap3A_94] {strides = array<i32>} : memref<2560xi32, #tpu.memory_space<vmem>>, vector<16xi32>,
    tpu.vector_store %arg6[%swap3A_94], %gather3A_93 {strides = array<i32>} : memref<2560xi32, #tpu.memory_space<vmem>>, vector<16xi32>,
    %add3A_96 = arith.constant 1200 : i32
    %add3A_97 = vector.broadcast %add3A_96 : i32 to vector<16xi32>
    %add3A_98 = arith.addi %mul3A_7, %add3A_97 : vector<16xi32>
    %gather3A_99 = tpu.vector_load_idx %arg5[%add3A_98] : memref<2560xi32, #tpu.memory_space<vmem>>[vector<16xi32>], vector<16xi32>,
    %swap3A_100 = arith.constant 240 : index
    %swap3A_101 = tpu.vector_load %arg6[%swap3A_100] {strides = array<i32>} : memref<2560xi32, #tpu.memory_space<vmem>>, vector<16xi32>,
    tpu.vector_store %arg6[%swap3A_100], %gather3A_99 {strides = array<i32>} : memref<2560xi32, #tpu.memory_space<vmem>>, vector<16xi32>,
    %add3A_102 = arith.constant 1280 : i32
    %add3A_103 = vector.broadcast %add3A_102 : i32 to vector<16xi32>
    %add3A_104 = arith.addi %mul3A_7, %add3A_103 : vector<16xi32>
    %gather3A_105 = tpu.vector_load_idx %arg5[%add3A_104] : memref<2560xi32, #tpu.memory_space<vmem>>[vector<16xi32>], vector<16xi32>,
    %swap3A_106 = arith.constant 256 : index
    %swap3A_107 = tpu.vector_load %arg6[%swap3A_106] {strides = array<i32>} : memref<2560xi32, #tpu.memory_space<vmem>>, vector<16xi32>,
    tpu.vector_store %arg6[%swap3A_106], %gather3A_105 {strides = array<i32>} : memref<2560xi32, #tpu.memory_space<vmem>>, vector<16xi32>,
    %add3A_108 = arith.constant 1360 : i32
    %add3A_109 = vector.broadcast %add3A_108 : i32 to vector<16xi32>
    %add3A_110 = arith.addi %mul3A_7, %add3A_109 : vector<16xi32>
    %gather3A_111 = tpu.vector_load_idx %arg5[%add3A_110] : memref<2560xi32, #tpu.memory_space<vmem>>[vector<16xi32>], vector<16xi32>,
    %swap3A_112 = arith.constant 272 : index
    %swap3A_113 = tpu.vector_load %arg6[%swap3A_112] {strides = array<i32>} : memref<2560xi32, #tpu.memory_space<vmem>>, vector<16xi32>,
    tpu.vector_store %arg6[%swap3A_112], %gather3A_111 {strides = array<i32>} : memref<2560xi32, #tpu.memory_space<vmem>>, vector<16xi32>,
    %add3A_114 = arith.constant 1440 : i32
    %add3A_115 = vector.broadcast %add3A_114 : i32 to vector<16xi32>
    %add3A_116 = arith.addi %mul3A_7, %add3A_115 : vector<16xi32>
    %gather3A_117 = tpu.vector_load_idx %arg5[%add3A_116] : memref<2560xi32, #tpu.memory_space<vmem>>[vector<16xi32>], vector<16xi32>,
    %swap3A_118 = arith.constant 288 : index
    %swap3A_119 = tpu.vector_load %arg6[%swap3A_118] {strides = array<i32>} : memref<2560xi32, #tpu.memory_space<vmem>>, vector<16xi32>,
    tpu.vector_store %arg6[%swap3A_118], %gather3A_117 {strides = array<i32>} : memref<2560xi32, #tpu.memory_space<vmem>>, vector<16xi32>,
    %add3A_120 = arith.constant 1520 : i32
    %add3A_121 = vector.broadcast %add3A_120 : i32 to vector<16xi32>
    %add3A_122 = arith.addi %mul3A_7, %add3A_121 : vector<16xi32>
    %gather3A_123 = tpu.vector_load_idx %arg5[%add3A_122] : memref<2560xi32, #tpu.memory_space<vmem>>[vector<16xi32>], vector<16xi32>,
    %swap3A_124 = arith.constant 304 : index
    %swap3A_125 = tpu.vector_load %arg6[%swap3A_124] {strides = array<i32>} : memref<2560xi32, #tpu.memory_space<vmem>>, vector<16xi32>,
    tpu.vector_store %arg6[%swap3A_124], %gather3A_123 {strides = array<i32>} : memref<2560xi32, #tpu.memory_space<vmem>>, vector<16xi32>,
    %add3A_126 = arith.constant 1600 : i32
    %add3A_127 = vector.broadcast %add3A_126 : i32 to vector<16xi32>
    %add3A_128 = arith.addi %mul3A_7, %add3A_127 : vector<16xi32>
    %gather3A_129 = tpu.vector_load_idx %arg5[%add3A_128] : memref<2560xi32, #tpu.memory_space<vmem>>[vector<16xi32>], vector<16xi32>,
    %swap3A_130 = arith.constant 320 : index
    %swap3A_131 = tpu.vector_load %arg6[%swap3A_130] {strides = array<i32>} : memref<2560xi32, #tpu.memory_space<vmem>>, vector<16xi32>,
    tpu.vector_store %arg6[%swap3A_130], %gather3A_129 {strides = array<i32>} : memref<2560xi32, #tpu.memory_space<vmem>>, vector<16xi32>,
    %add3A_132 = arith.constant 1680 : i32
    %add3A_133 = vector.broadcast %add3A_132 : i32 to vector<16xi32>
    %add3A_134 = arith.addi %mul3A_7, %add3A_133 : vector<16xi32>
    %gather3A_135 = tpu.vector_load_idx %arg5[%add3A_134] : memref<2560xi32, #tpu.memory_space<vmem>>[vector<16xi32>], vector<16xi32>,
    %swap3A_136 = arith.constant 336 : index
    %swap3A_137 = tpu.vector_load %arg6[%swap3A_136] {strides = array<i32>} : memref<2560xi32, #tpu.memory_space<vmem>>, vector<16xi32>,
    tpu.vector_store %arg6[%swap3A_136], %gather3A_135 {strides = array<i32>} : memref<2560xi32, #tpu.memory_space<vmem>>, vector<16xi32>,
    %add3A_138 = arith.constant 1760 : i32
    %add3A_139 = vector.broadcast %add3A_138 : i32 to vector<16xi32>
    %add3A_140 = arith.addi %mul3A_7, %add3A_139 : vector<16xi32>
    %gather3A_141 = tpu.vector_load_idx %arg5[%add3A_140] : memref<2560xi32, #tpu.memory_space<vmem>>[vector<16xi32>], vector<16xi32>,
    %swap3A_142 = arith.constant 352 : index
    %swap3A_143 = tpu.vector_load %arg6[%swap3A_142] {strides = array<i32>} : memref<2560xi32, #tpu.memory_space<vmem>>, vector<16xi32>,
    tpu.vector_store %arg6[%swap3A_142], %gather3A_141 {strides = array<i32>} : memref<2560xi32, #tpu.memory_space<vmem>>, vector<16xi32>,
    %add3A_144 = arith.constant 1840 : i32
    %add3A_145 = vector.broadcast %add3A_144 : i32 to vector<16xi32>
    %add3A_146 = arith.addi %mul3A_7, %add3A_145 : vector<16xi32>
    %gather3A_147 = tpu.vector_load_idx %arg5[%add3A_146] : memref<2560xi32, #tpu.memory_space<vmem>>[vector<16xi32>], vector<16xi32>,
    %swap3A_148 = arith.constant 368 : index
    %swap3A_149 = tpu.vector_load %arg6[%swap3A_148] {strides = array<i32>} : memref<2560xi32, #tpu.memory_space<vmem>>, vector<16xi32>,
    tpu.vector_store %arg6[%swap3A_148], %gather3A_147 {strides = array<i32>} : memref<2560xi32, #tpu.memory_space<vmem>>, vector<16xi32>,
    %add3A_150 = arith.constant 1920 : i32
    %add3A_151 = vector.broadcast %add3A_150 : i32 to vector<16xi32>
    %add3A_152 = arith.addi %mul3A_7, %add3A_151 : vector<16xi32>
    %gather3A_153 = tpu.vector_load_idx %arg5[%add3A_152] : memref<2560xi32, #tpu.memory_space<vmem>>[vector<16xi32>], vector<16xi32>,
    %swap3A_154 = arith.constant 384 : index
    %swap3A_155 = tpu.vector_load %arg6[%swap3A_154] {strides = array<i32>} : memref<2560xi32, #tpu.memory_space<vmem>>, vector<16xi32>,
    tpu.vector_store %arg6[%swap3A_154], %gather3A_153 {strides = array<i32>} : memref<2560xi32, #tpu.memory_space<vmem>>, vector<16xi32>,
    %add3A_156 = arith.constant 2000 : i32
    %add3A_157 = vector.broadcast %add3A_156 : i32 to vector<16xi32>
    %add3A_158 = arith.addi %mul3A_7, %add3A_157 : vector<16xi32>
    %gather3A_159 = tpu.vector_load_idx %arg5[%add3A_158] : memref<2560xi32, #tpu.memory_space<vmem>>[vector<16xi32>], vector<16xi32>,
    %swap3A_160 = arith.constant 400 : index
    %swap3A_161 = tpu.vector_load %arg6[%swap3A_160] {strides = array<i32>} : memref<2560xi32, #tpu.memory_space<vmem>>, vector<16xi32>,
    tpu.vector_store %arg6[%swap3A_160], %gather3A_159 {strides = array<i32>} : memref<2560xi32, #tpu.memory_space<vmem>>, vector<16xi32>,
    %add3A_162 = arith.constant 2080 : i32
    %add3A_163 = vector.broadcast %add3A_162 : i32 to vector<16xi32>
    %add3A_164 = arith.addi %mul3A_7, %add3A_163 : vector<16xi32>
    %gather3A_165 = tpu.vector_load_idx %arg5[%add3A_164] : memref<2560xi32, #tpu.memory_space<vmem>>[vector<16xi32>], vector<16xi32>,
    %swap3A_166 = arith.constant 416 : index
    %swap3A_167 = tpu.vector_load %arg6[%swap3A_166] {strides = array<i32>} : memref<2560xi32, #tpu.memory_space<vmem>>, vector<16xi32>,
    tpu.vector_store %arg6[%swap3A_166], %gather3A_165 {strides = array<i32>} : memref<2560xi32, #tpu.memory_space<vmem>>, vector<16xi32>,
    %add3A_168 = arith.constant 2160 : i32
    %add3A_169 = vector.broadcast %add3A_168 : i32 to vector<16xi32>
    %add3A_170 = arith.addi %mul3A_7, %add3A_169 : vector<16xi32>
    %gather3A_171 = tpu.vector_load_idx %arg5[%add3A_170] : memref<2560xi32, #tpu.memory_space<vmem>>[vector<16xi32>], vector<16xi32>,
    %swap3A_172 = arith.constant 432 : index
    %swap3A_173 = tpu.vector_load %arg6[%swap3A_172] {strides = array<i32>} : memref<2560xi32, #tpu.memory_space<vmem>>, vector<16xi32>,
    tpu.vector_store %arg6[%swap3A_172], %gather3A_171 {strides = array<i32>} : memref<2560xi32, #tpu.memory_space<vmem>>, vector<16xi32>,
    %add3A_174 = arith.constant 2240 : i32
    %add3A_175 = vector.broadcast %add3A_174 : i32 to vector<16xi32>
    %add3A_176 = arith.addi %mul3A_7, %add3A_175 : vector<16xi32>
    %gather3A_177 = tpu.vector_load_idx %arg5[%add3A_176] : memref<2560xi32, #tpu.memory_space<vmem>>[vector<16xi32>], vector<16xi32>,
    %swap3A_178 = arith.constant 448 : index
    %swap3A_179 = tpu.vector_load %arg6[%swap3A_178] {strides = array<i32>} : memref<2560xi32, #tpu.memory_space<vmem>>, vector<16xi32>,
    tpu.vector_store %arg6[%swap3A_178], %gather3A_177 {strides = array<i32>} : memref<2560xi32, #tpu.memory_space<vmem>>, vector<16xi32>,
    %add3A_180 = arith.constant 2320 : i32
    %add3A_181 = vector.broadcast %add3A_180 : i32 to vector<16xi32>
    %add3A_182 = arith.addi %mul3A_7, %add3A_181 : vector<16xi32>
    %gather3A_183 = tpu.vector_load_idx %arg5[%add3A_182] : memref<2560xi32, #tpu.memory_space<vmem>>[vector<16xi32>], vector<16xi32>,
    %swap3A_184 = arith.constant 464 : index
    %swap3A_185 = tpu.vector_load %arg6[%swap3A_184] {strides = array<i32>} : memref<2560xi32, #tpu.memory_space<vmem>>, vector<16xi32>,
    tpu.vector_store %arg6[%swap3A_184], %gather3A_183 {strides = array<i32>} : memref<2560xi32, #tpu.memory_space<vmem>>, vector<16xi32>,
    %add3A_186 = arith.constant 2400 : i32
    %add3A_187 = vector.broadcast %add3A_186 : i32 to vector<16xi32>
    %add3A_188 = arith.addi %mul3A_7, %add3A_187 : vector<16xi32>
    %gather3A_189 = tpu.vector_load_idx %arg5[%add3A_188] : memref<2560xi32, #tpu.memory_space<vmem>>[vector<16xi32>], vector<16xi32>,
    %swap3A_190 = arith.constant 480 : index
    %swap3A_191 = tpu.vector_load %arg6[%swap3A_190] {strides = array<i32>} : memref<2560xi32, #tpu.memory_space<vmem>>, vector<16xi32>,
    tpu.vector_store %arg6[%swap3A_190], %gather3A_189 {strides = array<i32>} : memref<2560xi32, #tpu.memory_space<vmem>>, vector<16xi32>,
    %add3A_192 = arith.constant 2480 : i32
    %add3A_193 = vector.broadcast %add3A_192 : i32 to vector<16xi32>
    %add3A_194 = arith.addi %mul3A_7, %add3A_193 : vector<16xi32>
    %gather3A_195 = tpu.vector_load_idx %arg5[%add3A_194] : memref<2560xi32, #tpu.memory_space<vmem>>[vector<16xi32>], vector<16xi32>,
    %swap3A_196 = arith.constant 496 : index
    %swap3A_197 = tpu.vector_load %arg6[%swap3A_196] {strides = array<i32>} : memref<2560xi32, #tpu.memory_space<vmem>>, vector<16xi32>,
    tpu.vector_store %arg6[%swap3A_196], %gather3A_195 {strides = array<i32>} : memref<2560xi32, #tpu.memory_space<vmem>>, vector<16xi32>,
    %add3A_198 = arith.constant 1 : i32
    %add3A_199 = vector.broadcast %add3A_198 : i32 to vector<16xi32>
    %add3A_200 = arith.addi %mul3A_7, %add3A_199 : vector<16xi32>
    %gather3A_201 = tpu.vector_load_idx %arg5[%add3A_200] : memref<2560xi32, #tpu.memory_space<vmem>>[vector<16xi32>], vector<16xi32>,
    %swap3A_202 = arith.constant 512 : index
    %swap3A_203 = tpu.vector_load %arg6[%swap3A_202] {strides = array<i32>} : memref<2560xi32, #tpu.memory_space<vmem>>, vector<16xi32>,
    tpu.vector_store %arg6[%swap3A_202], %gather3A_201 {strides = array<i32>} : memref<2560xi32, #tpu.memory_space<vmem>>, vector<16xi32>,
    %add3A_204 = arith.constant 81 : i32
    %add3A_205 = vector.broadcast %add3A_204 : i32 to vector<16xi32>
    %add3A_206 = arith.addi %mul3A_7, %add3A_205 : vector<16xi32>
    %gather3A_207 = tpu.vector_load_idx %arg5[%add3A_206] : memref<2560xi32, #tpu.memory_space<vmem>>[vector<16xi32>], vector<16xi32>,
    %swap3A_208 = arith.constant 528 : index
    %swap3A_209 = tpu.vector_load %arg6[%swap3A_208] {strides = array<i32>} : memref<2560xi32, #tpu.memory_space<vmem>>, vector<16xi32>,
    tpu.vector_store %arg6[%swap3A_208], %gather3A_207 {strides = array<i32>} : memref<2560xi32, #tpu.memory_space<vmem>>, vector<16xi32>,
    %add3A_210 = arith.constant 161 : i32
    %add3A_211 = vector.broadcast %add3A_210 : i32 to vector<16xi32>
    %add3A_212 = arith.addi %mul3A_7, %add3A_211 : vector<16xi32>
    %gather3A_213 = tpu.vector_load_idx %arg5[%add3A_212] : memref<2560xi32, #tpu.memory_space<vmem>>[vector<16xi32>], vector<16xi32>,
    %swap3A_214 = arith.constant 544 : index
    %swap3A_215 = tpu.vector_load %arg6[%swap3A_214] {strides = array<i32>} : memref<2560xi32, #tpu.memory_space<vmem>>, vector<16xi32>,
    tpu.vector_store %arg6[%swap3A_214], %gather3A_213 {strides = array<i32>} : memref<2560xi32, #tpu.memory_space<vmem>>, vector<16xi32>,
    %add3A_216 = arith.constant 241 : i32
    %add3A_217 = vector.broadcast %add3A_216 : i32 to vector<16xi32>
    %add3A_218 = arith.addi %mul3A_7, %add3A_217 : vector<16xi32>
    %gather3A_219 = tpu.vector_load_idx %arg5[%add3A_218] : memref<2560xi32, #tpu.memory_space<vmem>>[vector<16xi32>], vector<16xi32>,
    %swap3A_220 = arith.constant 560 : index
    %swap3A_221 = tpu.vector_load %arg6[%swap3A_220] {strides = array<i32>} : memref<2560xi32, #tpu.memory_space<vmem>>, vector<16xi32>,
    tpu.vector_store %arg6[%swap3A_220], %gather3A_219 {strides = array<i32>} : memref<2560xi32, #tpu.memory_space<vmem>>, vector<16xi32>,
    %add3A_222 = arith.constant 321 : i32
    %add3A_223 = vector.broadcast %add3A_222 : i32 to vector<16xi32>
    %add3A_224 = arith.addi %mul3A_7, %add3A_223 : vector<16xi32>
    %gather3A_225 = tpu.vector_load_idx %arg5[%add3A_224] : memref<2560xi32, #tpu.memory_space<vmem>>[vector<16xi32>], vector<16xi32>,
    %swap3A_226 = arith.constant 576 : index
    %swap3A_227 = tpu.vector_load %arg6[%swap3A_226] {strides = array<i32>} : memref<2560xi32, #tpu.memory_space<vmem>>, vector<16xi32>,
    tpu.vector_store %arg6[%swap3A_226], %gather3A_225 {strides = array<i32>} : memref<2560xi32, #tpu.memory_space<vmem>>, vector<16xi32>,
    %add3A_228 = arith.constant 401 : i32
    %add3A_229 = vector.broadcast %add3A_228 : i32 to vector<16xi32>
    %add3A_230 = arith.addi %mul3A_7, %add3A_229 : vector<16xi32>
    %gather3A_231 = tpu.vector_load_idx %arg5[%add3A_230] : memref<2560xi32, #tpu.memory_space<vmem>>[vector<16xi32>], vector<16xi32>,
    %swap3A_232 = arith.constant 592 : index
    %swap3A_233 = tpu.vector_load %arg6[%swap3A_232] {strides = array<i32>} : memref<2560xi32, #tpu.memory_space<vmem>>, vector<16xi32>,
    tpu.vector_store %arg6[%swap3A_232], %gather3A_231 {strides = array<i32>} : memref<2560xi32, #tpu.memory_space<vmem>>, vector<16xi32>,
    %add3A_234 = arith.constant 481 : i32
    %add3A_235 = vector.broadcast %add3A_234 : i32 to vector<16xi32>
    %add3A_236 = arith.addi %mul3A_7, %add3A_235 : vector<16xi32>
    %gather3A_237 = tpu.vector_load_idx %arg5[%add3A_236] : memref<2560xi32, #tpu.memory_space<vmem>>[vector<16xi32>], vector<16xi32>,
    %swap3A_238 = arith.constant 608 : index
    %swap3A_239 = tpu.vector_load %arg6[%swap3A_238] {strides = array<i32>} : memref<2560xi32, #tpu.memory_space<vmem>>, vector<16xi32>,
    tpu.vector_store %arg6[%swap3A_238], %gather3A_237 {strides = array<i32>} : memref<2560xi32, #tpu.memory_space<vmem>>, vector<16xi32>,
    %add3A_240 = arith.constant 561 : i32
    %add3A_241 = vector.broadcast %add3A_240 : i32 to vector<16xi32>
    %add3A_242 = arith.addi %mul3A_7, %add3A_241 : vector<16xi32>
    %gather3A_243 = tpu.vector_load_idx %arg5[%add3A_242] : memref<2560xi32, #tpu.memory_space<vmem>>[vector<16xi32>], vector<16xi32>,
    %swap3A_244 = arith.constant 624 : index
    %swap3A_245 = tpu.vector_load %arg6[%swap3A_244] {strides = array<i32>} : memref<2560xi32, #tpu.memory_space<vmem>>, vector<16xi32>,
    tpu.vector_store %arg6[%swap3A_244], %gather3A_243 {strides = array<i32>} : memref<2560xi32, #tpu.memory_space<vmem>>, vector<16xi32>,
    %add3A_246 = arith.constant 641 : i32
    %add3A_247 = vector.broadcast %add3A_246 : i32 to vector<16xi32>
    %add3A_248 = arith.addi %mul3A_7, %add3A_247 : vector<16xi32>
    %gather3A_249 = tpu.vector_load_idx %arg5[%add3A_248] : memref<2560xi32, #tpu.memory_space<vmem>>[vector<16xi32>], vector<16xi32>,
    %swap3A_250 = arith.constant 640 : index
    %swap3A_251 = tpu.vector_load %arg6[%swap3A_250] {strides = array<i32>} : memref<2560xi32, #tpu.memory_space<vmem>>, vector<16xi32>,
    tpu.vector_store %arg6[%swap3A_250], %gather3A_249 {strides = array<i32>} : memref<2560xi32, #tpu.memory_space<vmem>>, vector<16xi32>,
    %add3A_252 = arith.constant 721 : i32
    %add3A_253 = vector.broadcast %add3A_252 : i32 to vector<16xi32>
    %add3A_254 = arith.addi %mul3A_7, %add3A_253 : vector<16xi32>
    %gather3A_255 = tpu.vector_load_idx %arg5[%add3A_254] : memref<2560xi32, #tpu.memory_space<vmem>>[vector<16xi32>], vector<16xi32>,
    %swap3A_256 = arith.constant 656 : index
    %swap3A_257 = tpu.vector_load %arg6[%swap3A_256] {strides = array<i32>} : memref<2560xi32, #tpu.memory_space<vmem>>, vector<16xi32>,
    tpu.vector_store %arg6[%swap3A_256], %gather3A_255 {strides = array<i32>} : memref<2560xi32, #tpu.memory_space<vmem>>, vector<16xi32>,
    %add3A_258 = arith.constant 801 : i32
    %add3A_259 = vector.broadcast %add3A_258 : i32 to vector<16xi32>
    %add3A_260 = arith.addi %mul3A_7, %add3A_259 : vector<16xi32>
    %gather3A_261 = tpu.vector_load_idx %arg5[%add3A_260] : memref<2560xi32, #tpu.memory_space<vmem>>[vector<16xi32>], vector<16xi32>,
    %swap3A_262 = arith.constant 672 : index
    %swap3A_263 = tpu.vector_load %arg6[%swap3A_262] {strides = array<i32>} : memref<2560xi32, #tpu.memory_space<vmem>>, vector<16xi32>,
    tpu.vector_store %arg6[%swap3A_262], %gather3A_261 {strides = array<i32>} : memref<2560xi32, #tpu.memory_space<vmem>>, vector<16xi32>,
    %add3A_264 = arith.constant 881 : i32
    %add3A_265 = vector.broadcast %add3A_264 : i32 to vector<16xi32>
    %add3A_266 = arith.addi %mul3A_7, %add3A_265 : vector<16xi32>
    %gather3A_267 = tpu.vector_load_idx %arg5[%add3A_266] : memref<2560xi32, #tpu.memory_space<vmem>>[vector<16xi32>], vector<16xi32>,
    %swap3A_268 = arith.constant 688 : index
    %swap3A_269 = tpu.vector_load %arg6[%swap3A_268] {strides = array<i32>} : memref<2560xi32, #tpu.memory_space<vmem>>, vector<16xi32>,
    tpu.vector_store %arg6[%swap3A_268], %gather3A_267 {strides = array<i32>} : memref<2560xi32, #tpu.memory_space<vmem>>, vector<16xi32>,
    %add3A_270 = arith.constant 961 : i32
    %add3A_271 = vector.broadcast %add3A_270 : i32 to vector<16xi32>
    %add3A_272 = arith.addi %mul3A_7, %add3A_271 : vector<16xi32>
    %gather3A_273 = tpu.vector_load_idx %arg5[%add3A_272] : memref<2560xi32, #tpu.memory_space<vmem>>[vector<16xi32>], vector<16xi32>,
    %swap3A_274 = arith.constant 704 : index
    %swap3A_275 = tpu.vector_load %arg6[%swap3A_274] {strides = array<i32>} : memref<2560xi32, #tpu.memory_space<vmem>>, vector<16xi32>,
    tpu.vector_store %arg6[%swap3A_274], %gather3A_273 {strides = array<i32>} : memref<2560xi32, #tpu.memory_space<vmem>>, vector<16xi32>,
    %add3A_276 = arith.constant 1041 : i32
    %add3A_277 = vector.broadcast %add3A_276 : i32 to vector<16xi32>
    %add3A_278 = arith.addi %mul3A_7, %add3A_277 : vector<16xi32>
    %gather3A_279 = tpu.vector_load_idx %arg5[%add3A_278] : memref<2560xi32, #tpu.memory_space<vmem>>[vector<16xi32>], vector<16xi32>,
    %swap3A_280 = arith.constant 720 : index
    %swap3A_281 = tpu.vector_load %arg6[%swap3A_280] {strides = array<i32>} : memref<2560xi32, #tpu.memory_space<vmem>>, vector<16xi32>,
    tpu.vector_store %arg6[%swap3A_280], %gather3A_279 {strides = array<i32>} : memref<2560xi32, #tpu.memory_space<vmem>>, vector<16xi32>,
    %add3A_282 = arith.constant 1121 : i32
    %add3A_283 = vector.broadcast %add3A_282 : i32 to vector<16xi32>
    %add3A_284 = arith.addi %mul3A_7, %add3A_283 : vector<16xi32>
    %gather3A_285 = tpu.vector_load_idx %arg5[%add3A_284] : memref<2560xi32, #tpu.memory_space<vmem>>[vector<16xi32>], vector<16xi32>,
    %swap3A_286 = arith.constant 736 : index
    %swap3A_287 = tpu.vector_load %arg6[%swap3A_286] {strides = array<i32>} : memref<2560xi32, #tpu.memory_space<vmem>>, vector<16xi32>,
    tpu.vector_store %arg6[%swap3A_286], %gather3A_285 {strides = array<i32>} : memref<2560xi32, #tpu.memory_space<vmem>>, vector<16xi32>,
    %add3A_288 = arith.constant 1201 : i32
    %add3A_289 = vector.broadcast %add3A_288 : i32 to vector<16xi32>
    %add3A_290 = arith.addi %mul3A_7, %add3A_289 : vector<16xi32>
    %gather3A_291 = tpu.vector_load_idx %arg5[%add3A_290] : memref<2560xi32, #tpu.memory_space<vmem>>[vector<16xi32>], vector<16xi32>,
    %swap3A_292 = arith.constant 752 : index
    %swap3A_293 = tpu.vector_load %arg6[%swap3A_292] {strides = array<i32>} : memref<2560xi32, #tpu.memory_space<vmem>>, vector<16xi32>,
    tpu.vector_store %arg6[%swap3A_292], %gather3A_291 {strides = array<i32>} : memref<2560xi32, #tpu.memory_space<vmem>>, vector<16xi32>,
    %add3A_294 = arith.constant 1281 : i32
    %add3A_295 = vector.broadcast %add3A_294 : i32 to vector<16xi32>
    %add3A_296 = arith.addi %mul3A_7, %add3A_295 : vector<16xi32>
    %gather3A_297 = tpu.vector_load_idx %arg5[%add3A_296] : memref<2560xi32, #tpu.memory_space<vmem>>[vector<16xi32>], vector<16xi32>,
    %swap3A_298 = arith.constant 768 : index
    %swap3A_299 = tpu.vector_load %arg6[%swap3A_298] {strides = array<i32>} : memref<2560xi32, #tpu.memory_space<vmem>>, vector<16xi32>,
    tpu.vector_store %arg6[%swap3A_298], %gather3A_297 {strides = array<i32>} : memref<2560xi32, #tpu.memory_space<vmem>>, vector<16xi32>,
    %add3A_300 = arith.constant 1361 : i32
    %add3A_301 = vector.broadcast %add3A_300 : i32 to vector<16xi32>
    %add3A_302 = arith.addi %mul3A_7, %add3A_301 : vector<16xi32>
    %gather3A_303 = tpu.vector_load_idx %arg5[%add3A_302] : memref<2560xi32, #tpu.memory_space<vmem>>[vector<16xi32>], vector<16xi32>,
    %swap3A_304 = arith.constant 784 : index
    %swap3A_305 = tpu.vector_load %arg6[%swap3A_304] {strides = array<i32>} : memref<2560xi32, #tpu.memory_space<vmem>>, vector<16xi32>,
    tpu.vector_store %arg6[%swap3A_304], %gather3A_303 {strides = array<i32>} : memref<2560xi32, #tpu.memory_space<vmem>>, vector<16xi32>,
    %add3A_306 = arith.constant 1441 : i32
    %add3A_307 = vector.broadcast %add3A_306 : i32 to vector<16xi32>
    %add3A_308 = arith.addi %mul3A_7, %add3A_307 : vector<16xi32>
    %gather3A_309 = tpu.vector_load_idx %arg5[%add3A_308] : memref<2560xi32, #tpu.memory_space<vmem>>[vector<16xi32>], vector<16xi32>,
    %swap3A_310 = arith.constant 800 : index
    %swap3A_311 = tpu.vector_load %arg6[%swap3A_310] {strides = array<i32>} : memref<2560xi32, #tpu.memory_space<vmem>>, vector<16xi32>,
    tpu.vector_store %arg6[%swap3A_310], %gather3A_309 {strides = array<i32>} : memref<2560xi32, #tpu.memory_space<vmem>>, vector<16xi32>,
    %add3A_312 = arith.constant 1521 : i32
    %add3A_313 = vector.broadcast %add3A_312 : i32 to vector<16xi32>
    %add3A_314 = arith.addi %mul3A_7, %add3A_313 : vector<16xi32>
    %gather3A_315 = tpu.vector_load_idx %arg5[%add3A_314] : memref<2560xi32, #tpu.memory_space<vmem>>[vector<16xi32>], vector<16xi32>,
    %swap3A_316 = arith.constant 816 : index
    %swap3A_317 = tpu.vector_load %arg6[%swap3A_316] {strides = array<i32>} : memref<2560xi32, #tpu.memory_space<vmem>>, vector<16xi32>,
    tpu.vector_store %arg6[%swap3A_316], %gather3A_315 {strides = array<i32>} : memref<2560xi32, #tpu.memory_space<vmem>>, vector<16xi32>,
    %add3A_318 = arith.constant 1601 : i32
    %add3A_319 = vector.broadcast %add3A_318 : i32 to vector<16xi32>
    %add3A_320 = arith.addi %mul3A_7, %add3A_319 : vector<16xi32>
    %gather3A_321 = tpu.vector_load_idx %arg5[%add3A_320] : memref<2560xi32, #tpu.memory_space<vmem>>[vector<16xi32>], vector<16xi32>,
    %swap3A_322 = arith.constant 832 : index
    %swap3A_323 = tpu.vector_load %arg6[%swap3A_322] {strides = array<i32>} : memref<2560xi32, #tpu.memory_space<vmem>>, vector<16xi32>,
    tpu.vector_store %arg6[%swap3A_322], %gather3A_321 {strides = array<i32>} : memref<2560xi32, #tpu.memory_space<vmem>>, vector<16xi32>,
    %add3A_324 = arith.constant 1681 : i32
    %add3A_325 = vector.broadcast %add3A_324 : i32 to vector<16xi32>
    %add3A_326 = arith.addi %mul3A_7, %add3A_325 : vector<16xi32>
    %gather3A_327 = tpu.vector_load_idx %arg5[%add3A_326] : memref<2560xi32, #tpu.memory_space<vmem>>[vector<16xi32>], vector<16xi32>,
    %swap3A_328 = arith.constant 848 : index
    %swap3A_329 = tpu.vector_load %arg6[%swap3A_328] {strides = array<i32>} : memref<2560xi32, #tpu.memory_space<vmem>>, vector<16xi32>,
    tpu.vector_store %arg6[%swap3A_328], %gather3A_327 {strides = array<i32>} : memref<2560xi32, #tpu.memory_space<vmem>>, vector<16xi32>,
    %add3A_330 = arith.constant 1761 : i32
    %add3A_331 = vector.broadcast %add3A_330 : i32 to vector<16xi32>
    %add3A_332 = arith.addi %mul3A_7, %add3A_331 : vector<16xi32>
    %gather3A_333 = tpu.vector_load_idx %arg5[%add3A_332] : memref<2560xi32, #tpu.memory_space<vmem>>[vector<16xi32>], vector<16xi32>,
    %swap3A_334 = arith.constant 864 : index
    %swap3A_335 = tpu.vector_load %arg6[%swap3A_334] {strides = array<i32>} : memref<2560xi32, #tpu.memory_space<vmem>>, vector<16xi32>,
    tpu.vector_store %arg6[%swap3A_334], %gather3A_333 {strides = array<i32>} : memref<2560xi32, #tpu.memory_space<vmem>>, vector<16xi32>,
    %add3A_336 = arith.constant 1841 : i32
    %add3A_337 = vector.broadcast %add3A_336 : i32 to vector<16xi32>
    %add3A_338 = arith.addi %mul3A_7, %add3A_337 : vector<16xi32>
    %gather3A_339 = tpu.vector_load_idx %arg5[%add3A_338] : memref<2560xi32, #tpu.memory_space<vmem>>[vector<16xi32>], vector<16xi32>,
    %swap3A_340 = arith.constant 880 : index
    %swap3A_341 = tpu.vector_load %arg6[%swap3A_340] {strides = array<i32>} : memref<2560xi32, #tpu.memory_space<vmem>>, vector<16xi32>,
    tpu.vector_store %arg6[%swap3A_340], %gather3A_339 {strides = array<i32>} : memref<2560xi32, #tpu.memory_space<vmem>>, vector<16xi32>,
    %add3A_342 = arith.constant 1921 : i32
    %add3A_343 = vector.broadcast %add3A_342 : i32 to vector<16xi32>
    %add3A_344 = arith.addi %mul3A_7, %add3A_343 : vector<16xi32>
    %gather3A_345 = tpu.vector_load_idx %arg5[%add3A_344] : memref<2560xi32, #tpu.memory_space<vmem>>[vector<16xi32>], vector<16xi32>,
    %swap3A_346 = arith.constant 896 : index
    %swap3A_347 = tpu.vector_load %arg6[%swap3A_346] {strides = array<i32>} : memref<2560xi32, #tpu.memory_space<vmem>>, vector<16xi32>,
    tpu.vector_store %arg6[%swap3A_346], %gather3A_345 {strides = array<i32>} : memref<2560xi32, #tpu.memory_space<vmem>>, vector<16xi32>,
    %add3A_348 = arith.constant 2001 : i32
    %add3A_349 = vector.broadcast %add3A_348 : i32 to vector<16xi32>
    %add3A_350 = arith.addi %mul3A_7, %add3A_349 : vector<16xi32>
    %gather3A_351 = tpu.vector_load_idx %arg5[%add3A_350] : memref<2560xi32, #tpu.memory_space<vmem>>[vector<16xi32>], vector<16xi32>,
    %swap3A_352 = arith.constant 912 : index
    %swap3A_353 = tpu.vector_load %arg6[%swap3A_352] {strides = array<i32>} : memref<2560xi32, #tpu.memory_space<vmem>>, vector<16xi32>,
    tpu.vector_store %arg6[%swap3A_352], %gather3A_351 {strides = array<i32>} : memref<2560xi32, #tpu.memory_space<vmem>>, vector<16xi32>,
    %add3A_354 = arith.constant 2081 : i32
    %add3A_355 = vector.broadcast %add3A_354 : i32 to vector<16xi32>
    %add3A_356 = arith.addi %mul3A_7, %add3A_355 : vector<16xi32>
    %gather3A_357 = tpu.vector_load_idx %arg5[%add3A_356] : memref<2560xi32, #tpu.memory_space<vmem>>[vector<16xi32>], vector<16xi32>,
    %swap3A_358 = arith.constant 928 : index
    %swap3A_359 = tpu.vector_load %arg6[%swap3A_358] {strides = array<i32>} : memref<2560xi32, #tpu.memory_space<vmem>>, vector<16xi32>,
    tpu.vector_store %arg6[%swap3A_358], %gather3A_357 {strides = array<i32>} : memref<2560xi32, #tpu.memory_space<vmem>>, vector<16xi32>,
    %add3A_360 = arith.constant 2161 : i32
    %add3A_361 = vector.broadcast %add3A_360 : i32 to vector<16xi32>
    %add3A_362 = arith.addi %mul3A_7, %add3A_361 : vector<16xi32>
    %gather3A_363 = tpu.vector_load_idx %arg5[%add3A_362] : memref<2560xi32, #tpu.memory_space<vmem>>[vector<16xi32>], vector<16xi32>,
    %swap3A_364 = arith.constant 944 : index
    %swap3A_365 = tpu.vector_load %arg6[%swap3A_364] {strides = array<i32>} : memref<2560xi32, #tpu.memory_space<vmem>>, vector<16xi32>,
    tpu.vector_store %arg6[%swap3A_364], %gather3A_363 {strides = array<i32>} : memref<2560xi32, #tpu.memory_space<vmem>>, vector<16xi32>,
    %add3A_366 = arith.constant 2241 : i32
    %add3A_367 = vector.broadcast %add3A_366 : i32 to vector<16xi32>
    %add3A_368 = arith.addi %mul3A_7, %add3A_367 : vector<16xi32>
    %gather3A_369 = tpu.vector_load_idx %arg5[%add3A_368] : memref<2560xi32, #tpu.memory_space<vmem>>[vector<16xi32>], vector<16xi32>,
    %swap3A_370 = arith.constant 960 : index
    %swap3A_371 = tpu.vector_load %arg6[%swap3A_370] {strides = array<i32>} : memref<2560xi32, #tpu.memory_space<vmem>>, vector<16xi32>,
    tpu.vector_store %arg6[%swap3A_370], %gather3A_369 {strides = array<i32>} : memref<2560xi32, #tpu.memory_space<vmem>>, vector<16xi32>,
    %add3A_372 = arith.constant 2321 : i32
    %add3A_373 = vector.broadcast %add3A_372 : i32 to vector<16xi32>
    %add3A_374 = arith.addi %mul3A_7, %add3A_373 : vector<16xi32>
    %gather3A_375 = tpu.vector_load_idx %arg5[%add3A_374] : memref<2560xi32, #tpu.memory_space<vmem>>[vector<16xi32>], vector<16xi32>,
    %swap3A_376 = arith.constant 976 : index
    %swap3A_377 = tpu.vector_load %arg6[%swap3A_376] {strides = array<i32>} : memref<2560xi32, #tpu.memory_space<vmem>>, vector<16xi32>,
    tpu.vector_store %arg6[%swap3A_376], %gather3A_375 {strides = array<i32>} : memref<2560xi32, #tpu.memory_space<vmem>>, vector<16xi32>,
    %add3A_378 = arith.constant 2401 : i32
    %add3A_379 = vector.broadcast %add3A_378 : i32 to vector<16xi32>
    %add3A_380 = arith.addi %mul3A_7, %add3A_379 : vector<16xi32>
    %gather3A_381 = tpu.vector_load_idx %arg5[%add3A_380] : memref<2560xi32, #tpu.memory_space<vmem>>[vector<16xi32>], vector<16xi32>,
    %swap3A_382 = arith.constant 992 : index
    %swap3A_383 = tpu.vector_load %arg6[%swap3A_382] {strides = array<i32>} : memref<2560xi32, #tpu.memory_space<vmem>>, vector<16xi32>,
    tpu.vector_store %arg6[%swap3A_382], %gather3A_381 {strides = array<i32>} : memref<2560xi32, #tpu.memory_space<vmem>>, vector<16xi32>,
    %add3A_384 = arith.constant 2481 : i32
    %add3A_385 = vector.broadcast %add3A_384 : i32 to vector<16xi32>
    %add3A_386 = arith.addi %mul3A_7, %add3A_385 : vector<16xi32>
    %gather3A_387 = tpu.vector_load_idx %arg5[%add3A_386] : memref<2560xi32, #tpu.memory_space<vmem>>[vector<16xi32>], vector<16xi32>,
    %swap3A_388 = arith.constant 1008 : index
    %swap3A_389 = tpu.vector_load %arg6[%swap3A_388] {strides = array<i32>} : memref<2560xi32, #tpu.memory_space<vmem>>, vector<16xi32>,
    tpu.vector_store %arg6[%swap3A_388], %gather3A_387 {strides = array<i32>} : memref<2560xi32, #tpu.memory_space<vmem>>, vector<16xi32>,
    %add3A_390 = arith.constant 2 : i32
    %add3A_391 = vector.broadcast %add3A_390 : i32 to vector<16xi32>
    %add3A_392 = arith.addi %mul3A_7, %add3A_391 : vector<16xi32>
    %gather3A_393 = tpu.vector_load_idx %arg5[%add3A_392] : memref<2560xi32, #tpu.memory_space<vmem>>[vector<16xi32>], vector<16xi32>,
    %swap3A_394 = arith.constant 1024 : index
    %swap3A_395 = tpu.vector_load %arg6[%swap3A_394] {strides = array<i32>} : memref<2560xi32, #tpu.memory_space<vmem>>, vector<16xi32>,
    tpu.vector_store %arg6[%swap3A_394], %gather3A_393 {strides = array<i32>} : memref<2560xi32, #tpu.memory_space<vmem>>, vector<16xi32>,
    %add3A_396 = arith.constant 82 : i32
    %add3A_397 = vector.broadcast %add3A_396 : i32 to vector<16xi32>
    %add3A_398 = arith.addi %mul3A_7, %add3A_397 : vector<16xi32>
    %gather3A_399 = tpu.vector_load_idx %arg5[%add3A_398] : memref<2560xi32, #tpu.memory_space<vmem>>[vector<16xi32>], vector<16xi32>,
    %swap3A_400 = arith.constant 1040 : index
    %swap3A_401 = tpu.vector_load %arg6[%swap3A_400] {strides = array<i32>} : memref<2560xi32, #tpu.memory_space<vmem>>, vector<16xi32>,
    tpu.vector_store %arg6[%swap3A_400], %gather3A_399 {strides = array<i32>} : memref<2560xi32, #tpu.memory_space<vmem>>, vector<16xi32>,
    %add3A_402 = arith.constant 162 : i32
    %add3A_403 = vector.broadcast %add3A_402 : i32 to vector<16xi32>
    %add3A_404 = arith.addi %mul3A_7, %add3A_403 : vector<16xi32>
    %gather3A_405 = tpu.vector_load_idx %arg5[%add3A_404] : memref<2560xi32, #tpu.memory_space<vmem>>[vector<16xi32>], vector<16xi32>,
    %swap3A_406 = arith.constant 1056 : index
    %swap3A_407 = tpu.vector_load %arg6[%swap3A_406] {strides = array<i32>} : memref<2560xi32, #tpu.memory_space<vmem>>, vector<16xi32>,
    tpu.vector_store %arg6[%swap3A_406], %gather3A_405 {strides = array<i32>} : memref<2560xi32, #tpu.memory_space<vmem>>, vector<16xi32>,
    %add3A_408 = arith.constant 242 : i32
    %add3A_409 = vector.broadcast %add3A_408 : i32 to vector<16xi32>
    %add3A_410 = arith.addi %mul3A_7, %add3A_409 : vector<16xi32>
    %gather3A_411 = tpu.vector_load_idx %arg5[%add3A_410] : memref<2560xi32, #tpu.memory_space<vmem>>[vector<16xi32>], vector<16xi32>,
    %swap3A_412 = arith.constant 1072 : index
    %swap3A_413 = tpu.vector_load %arg6[%swap3A_412] {strides = array<i32>} : memref<2560xi32, #tpu.memory_space<vmem>>, vector<16xi32>,
    tpu.vector_store %arg6[%swap3A_412], %gather3A_411 {strides = array<i32>} : memref<2560xi32, #tpu.memory_space<vmem>>, vector<16xi32>,
    %add3A_414 = arith.constant 322 : i32
    %add3A_415 = vector.broadcast %add3A_414 : i32 to vector<16xi32>
    %add3A_416 = arith.addi %mul3A_7, %add3A_415 : vector<16xi32>
    %gather3A_417 = tpu.vector_load_idx %arg5[%add3A_416] : memref<2560xi32, #tpu.memory_space<vmem>>[vector<16xi32>], vector<16xi32>,
    %swap3A_418 = arith.constant 1088 : index
    %swap3A_419 = tpu.vector_load %arg6[%swap3A_418] {strides = array<i32>} : memref<2560xi32, #tpu.memory_space<vmem>>, vector<16xi32>,
    tpu.vector_store %arg6[%swap3A_418], %gather3A_417 {strides = array<i32>} : memref<2560xi32, #tpu.memory_space<vmem>>, vector<16xi32>,
    %add3A_420 = arith.constant 402 : i32
    %add3A_421 = vector.broadcast %add3A_420 : i32 to vector<16xi32>
    %add3A_422 = arith.addi %mul3A_7, %add3A_421 : vector<16xi32>
    %gather3A_423 = tpu.vector_load_idx %arg5[%add3A_422] : memref<2560xi32, #tpu.memory_space<vmem>>[vector<16xi32>], vector<16xi32>,
    %swap3A_424 = arith.constant 1104 : index
    %swap3A_425 = tpu.vector_load %arg6[%swap3A_424] {strides = array<i32>} : memref<2560xi32, #tpu.memory_space<vmem>>, vector<16xi32>,
    tpu.vector_store %arg6[%swap3A_424], %gather3A_423 {strides = array<i32>} : memref<2560xi32, #tpu.memory_space<vmem>>, vector<16xi32>,
    %add3A_426 = arith.constant 482 : i32
    %add3A_427 = vector.broadcast %add3A_426 : i32 to vector<16xi32>
    %add3A_428 = arith.addi %mul3A_7, %add3A_427 : vector<16xi32>
    %gather3A_429 = tpu.vector_load_idx %arg5[%add3A_428] : memref<2560xi32, #tpu.memory_space<vmem>>[vector<16xi32>], vector<16xi32>,
    %swap3A_430 = arith.constant 1120 : index
    %swap3A_431 = tpu.vector_load %arg6[%swap3A_430] {strides = array<i32>} : memref<2560xi32, #tpu.memory_space<vmem>>, vector<16xi32>,
    tpu.vector_store %arg6[%swap3A_430], %gather3A_429 {strides = array<i32>} : memref<2560xi32, #tpu.memory_space<vmem>>, vector<16xi32>,
    %add3A_432 = arith.constant 562 : i32
    %add3A_433 = vector.broadcast %add3A_432 : i32 to vector<16xi32>
    %add3A_434 = arith.addi %mul3A_7, %add3A_433 : vector<16xi32>
    %gather3A_435 = tpu.vector_load_idx %arg5[%add3A_434] : memref<2560xi32, #tpu.memory_space<vmem>>[vector<16xi32>], vector<16xi32>,
    %swap3A_436 = arith.constant 1136 : index
    %swap3A_437 = tpu.vector_load %arg6[%swap3A_436] {strides = array<i32>} : memref<2560xi32, #tpu.memory_space<vmem>>, vector<16xi32>,
    tpu.vector_store %arg6[%swap3A_436], %gather3A_435 {strides = array<i32>} : memref<2560xi32, #tpu.memory_space<vmem>>, vector<16xi32>,
    %add3A_438 = arith.constant 642 : i32
    %add3A_439 = vector.broadcast %add3A_438 : i32 to vector<16xi32>
    %add3A_440 = arith.addi %mul3A_7, %add3A_439 : vector<16xi32>
    %gather3A_441 = tpu.vector_load_idx %arg5[%add3A_440] : memref<2560xi32, #tpu.memory_space<vmem>>[vector<16xi32>], vector<16xi32>,
    %swap3A_442 = arith.constant 1152 : index
    %swap3A_443 = tpu.vector_load %arg6[%swap3A_442] {strides = array<i32>} : memref<2560xi32, #tpu.memory_space<vmem>>, vector<16xi32>,
    tpu.vector_store %arg6[%swap3A_442], %gather3A_441 {strides = array<i32>} : memref<2560xi32, #tpu.memory_space<vmem>>, vector<16xi32>,
    %add3A_444 = arith.constant 722 : i32
    %add3A_445 = vector.broadcast %add3A_444 : i32 to vector<16xi32>
    %add3A_446 = arith.addi %mul3A_7, %add3A_445 : vector<16xi32>
    %gather3A_447 = tpu.vector_load_idx %arg5[%add3A_446] : memref<2560xi32, #tpu.memory_space<vmem>>[vector<16xi32>], vector<16xi32>,
    %swap3A_448 = arith.constant 1168 : index
    %swap3A_449 = tpu.vector_load %arg6[%swap3A_448] {strides = array<i32>} : memref<2560xi32, #tpu.memory_space<vmem>>, vector<16xi32>,
    tpu.vector_store %arg6[%swap3A_448], %gather3A_447 {strides = array<i32>} : memref<2560xi32, #tpu.memory_space<vmem>>, vector<16xi32>,
    %add3A_450 = arith.constant 802 : i32
    %add3A_451 = vector.broadcast %add3A_450 : i32 to vector<16xi32>
    %add3A_452 = arith.addi %mul3A_7, %add3A_451 : vector<16xi32>
    %gather3A_453 = tpu.vector_load_idx %arg5[%add3A_452] : memref<2560xi32, #tpu.memory_space<vmem>>[vector<16xi32>], vector<16xi32>,
    %swap3A_454 = arith.constant 1184 : index
    %swap3A_455 = tpu.vector_load %arg6[%swap3A_454] {strides = array<i32>} : memref<2560xi32, #tpu.memory_space<vmem>>, vector<16xi32>,
    tpu.vector_store %arg6[%swap3A_454], %gather3A_453 {strides = array<i32>} : memref<2560xi32, #tpu.memory_space<vmem>>, vector<16xi32>,
    %add3A_456 = arith.constant 882 : i32
    %add3A_457 = vector.broadcast %add3A_456 : i32 to vector<16xi32>
    %add3A_458 = arith.addi %mul3A_7, %add3A_457 : vector<16xi32>
    %gather3A_459 = tpu.vector_load_idx %arg5[%add3A_458] : memref<2560xi32, #tpu.memory_space<vmem>>[vector<16xi32>], vector<16xi32>,
    %swap3A_460 = arith.constant 1200 : index
    %swap3A_461 = tpu.vector_load %arg6[%swap3A_460] {strides = array<i32>} : memref<2560xi32, #tpu.memory_space<vmem>>, vector<16xi32>,
    tpu.vector_store %arg6[%swap3A_460], %gather3A_459 {strides = array<i32>} : memref<2560xi32, #tpu.memory_space<vmem>>, vector<16xi32>,
    %add3A_462 = arith.constant 962 : i32
    %add3A_463 = vector.broadcast %add3A_462 : i32 to vector<16xi32>
    %add3A_464 = arith.addi %mul3A_7, %add3A_463 : vector<16xi32>
    %gather3A_465 = tpu.vector_load_idx %arg5[%add3A_464] : memref<2560xi32, #tpu.memory_space<vmem>>[vector<16xi32>], vector<16xi32>,
    %swap3A_466 = arith.constant 1216 : index
    %swap3A_467 = tpu.vector_load %arg6[%swap3A_466] {strides = array<i32>} : memref<2560xi32, #tpu.memory_space<vmem>>, vector<16xi32>,
    tpu.vector_store %arg6[%swap3A_466], %gather3A_465 {strides = array<i32>} : memref<2560xi32, #tpu.memory_space<vmem>>, vector<16xi32>,
    %add3A_468 = arith.constant 1042 : i32
    %add3A_469 = vector.broadcast %add3A_468 : i32 to vector<16xi32>
    %add3A_470 = arith.addi %mul3A_7, %add3A_469 : vector<16xi32>
    %gather3A_471 = tpu.vector_load_idx %arg5[%add3A_470] : memref<2560xi32, #tpu.memory_space<vmem>>[vector<16xi32>], vector<16xi32>,
    %swap3A_472 = arith.constant 1232 : index
    %swap3A_473 = tpu.vector_load %arg6[%swap3A_472] {strides = array<i32>} : memref<2560xi32, #tpu.memory_space<vmem>>, vector<16xi32>,
    tpu.vector_store %arg6[%swap3A_472], %gather3A_471 {strides = array<i32>} : memref<2560xi32, #tpu.memory_space<vmem>>, vector<16xi32>,
    %add3A_474 = arith.constant 1122 : i32
    %add3A_475 = vector.broadcast %add3A_474 : i32 to vector<16xi32>
    %add3A_476 = arith.addi %mul3A_7, %add3A_475 : vector<16xi32>
    %gather3A_477 = tpu.vector_load_idx %arg5[%add3A_476] : memref<2560xi32, #tpu.memory_space<vmem>>[vector<16xi32>], vector<16xi32>,
    %swap3A_478 = arith.constant 1248 : index
    %swap3A_479 = tpu.vector_load %arg6[%swap3A_478] {strides = array<i32>} : memref<2560xi32, #tpu.memory_space<vmem>>, vector<16xi32>,
    tpu.vector_store %arg6[%swap3A_478], %gather3A_477 {strides = array<i32>} : memref<2560xi32, #tpu.memory_space<vmem>>, vector<16xi32>,
    %add3A_480 = arith.constant 1202 : i32
    %add3A_481 = vector.broadcast %add3A_480 : i32 to vector<16xi32>
    %add3A_482 = arith.addi %mul3A_7, %add3A_481 : vector<16xi32>
    %gather3A_483 = tpu.vector_load_idx %arg5[%add3A_482] : memref<2560xi32, #tpu.memory_space<vmem>>[vector<16xi32>], vector<16xi32>,
    %swap3A_484 = arith.constant 1264 : index
    %swap3A_485 = tpu.vector_load %arg6[%swap3A_484] {strides = array<i32>} : memref<2560xi32, #tpu.memory_space<vmem>>, vector<16xi32>,
    tpu.vector_store %arg6[%swap3A_484], %gather3A_483 {strides = array<i32>} : memref<2560xi32, #tpu.memory_space<vmem>>, vector<16xi32>,
    %add3A_486 = arith.constant 1282 : i32
    %add3A_487 = vector.broadcast %add3A_486 : i32 to vector<16xi32>
    %add3A_488 = arith.addi %mul3A_7, %add3A_487 : vector<16xi32>
    %gather3A_489 = tpu.vector_load_idx %arg5[%add3A_488] : memref<2560xi32, #tpu.memory_space<vmem>>[vector<16xi32>], vector<16xi32>,
    %swap3A_490 = arith.constant 1280 : index
    %swap3A_491 = tpu.vector_load %arg6[%swap3A_490] {strides = array<i32>} : memref<2560xi32, #tpu.memory_space<vmem>>, vector<16xi32>,
    tpu.vector_store %arg6[%swap3A_490], %gather3A_489 {strides = array<i32>} : memref<2560xi32, #tpu.memory_space<vmem>>, vector<16xi32>,
    %add3A_492 = arith.constant 1362 : i32
    %add3A_493 = vector.broadcast %add3A_492 : i32 to vector<16xi32>
    %add3A_494 = arith.addi %mul3A_7, %add3A_493 : vector<16xi32>
    %gather3A_495 = tpu.vector_load_idx %arg5[%add3A_494] : memref<2560xi32, #tpu.memory_space<vmem>>[vector<16xi32>], vector<16xi32>,
    %swap3A_496 = arith.constant 1296 : index
    %swap3A_497 = tpu.vector_load %arg6[%swap3A_496] {strides = array<i32>} : memref<2560xi32, #tpu.memory_space<vmem>>, vector<16xi32>,
    tpu.vector_store %arg6[%swap3A_496], %gather3A_495 {strides = array<i32>} : memref<2560xi32, #tpu.memory_space<vmem>>, vector<16xi32>,
    %add3A_498 = arith.constant 1442 : i32
    %add3A_499 = vector.broadcast %add3A_498 : i32 to vector<16xi32>
    %add3A_500 = arith.addi %mul3A_7, %add3A_499 : vector<16xi32>
    %gather3A_501 = tpu.vector_load_idx %arg5[%add3A_500] : memref<2560xi32, #tpu.memory_space<vmem>>[vector<16xi32>], vector<16xi32>,
    %swap3A_502 = arith.constant 1312 : index
    %swap3A_503 = tpu.vector_load %arg6[%swap3A_502] {strides = array<i32>} : memref<2560xi32, #tpu.memory_space<vmem>>, vector<16xi32>,
    tpu.vector_store %arg6[%swap3A_502], %gather3A_501 {strides = array<i32>} : memref<2560xi32, #tpu.memory_space<vmem>>, vector<16xi32>,
    %add3A_504 = arith.constant 1522 : i32
    %add3A_505 = vector.broadcast %add3A_504 : i32 to vector<16xi32>
    %add3A_506 = arith.addi %mul3A_7, %add3A_505 : vector<16xi32>
    %gather3A_507 = tpu.vector_load_idx %arg5[%add3A_506] : memref<2560xi32, #tpu.memory_space<vmem>>[vector<16xi32>], vector<16xi32>,
    %swap3A_508 = arith.constant 1328 : index
    %swap3A_509 = tpu.vector_load %arg6[%swap3A_508] {strides = array<i32>} : memref<2560xi32, #tpu.memory_space<vmem>>, vector<16xi32>,
    tpu.vector_store %arg6[%swap3A_508], %gather3A_507 {strides = array<i32>} : memref<2560xi32, #tpu.memory_space<vmem>>, vector<16xi32>,
    %add3A_510 = arith.constant 1602 : i32
    %add3A_511 = vector.broadcast %add3A_510 : i32 to vector<16xi32>
    %add3A_512 = arith.addi %mul3A_7, %add3A_511 : vector<16xi32>
    %gather3A_513 = tpu.vector_load_idx %arg5[%add3A_512] : memref<2560xi32, #tpu.memory_space<vmem>>[vector<16xi32>], vector<16xi32>,
    %swap3A_514 = arith.constant 1344 : index
    %swap3A_515 = tpu.vector_load %arg6[%swap3A_514] {strides = array<i32>} : memref<2560xi32, #tpu.memory_space<vmem>>, vector<16xi32>,
    tpu.vector_store %arg6[%swap3A_514], %gather3A_513 {strides = array<i32>} : memref<2560xi32, #tpu.memory_space<vmem>>, vector<16xi32>,
    %add3A_516 = arith.constant 1682 : i32
    %add3A_517 = vector.broadcast %add3A_516 : i32 to vector<16xi32>
    %add3A_518 = arith.addi %mul3A_7, %add3A_517 : vector<16xi32>
    %gather3A_519 = tpu.vector_load_idx %arg5[%add3A_518] : memref<2560xi32, #tpu.memory_space<vmem>>[vector<16xi32>], vector<16xi32>,
    %swap3A_520 = arith.constant 1360 : index
    %swap3A_521 = tpu.vector_load %arg6[%swap3A_520] {strides = array<i32>} : memref<2560xi32, #tpu.memory_space<vmem>>, vector<16xi32>,
    tpu.vector_store %arg6[%swap3A_520], %gather3A_519 {strides = array<i32>} : memref<2560xi32, #tpu.memory_space<vmem>>, vector<16xi32>,
    %add3A_522 = arith.constant 1762 : i32
    %add3A_523 = vector.broadcast %add3A_522 : i32 to vector<16xi32>
    %add3A_524 = arith.addi %mul3A_7, %add3A_523 : vector<16xi32>
    %gather3A_525 = tpu.vector_load_idx %arg5[%add3A_524] : memref<2560xi32, #tpu.memory_space<vmem>>[vector<16xi32>], vector<16xi32>,
    %swap3A_526 = arith.constant 1376 : index
    %swap3A_527 = tpu.vector_load %arg6[%swap3A_526] {strides = array<i32>} : memref<2560xi32, #tpu.memory_space<vmem>>, vector<16xi32>,
    tpu.vector_store %arg6[%swap3A_526], %gather3A_525 {strides = array<i32>} : memref<2560xi32, #tpu.memory_space<vmem>>, vector<16xi32>,
    %add3A_528 = arith.constant 1842 : i32
    %add3A_529 = vector.broadcast %add3A_528 : i32 to vector<16xi32>
    %add3A_530 = arith.addi %mul3A_7, %add3A_529 : vector<16xi32>
    %gather3A_531 = tpu.vector_load_idx %arg5[%add3A_530] : memref<2560xi32, #tpu.memory_space<vmem>>[vector<16xi32>], vector<16xi32>,
    %swap3A_532 = arith.constant 1392 : index
    %swap3A_533 = tpu.vector_load %arg6[%swap3A_532] {strides = array<i32>} : memref<2560xi32, #tpu.memory_space<vmem>>, vector<16xi32>,
    tpu.vector_store %arg6[%swap3A_532], %gather3A_531 {strides = array<i32>} : memref<2560xi32, #tpu.memory_space<vmem>>, vector<16xi32>,
    %add3A_534 = arith.constant 1922 : i32
    %add3A_535 = vector.broadcast %add3A_534 : i32 to vector<16xi32>
    %add3A_536 = arith.addi %mul3A_7, %add3A_535 : vector<16xi32>
    %gather3A_537 = tpu.vector_load_idx %arg5[%add3A_536] : memref<2560xi32, #tpu.memory_space<vmem>>[vector<16xi32>], vector<16xi32>,
    %swap3A_538 = arith.constant 1408 : index
    %swap3A_539 = tpu.vector_load %arg6[%swap3A_538] {strides = array<i32>} : memref<2560xi32, #tpu.memory_space<vmem>>, vector<16xi32>,
    tpu.vector_store %arg6[%swap3A_538], %gather3A_537 {strides = array<i32>} : memref<2560xi32, #tpu.memory_space<vmem>>, vector<16xi32>,
    %add3A_540 = arith.constant 2002 : i32
    %add3A_541 = vector.broadcast %add3A_540 : i32 to vector<16xi32>
    %add3A_542 = arith.addi %mul3A_7, %add3A_541 : vector<16xi32>
    %gather3A_543 = tpu.vector_load_idx %arg5[%add3A_542] : memref<2560xi32, #tpu.memory_space<vmem>>[vector<16xi32>], vector<16xi32>,
    %swap3A_544 = arith.constant 1424 : index
    %swap3A_545 = tpu.vector_load %arg6[%swap3A_544] {strides = array<i32>} : memref<2560xi32, #tpu.memory_space<vmem>>, vector<16xi32>,
    tpu.vector_store %arg6[%swap3A_544], %gather3A_543 {strides = array<i32>} : memref<2560xi32, #tpu.memory_space<vmem>>, vector<16xi32>,
    %add3A_546 = arith.constant 2082 : i32
    %add3A_547 = vector.broadcast %add3A_546 : i32 to vector<16xi32>
    %add3A_548 = arith.addi %mul3A_7, %add3A_547 : vector<16xi32>
    %gather3A_549 = tpu.vector_load_idx %arg5[%add3A_548] : memref<2560xi32, #tpu.memory_space<vmem>>[vector<16xi32>], vector<16xi32>,
    %swap3A_550 = arith.constant 1440 : index
    %swap3A_551 = tpu.vector_load %arg6[%swap3A_550] {strides = array<i32>} : memref<2560xi32, #tpu.memory_space<vmem>>, vector<16xi32>,
    tpu.vector_store %arg6[%swap3A_550], %gather3A_549 {strides = array<i32>} : memref<2560xi32, #tpu.memory_space<vmem>>, vector<16xi32>,
    %add3A_552 = arith.constant 2162 : i32
    %add3A_553 = vector.broadcast %add3A_552 : i32 to vector<16xi32>
    %add3A_554 = arith.addi %mul3A_7, %add3A_553 : vector<16xi32>
    %gather3A_555 = tpu.vector_load_idx %arg5[%add3A_554] : memref<2560xi32, #tpu.memory_space<vmem>>[vector<16xi32>], vector<16xi32>,
    %swap3A_556 = arith.constant 1456 : index
    %swap3A_557 = tpu.vector_load %arg6[%swap3A_556] {strides = array<i32>} : memref<2560xi32, #tpu.memory_space<vmem>>, vector<16xi32>,
    tpu.vector_store %arg6[%swap3A_556], %gather3A_555 {strides = array<i32>} : memref<2560xi32, #tpu.memory_space<vmem>>, vector<16xi32>,
    %add3A_558 = arith.constant 2242 : i32
    %add3A_559 = vector.broadcast %add3A_558 : i32 to vector<16xi32>
    %add3A_560 = arith.addi %mul3A_7, %add3A_559 : vector<16xi32>
    %gather3A_561 = tpu.vector_load_idx %arg5[%add3A_560] : memref<2560xi32, #tpu.memory_space<vmem>>[vector<16xi32>], vector<16xi32>,
    %swap3A_562 = arith.constant 1472 : index
    %swap3A_563 = tpu.vector_load %arg6[%swap3A_562] {strides = array<i32>} : memref<2560xi32, #tpu.memory_space<vmem>>, vector<16xi32>,
    tpu.vector_store %arg6[%swap3A_562], %gather3A_561 {strides = array<i32>} : memref<2560xi32, #tpu.memory_space<vmem>>, vector<16xi32>,
    %add3A_564 = arith.constant 2322 : i32
    %add3A_565 = vector.broadcast %add3A_564 : i32 to vector<16xi32>
    %add3A_566 = arith.addi %mul3A_7, %add3A_565 : vector<16xi32>
    %gather3A_567 = tpu.vector_load_idx %arg5[%add3A_566] : memref<2560xi32, #tpu.memory_space<vmem>>[vector<16xi32>], vector<16xi32>,
    %swap3A_568 = arith.constant 1488 : index
    %swap3A_569 = tpu.vector_load %arg6[%swap3A_568] {strides = array<i32>} : memref<2560xi32, #tpu.memory_space<vmem>>, vector<16xi32>,
    tpu.vector_store %arg6[%swap3A_568], %gather3A_567 {strides = array<i32>} : memref<2560xi32, #tpu.memory_space<vmem>>, vector<16xi32>,
    %add3A_570 = arith.constant 2402 : i32
    %add3A_571 = vector.broadcast %add3A_570 : i32 to vector<16xi32>
    %add3A_572 = arith.addi %mul3A_7, %add3A_571 : vector<16xi32>
    %gather3A_573 = tpu.vector_load_idx %arg5[%add3A_572] : memref<2560xi32, #tpu.memory_space<vmem>>[vector<16xi32>], vector<16xi32>,
    %swap3A_574 = arith.constant 1504 : index
    %swap3A_575 = tpu.vector_load %arg6[%swap3A_574] {strides = array<i32>} : memref<2560xi32, #tpu.memory_space<vmem>>, vector<16xi32>,
    tpu.vector_store %arg6[%swap3A_574], %gather3A_573 {strides = array<i32>} : memref<2560xi32, #tpu.memory_space<vmem>>, vector<16xi32>,
    %add3A_576 = arith.constant 2482 : i32
    %add3A_577 = vector.broadcast %add3A_576 : i32 to vector<16xi32>
    %add3A_578 = arith.addi %mul3A_7, %add3A_577 : vector<16xi32>
    %gather3A_579 = tpu.vector_load_idx %arg5[%add3A_578] : memref<2560xi32, #tpu.memory_space<vmem>>[vector<16xi32>], vector<16xi32>,
    %swap3A_580 = arith.constant 1520 : index
    %swap3A_581 = tpu.vector_load %arg6[%swap3A_580] {strides = array<i32>} : memref<2560xi32, #tpu.memory_space<vmem>>, vector<16xi32>,
    tpu.vector_store %arg6[%swap3A_580], %gather3A_579 {strides = array<i32>} : memref<2560xi32, #tpu.memory_space<vmem>>, vector<16xi32>,
    %add3A_582 = arith.constant 3 : i32
    %add3A_583 = vector.broadcast %add3A_582 : i32 to vector<16xi32>
    %add3A_584 = arith.addi %mul3A_7, %add3A_583 : vector<16xi32>
    %gather3A_585 = tpu.vector_load_idx %arg5[%add3A_584] : memref<2560xi32, #tpu.memory_space<vmem>>[vector<16xi32>], vector<16xi32>,
    %swap3A_586 = arith.constant 1536 : index
    %swap3A_587 = tpu.vector_load %arg6[%swap3A_586] {strides = array<i32>} : memref<2560xi32, #tpu.memory_space<vmem>>, vector<16xi32>,
    tpu.vector_store %arg6[%swap3A_586], %gather3A_585 {strides = array<i32>} : memref<2560xi32, #tpu.memory_space<vmem>>, vector<16xi32>,
    %add3A_588 = arith.constant 83 : i32
    %add3A_589 = vector.broadcast %add3A_588 : i32 to vector<16xi32>
    %add3A_590 = arith.addi %mul3A_7, %add3A_589 : vector<16xi32>
    %gather3A_591 = tpu.vector_load_idx %arg5[%add3A_590] : memref<2560xi32, #tpu.memory_space<vmem>>[vector<16xi32>], vector<16xi32>,
    %swap3A_592 = arith.constant 1552 : index
    %swap3A_593 = tpu.vector_load %arg6[%swap3A_592] {strides = array<i32>} : memref<2560xi32, #tpu.memory_space<vmem>>, vector<16xi32>,
    tpu.vector_store %arg6[%swap3A_592], %gather3A_591 {strides = array<i32>} : memref<2560xi32, #tpu.memory_space<vmem>>, vector<16xi32>,
    %add3A_594 = arith.constant 163 : i32
    %add3A_595 = vector.broadcast %add3A_594 : i32 to vector<16xi32>
    %add3A_596 = arith.addi %mul3A_7, %add3A_595 : vector<16xi32>
    %gather3A_597 = tpu.vector_load_idx %arg5[%add3A_596] : memref<2560xi32, #tpu.memory_space<vmem>>[vector<16xi32>], vector<16xi32>,
    %swap3A_598 = arith.constant 1568 : index
    %swap3A_599 = tpu.vector_load %arg6[%swap3A_598] {strides = array<i32>} : memref<2560xi32, #tpu.memory_space<vmem>>, vector<16xi32>,
    tpu.vector_store %arg6[%swap3A_598], %gather3A_597 {strides = array<i32>} : memref<2560xi32, #tpu.memory_space<vmem>>, vector<16xi32>,
    %add3A_600 = arith.constant 243 : i32
    %add3A_601 = vector.broadcast %add3A_600 : i32 to vector<16xi32>
    %add3A_602 = arith.addi %mul3A_7, %add3A_601 : vector<16xi32>
    %gather3A_603 = tpu.vector_load_idx %arg5[%add3A_602] : memref<2560xi32, #tpu.memory_space<vmem>>[vector<16xi32>], vector<16xi32>,
    %swap3A_604 = arith.constant 1584 : index
    %swap3A_605 = tpu.vector_load %arg6[%swap3A_604] {strides = array<i32>} : memref<2560xi32, #tpu.memory_space<vmem>>, vector<16xi32>,
    tpu.vector_store %arg6[%swap3A_604], %gather3A_603 {strides = array<i32>} : memref<2560xi32, #tpu.memory_space<vmem>>, vector<16xi32>,
    %add3A_606 = arith.constant 323 : i32
    %add3A_607 = vector.broadcast %add3A_606 : i32 to vector<16xi32>
    %add3A_608 = arith.addi %mul3A_7, %add3A_607 : vector<16xi32>
    %gather3A_609 = tpu.vector_load_idx %arg5[%add3A_608] : memref<2560xi32, #tpu.memory_space<vmem>>[vector<16xi32>], vector<16xi32>,
    %swap3A_610 = arith.constant 1600 : index
    %swap3A_611 = tpu.vector_load %arg6[%swap3A_610] {strides = array<i32>} : memref<2560xi32, #tpu.memory_space<vmem>>, vector<16xi32>,
    tpu.vector_store %arg6[%swap3A_610], %gather3A_609 {strides = array<i32>} : memref<2560xi32, #tpu.memory_space<vmem>>, vector<16xi32>,
    %add3A_612 = arith.constant 403 : i32
    %add3A_613 = vector.broadcast %add3A_612 : i32 to vector<16xi32>
    %add3A_614 = arith.addi %mul3A_7, %add3A_613 : vector<16xi32>
    %gather3A_615 = tpu.vector_load_idx %arg5[%add3A_614] : memref<2560xi32, #tpu.memory_space<vmem>>[vector<16xi32>], vector<16xi32>,
    %swap3A_616 = arith.constant 1616 : index
    %swap3A_617 = tpu.vector_load %arg6[%swap3A_616] {strides = array<i32>} : memref<2560xi32, #tpu.memory_space<vmem>>, vector<16xi32>,
    tpu.vector_store %arg6[%swap3A_616], %gather3A_615 {strides = array<i32>} : memref<2560xi32, #tpu.memory_space<vmem>>, vector<16xi32>,
    %add3A_618 = arith.constant 483 : i32
    %add3A_619 = vector.broadcast %add3A_618 : i32 to vector<16xi32>
    %add3A_620 = arith.addi %mul3A_7, %add3A_619 : vector<16xi32>
    %gather3A_621 = tpu.vector_load_idx %arg5[%add3A_620] : memref<2560xi32, #tpu.memory_space<vmem>>[vector<16xi32>], vector<16xi32>,
    %swap3A_622 = arith.constant 1632 : index
    %swap3A_623 = tpu.vector_load %arg6[%swap3A_622] {strides = array<i32>} : memref<2560xi32, #tpu.memory_space<vmem>>, vector<16xi32>,
    tpu.vector_store %arg6[%swap3A_622], %gather3A_621 {strides = array<i32>} : memref<2560xi32, #tpu.memory_space<vmem>>, vector<16xi32>,
    %add3A_624 = arith.constant 563 : i32
    %add3A_625 = vector.broadcast %add3A_624 : i32 to vector<16xi32>
    %add3A_626 = arith.addi %mul3A_7, %add3A_625 : vector<16xi32>
    %gather3A_627 = tpu.vector_load_idx %arg5[%add3A_626] : memref<2560xi32, #tpu.memory_space<vmem>>[vector<16xi32>], vector<16xi32>,
    %swap3A_628 = arith.constant 1648 : index
    %swap3A_629 = tpu.vector_load %arg6[%swap3A_628] {strides = array<i32>} : memref<2560xi32, #tpu.memory_space<vmem>>, vector<16xi32>,
    tpu.vector_store %arg6[%swap3A_628], %gather3A_627 {strides = array<i32>} : memref<2560xi32, #tpu.memory_space<vmem>>, vector<16xi32>,
    %add3A_630 = arith.constant 643 : i32
    %add3A_631 = vector.broadcast %add3A_630 : i32 to vector<16xi32>
    %add3A_632 = arith.addi %mul3A_7, %add3A_631 : vector<16xi32>
    %gather3A_633 = tpu.vector_load_idx %arg5[%add3A_632] : memref<2560xi32, #tpu.memory_space<vmem>>[vector<16xi32>], vector<16xi32>,
    %swap3A_634 = arith.constant 1664 : index
    %swap3A_635 = tpu.vector_load %arg6[%swap3A_634] {strides = array<i32>} : memref<2560xi32, #tpu.memory_space<vmem>>, vector<16xi32>,
    tpu.vector_store %arg6[%swap3A_634], %gather3A_633 {strides = array<i32>} : memref<2560xi32, #tpu.memory_space<vmem>>, vector<16xi32>,
    %add3A_636 = arith.constant 723 : i32
    %add3A_637 = vector.broadcast %add3A_636 : i32 to vector<16xi32>
    %add3A_638 = arith.addi %mul3A_7, %add3A_637 : vector<16xi32>
    %gather3A_639 = tpu.vector_load_idx %arg5[%add3A_638] : memref<2560xi32, #tpu.memory_space<vmem>>[vector<16xi32>], vector<16xi32>,
    %swap3A_640 = arith.constant 1680 : index
    %swap3A_641 = tpu.vector_load %arg6[%swap3A_640] {strides = array<i32>} : memref<2560xi32, #tpu.memory_space<vmem>>, vector<16xi32>,
    tpu.vector_store %arg6[%swap3A_640], %gather3A_639 {strides = array<i32>} : memref<2560xi32, #tpu.memory_space<vmem>>, vector<16xi32>,
    %add3A_642 = arith.constant 803 : i32
    %add3A_643 = vector.broadcast %add3A_642 : i32 to vector<16xi32>
    %add3A_644 = arith.addi %mul3A_7, %add3A_643 : vector<16xi32>
    %gather3A_645 = tpu.vector_load_idx %arg5[%add3A_644] : memref<2560xi32, #tpu.memory_space<vmem>>[vector<16xi32>], vector<16xi32>,
    %swap3A_646 = arith.constant 1696 : index
    %swap3A_647 = tpu.vector_load %arg6[%swap3A_646] {strides = array<i32>} : memref<2560xi32, #tpu.memory_space<vmem>>, vector<16xi32>,
    tpu.vector_store %arg6[%swap3A_646], %gather3A_645 {strides = array<i32>} : memref<2560xi32, #tpu.memory_space<vmem>>, vector<16xi32>,
    %add3A_648 = arith.constant 883 : i32
    %add3A_649 = vector.broadcast %add3A_648 : i32 to vector<16xi32>
    %add3A_650 = arith.addi %mul3A_7, %add3A_649 : vector<16xi32>
    %gather3A_651 = tpu.vector_load_idx %arg5[%add3A_650] : memref<2560xi32, #tpu.memory_space<vmem>>[vector<16xi32>], vector<16xi32>,
    %swap3A_652 = arith.constant 1712 : index
    %swap3A_653 = tpu.vector_load %arg6[%swap3A_652] {strides = array<i32>} : memref<2560xi32, #tpu.memory_space<vmem>>, vector<16xi32>,
    tpu.vector_store %arg6[%swap3A_652], %gather3A_651 {strides = array<i32>} : memref<2560xi32, #tpu.memory_space<vmem>>, vector<16xi32>,
    %add3A_654 = arith.constant 963 : i32
    %add3A_655 = vector.broadcast %add3A_654 : i32 to vector<16xi32>
    %add3A_656 = arith.addi %mul3A_7, %add3A_655 : vector<16xi32>
    %gather3A_657 = tpu.vector_load_idx %arg5[%add3A_656] : memref<2560xi32, #tpu.memory_space<vmem>>[vector<16xi32>], vector<16xi32>,
    %swap3A_658 = arith.constant 1728 : index
    %swap3A_659 = tpu.vector_load %arg6[%swap3A_658] {strides = array<i32>} : memref<2560xi32, #tpu.memory_space<vmem>>, vector<16xi32>,
    tpu.vector_store %arg6[%swap3A_658], %gather3A_657 {strides = array<i32>} : memref<2560xi32, #tpu.memory_space<vmem>>, vector<16xi32>,
    %add3A_660 = arith.constant 1043 : i32
    %add3A_661 = vector.broadcast %add3A_660 : i32 to vector<16xi32>
    %add3A_662 = arith.addi %mul3A_7, %add3A_661 : vector<16xi32>
    %gather3A_663 = tpu.vector_load_idx %arg5[%add3A_662] : memref<2560xi32, #tpu.memory_space<vmem>>[vector<16xi32>], vector<16xi32>,
    %swap3A_664 = arith.constant 1744 : index
    %swap3A_665 = tpu.vector_load %arg6[%swap3A_664] {strides = array<i32>} : memref<2560xi32, #tpu.memory_space<vmem>>, vector<16xi32>,
    tpu.vector_store %arg6[%swap3A_664], %gather3A_663 {strides = array<i32>} : memref<2560xi32, #tpu.memory_space<vmem>>, vector<16xi32>,
    %add3A_666 = arith.constant 1123 : i32
    %add3A_667 = vector.broadcast %add3A_666 : i32 to vector<16xi32>
    %add3A_668 = arith.addi %mul3A_7, %add3A_667 : vector<16xi32>
    %gather3A_669 = tpu.vector_load_idx %arg5[%add3A_668] : memref<2560xi32, #tpu.memory_space<vmem>>[vector<16xi32>], vector<16xi32>,
    %swap3A_670 = arith.constant 1760 : index
    %swap3A_671 = tpu.vector_load %arg6[%swap3A_670] {strides = array<i32>} : memref<2560xi32, #tpu.memory_space<vmem>>, vector<16xi32>,
    tpu.vector_store %arg6[%swap3A_670], %gather3A_669 {strides = array<i32>} : memref<2560xi32, #tpu.memory_space<vmem>>, vector<16xi32>,
    %add3A_672 = arith.constant 1203 : i32
    %add3A_673 = vector.broadcast %add3A_672 : i32 to vector<16xi32>
    %add3A_674 = arith.addi %mul3A_7, %add3A_673 : vector<16xi32>
    %gather3A_675 = tpu.vector_load_idx %arg5[%add3A_674] : memref<2560xi32, #tpu.memory_space<vmem>>[vector<16xi32>], vector<16xi32>,
    %swap3A_676 = arith.constant 1776 : index
    %swap3A_677 = tpu.vector_load %arg6[%swap3A_676] {strides = array<i32>} : memref<2560xi32, #tpu.memory_space<vmem>>, vector<16xi32>,
    tpu.vector_store %arg6[%swap3A_676], %gather3A_675 {strides = array<i32>} : memref<2560xi32, #tpu.memory_space<vmem>>, vector<16xi32>,
    %add3A_678 = arith.constant 1283 : i32
    %add3A_679 = vector.broadcast %add3A_678 : i32 to vector<16xi32>
    %add3A_680 = arith.addi %mul3A_7, %add3A_679 : vector<16xi32>
    %gather3A_681 = tpu.vector_load_idx %arg5[%add3A_680] : memref<2560xi32, #tpu.memory_space<vmem>>[vector<16xi32>], vector<16xi32>,
    %swap3A_682 = arith.constant 1792 : index
    %swap3A_683 = tpu.vector_load %arg6[%swap3A_682] {strides = array<i32>} : memref<2560xi32, #tpu.memory_space<vmem>>, vector<16xi32>,
    tpu.vector_store %arg6[%swap3A_682], %gather3A_681 {strides = array<i32>} : memref<2560xi32, #tpu.memory_space<vmem>>, vector<16xi32>,
    %add3A_684 = arith.constant 1363 : i32
    %add3A_685 = vector.broadcast %add3A_684 : i32 to vector<16xi32>
    %add3A_686 = arith.addi %mul3A_7, %add3A_685 : vector<16xi32>
    %gather3A_687 = tpu.vector_load_idx %arg5[%add3A_686] : memref<2560xi32, #tpu.memory_space<vmem>>[vector<16xi32>], vector<16xi32>,
    %swap3A_688 = arith.constant 1808 : index
    %swap3A_689 = tpu.vector_load %arg6[%swap3A_688] {strides = array<i32>} : memref<2560xi32, #tpu.memory_space<vmem>>, vector<16xi32>,
    tpu.vector_store %arg6[%swap3A_688], %gather3A_687 {strides = array<i32>} : memref<2560xi32, #tpu.memory_space<vmem>>, vector<16xi32>,
    %add3A_690 = arith.constant 1443 : i32
    %add3A_691 = vector.broadcast %add3A_690 : i32 to vector<16xi32>
    %add3A_692 = arith.addi %mul3A_7, %add3A_691 : vector<16xi32>
    %gather3A_693 = tpu.vector_load_idx %arg5[%add3A_692] : memref<2560xi32, #tpu.memory_space<vmem>>[vector<16xi32>], vector<16xi32>,
    %swap3A_694 = arith.constant 1824 : index
    %swap3A_695 = tpu.vector_load %arg6[%swap3A_694] {strides = array<i32>} : memref<2560xi32, #tpu.memory_space<vmem>>, vector<16xi32>,
    tpu.vector_store %arg6[%swap3A_694], %gather3A_693 {strides = array<i32>} : memref<2560xi32, #tpu.memory_space<vmem>>, vector<16xi32>,
    %add3A_696 = arith.constant 1523 : i32
    %add3A_697 = vector.broadcast %add3A_696 : i32 to vector<16xi32>
    %add3A_698 = arith.addi %mul3A_7, %add3A_697 : vector<16xi32>
    %gather3A_699 = tpu.vector_load_idx %arg5[%add3A_698] : memref<2560xi32, #tpu.memory_space<vmem>>[vector<16xi32>], vector<16xi32>,
    %swap3A_700 = arith.constant 1840 : index
    %swap3A_701 = tpu.vector_load %arg6[%swap3A_700] {strides = array<i32>} : memref<2560xi32, #tpu.memory_space<vmem>>, vector<16xi32>,
    tpu.vector_store %arg6[%swap3A_700], %gather3A_699 {strides = array<i32>} : memref<2560xi32, #tpu.memory_space<vmem>>, vector<16xi32>,
    %add3A_702 = arith.constant 1603 : i32
    %add3A_703 = vector.broadcast %add3A_702 : i32 to vector<16xi32>
    %add3A_704 = arith.addi %mul3A_7, %add3A_703 : vector<16xi32>
    %gather3A_705 = tpu.vector_load_idx %arg5[%add3A_704] : memref<2560xi32, #tpu.memory_space<vmem>>[vector<16xi32>], vector<16xi32>,
    %swap3A_706 = arith.constant 1856 : index
    %swap3A_707 = tpu.vector_load %arg6[%swap3A_706] {strides = array<i32>} : memref<2560xi32, #tpu.memory_space<vmem>>, vector<16xi32>,
    tpu.vector_store %arg6[%swap3A_706], %gather3A_705 {strides = array<i32>} : memref<2560xi32, #tpu.memory_space<vmem>>, vector<16xi32>,
    %add3A_708 = arith.constant 1683 : i32
    %add3A_709 = vector.broadcast %add3A_708 : i32 to vector<16xi32>
    %add3A_710 = arith.addi %mul3A_7, %add3A_709 : vector<16xi32>
    %gather3A_711 = tpu.vector_load_idx %arg5[%add3A_710] : memref<2560xi32, #tpu.memory_space<vmem>>[vector<16xi32>], vector<16xi32>,
    %swap3A_712 = arith.constant 1872 : index
    %swap3A_713 = tpu.vector_load %arg6[%swap3A_712] {strides = array<i32>} : memref<2560xi32, #tpu.memory_space<vmem>>, vector<16xi32>,
    tpu.vector_store %arg6[%swap3A_712], %gather3A_711 {strides = array<i32>} : memref<2560xi32, #tpu.memory_space<vmem>>, vector<16xi32>,
    %add3A_714 = arith.constant 1763 : i32
    %add3A_715 = vector.broadcast %add3A_714 : i32 to vector<16xi32>
    %add3A_716 = arith.addi %mul3A_7, %add3A_715 : vector<16xi32>
    %gather3A_717 = tpu.vector_load_idx %arg5[%add3A_716] : memref<2560xi32, #tpu.memory_space<vmem>>[vector<16xi32>], vector<16xi32>,
    %swap3A_718 = arith.constant 1888 : index
    %swap3A_719 = tpu.vector_load %arg6[%swap3A_718] {strides = array<i32>} : memref<2560xi32, #tpu.memory_space<vmem>>, vector<16xi32>,
    tpu.vector_store %arg6[%swap3A_718], %gather3A_717 {strides = array<i32>} : memref<2560xi32, #tpu.memory_space<vmem>>, vector<16xi32>,
    %add3A_720 = arith.constant 1843 : i32
    %add3A_721 = vector.broadcast %add3A_720 : i32 to vector<16xi32>
    %add3A_722 = arith.addi %mul3A_7, %add3A_721 : vector<16xi32>
    %gather3A_723 = tpu.vector_load_idx %arg5[%add3A_722] : memref<2560xi32, #tpu.memory_space<vmem>>[vector<16xi32>], vector<16xi32>,
    %swap3A_724 = arith.constant 1904 : index
    %swap3A_725 = tpu.vector_load %arg6[%swap3A_724] {strides = array<i32>} : memref<2560xi32, #tpu.memory_space<vmem>>, vector<16xi32>,
    tpu.vector_store %arg6[%swap3A_724], %gather3A_723 {strides = array<i32>} : memref<2560xi32, #tpu.memory_space<vmem>>, vector<16xi32>,
    %add3A_726 = arith.constant 1923 : i32
    %add3A_727 = vector.broadcast %add3A_726 : i32 to vector<16xi32>
    %add3A_728 = arith.addi %mul3A_7, %add3A_727 : vector<16xi32>
    %gather3A_729 = tpu.vector_load_idx %arg5[%add3A_728] : memref<2560xi32, #tpu.memory_space<vmem>>[vector<16xi32>], vector<16xi32>,
    %swap3A_730 = arith.constant 1920 : index
    %swap3A_731 = tpu.vector_load %arg6[%swap3A_730] {strides = array<i32>} : memref<2560xi32, #tpu.memory_space<vmem>>, vector<16xi32>,
    tpu.vector_store %arg6[%swap3A_730], %gather3A_729 {strides = array<i32>} : memref<2560xi32, #tpu.memory_space<vmem>>, vector<16xi32>,
    %add3A_732 = arith.constant 2003 : i32
    %add3A_733 = vector.broadcast %add3A_732 : i32 to vector<16xi32>
    %add3A_734 = arith.addi %mul3A_7, %add3A_733 : vector<16xi32>
    %gather3A_735 = tpu.vector_load_idx %arg5[%add3A_734] : memref<2560xi32, #tpu.memory_space<vmem>>[vector<16xi32>], vector<16xi32>,
    %swap3A_736 = arith.constant 1936 : index
    %swap3A_737 = tpu.vector_load %arg6[%swap3A_736] {strides = array<i32>} : memref<2560xi32, #tpu.memory_space<vmem>>, vector<16xi32>,
    tpu.vector_store %arg6[%swap3A_736], %gather3A_735 {strides = array<i32>} : memref<2560xi32, #tpu.memory_space<vmem>>, vector<16xi32>,
    %add3A_738 = arith.constant 2083 : i32
    %add3A_739 = vector.broadcast %add3A_738 : i32 to vector<16xi32>
    %add3A_740 = arith.addi %mul3A_7, %add3A_739 : vector<16xi32>
    %gather3A_741 = tpu.vector_load_idx %arg5[%add3A_740] : memref<2560xi32, #tpu.memory_space<vmem>>[vector<16xi32>], vector<16xi32>,
    %swap3A_742 = arith.constant 1952 : index
    %swap3A_743 = tpu.vector_load %arg6[%swap3A_742] {strides = array<i32>} : memref<2560xi32, #tpu.memory_space<vmem>>, vector<16xi32>,
    tpu.vector_store %arg6[%swap3A_742], %gather3A_741 {strides = array<i32>} : memref<2560xi32, #tpu.memory_space<vmem>>, vector<16xi32>,
    %add3A_744 = arith.constant 2163 : i32
    %add3A_745 = vector.broadcast %add3A_744 : i32 to vector<16xi32>
    %add3A_746 = arith.addi %mul3A_7, %add3A_745 : vector<16xi32>
    %gather3A_747 = tpu.vector_load_idx %arg5[%add3A_746] : memref<2560xi32, #tpu.memory_space<vmem>>[vector<16xi32>], vector<16xi32>,
    %swap3A_748 = arith.constant 1968 : index
    %swap3A_749 = tpu.vector_load %arg6[%swap3A_748] {strides = array<i32>} : memref<2560xi32, #tpu.memory_space<vmem>>, vector<16xi32>,
    tpu.vector_store %arg6[%swap3A_748], %gather3A_747 {strides = array<i32>} : memref<2560xi32, #tpu.memory_space<vmem>>, vector<16xi32>,
    %add3A_750 = arith.constant 2243 : i32
    %add3A_751 = vector.broadcast %add3A_750 : i32 to vector<16xi32>
    %add3A_752 = arith.addi %mul3A_7, %add3A_751 : vector<16xi32>
    %gather3A_753 = tpu.vector_load_idx %arg5[%add3A_752] : memref<2560xi32, #tpu.memory_space<vmem>>[vector<16xi32>], vector<16xi32>,
    %swap3A_754 = arith.constant 1984 : index
    %swap3A_755 = tpu.vector_load %arg6[%swap3A_754] {strides = array<i32>} : memref<2560xi32, #tpu.memory_space<vmem>>, vector<16xi32>,
    tpu.vector_store %arg6[%swap3A_754], %gather3A_753 {strides = array<i32>} : memref<2560xi32, #tpu.memory_space<vmem>>, vector<16xi32>,
    %add3A_756 = arith.constant 2323 : i32
    %add3A_757 = vector.broadcast %add3A_756 : i32 to vector<16xi32>
    %add3A_758 = arith.addi %mul3A_7, %add3A_757 : vector<16xi32>
    %gather3A_759 = tpu.vector_load_idx %arg5[%add3A_758] : memref<2560xi32, #tpu.memory_space<vmem>>[vector<16xi32>], vector<16xi32>,
    %swap3A_760 = arith.constant 2000 : index
    %swap3A_761 = tpu.vector_load %arg6[%swap3A_760] {strides = array<i32>} : memref<2560xi32, #tpu.memory_space<vmem>>, vector<16xi32>,
    tpu.vector_store %arg6[%swap3A_760], %gather3A_759 {strides = array<i32>} : memref<2560xi32, #tpu.memory_space<vmem>>, vector<16xi32>,
    %add3A_762 = arith.constant 2403 : i32
    %add3A_763 = vector.broadcast %add3A_762 : i32 to vector<16xi32>
    %add3A_764 = arith.addi %mul3A_7, %add3A_763 : vector<16xi32>
    %gather3A_765 = tpu.vector_load_idx %arg5[%add3A_764] : memref<2560xi32, #tpu.memory_space<vmem>>[vector<16xi32>], vector<16xi32>,
    %swap3A_766 = arith.constant 2016 : index
    %swap3A_767 = tpu.vector_load %arg6[%swap3A_766] {strides = array<i32>} : memref<2560xi32, #tpu.memory_space<vmem>>, vector<16xi32>,
    tpu.vector_store %arg6[%swap3A_766], %gather3A_765 {strides = array<i32>} : memref<2560xi32, #tpu.memory_space<vmem>>, vector<16xi32>,
    %add3A_768 = arith.constant 2483 : i32
    %add3A_769 = vector.broadcast %add3A_768 : i32 to vector<16xi32>
    %add3A_770 = arith.addi %mul3A_7, %add3A_769 : vector<16xi32>
    %gather3A_771 = tpu.vector_load_idx %arg5[%add3A_770] : memref<2560xi32, #tpu.memory_space<vmem>>[vector<16xi32>], vector<16xi32>,
    %swap3A_772 = arith.constant 2032 : index
    %swap3A_773 = tpu.vector_load %arg6[%swap3A_772] {strides = array<i32>} : memref<2560xi32, #tpu.memory_space<vmem>>, vector<16xi32>,
    tpu.vector_store %arg6[%swap3A_772], %gather3A_771 {strides = array<i32>} : memref<2560xi32, #tpu.memory_space<vmem>>, vector<16xi32>,
    %add3A_774 = arith.constant 4 : i32
    %add3A_775 = vector.broadcast %add3A_774 : i32 to vector<16xi32>
    %add3A_776 = arith.addi %mul3A_7, %add3A_775 : vector<16xi32>
    %gather3A_777 = tpu.vector_load_idx %arg5[%add3A_776] : memref<2560xi32, #tpu.memory_space<vmem>>[vector<16xi32>], vector<16xi32>,
    %swap3A_778 = arith.constant 2048 : index
    %swap3A_779 = tpu.vector_load %arg6[%swap3A_778] {strides = array<i32>} : memref<2560xi32, #tpu.memory_space<vmem>>, vector<16xi32>,
    tpu.vector_store %arg6[%swap3A_778], %gather3A_777 {strides = array<i32>} : memref<2560xi32, #tpu.memory_space<vmem>>, vector<16xi32>,
    %add3A_780 = arith.constant 84 : i32
    %add3A_781 = vector.broadcast %add3A_780 : i32 to vector<16xi32>
    %add3A_782 = arith.addi %mul3A_7, %add3A_781 : vector<16xi32>
    %gather3A_783 = tpu.vector_load_idx %arg5[%add3A_782] : memref<2560xi32, #tpu.memory_space<vmem>>[vector<16xi32>], vector<16xi32>,
    %swap3A_784 = arith.constant 2064 : index
    %swap3A_785 = tpu.vector_load %arg6[%swap3A_784] {strides = array<i32>} : memref<2560xi32, #tpu.memory_space<vmem>>, vector<16xi32>,
    tpu.vector_store %arg6[%swap3A_784], %gather3A_783 {strides = array<i32>} : memref<2560xi32, #tpu.memory_space<vmem>>, vector<16xi32>,
    %add3A_786 = arith.constant 164 : i32
    %add3A_787 = vector.broadcast %add3A_786 : i32 to vector<16xi32>
    %add3A_788 = arith.addi %mul3A_7, %add3A_787 : vector<16xi32>
    %gather3A_789 = tpu.vector_load_idx %arg5[%add3A_788] : memref<2560xi32, #tpu.memory_space<vmem>>[vector<16xi32>], vector<16xi32>,
    %swap3A_790 = arith.constant 2080 : index
    %swap3A_791 = tpu.vector_load %arg6[%swap3A_790] {strides = array<i32>} : memref<2560xi32, #tpu.memory_space<vmem>>, vector<16xi32>,
    tpu.vector_store %arg6[%swap3A_790], %gather3A_789 {strides = array<i32>} : memref<2560xi32, #tpu.memory_space<vmem>>, vector<16xi32>,
    %add3A_792 = arith.constant 244 : i32
    %add3A_793 = vector.broadcast %add3A_792 : i32 to vector<16xi32>
    %add3A_794 = arith.addi %mul3A_7, %add3A_793 : vector<16xi32>
    %gather3A_795 = tpu.vector_load_idx %arg5[%add3A_794] : memref<2560xi32, #tpu.memory_space<vmem>>[vector<16xi32>], vector<16xi32>,
    %swap3A_796 = arith.constant 2096 : index
    %swap3A_797 = tpu.vector_load %arg6[%swap3A_796] {strides = array<i32>} : memref<2560xi32, #tpu.memory_space<vmem>>, vector<16xi32>,
    tpu.vector_store %arg6[%swap3A_796], %gather3A_795 {strides = array<i32>} : memref<2560xi32, #tpu.memory_space<vmem>>, vector<16xi32>,
    %add3A_798 = arith.constant 324 : i32
    %add3A_799 = vector.broadcast %add3A_798 : i32 to vector<16xi32>
    %add3A_800 = arith.addi %mul3A_7, %add3A_799 : vector<16xi32>
    %gather3A_801 = tpu.vector_load_idx %arg5[%add3A_800] : memref<2560xi32, #tpu.memory_space<vmem>>[vector<16xi32>], vector<16xi32>,
    %swap3A_802 = arith.constant 2112 : index
    %swap3A_803 = tpu.vector_load %arg6[%swap3A_802] {strides = array<i32>} : memref<2560xi32, #tpu.memory_space<vmem>>, vector<16xi32>,
    tpu.vector_store %arg6[%swap3A_802], %gather3A_801 {strides = array<i32>} : memref<2560xi32, #tpu.memory_space<vmem>>, vector<16xi32>,
    %add3A_804 = arith.constant 404 : i32
    %add3A_805 = vector.broadcast %add3A_804 : i32 to vector<16xi32>
    %add3A_806 = arith.addi %mul3A_7, %add3A_805 : vector<16xi32>
    %gather3A_807 = tpu.vector_load_idx %arg5[%add3A_806] : memref<2560xi32, #tpu.memory_space<vmem>>[vector<16xi32>], vector<16xi32>,
    %swap3A_808 = arith.constant 2128 : index
    %swap3A_809 = tpu.vector_load %arg6[%swap3A_808] {strides = array<i32>} : memref<2560xi32, #tpu.memory_space<vmem>>, vector<16xi32>,
    tpu.vector_store %arg6[%swap3A_808], %gather3A_807 {strides = array<i32>} : memref<2560xi32, #tpu.memory_space<vmem>>, vector<16xi32>,
    %add3A_810 = arith.constant 484 : i32
    %add3A_811 = vector.broadcast %add3A_810 : i32 to vector<16xi32>
    %add3A_812 = arith.addi %mul3A_7, %add3A_811 : vector<16xi32>
    %gather3A_813 = tpu.vector_load_idx %arg5[%add3A_812] : memref<2560xi32, #tpu.memory_space<vmem>>[vector<16xi32>], vector<16xi32>,
    %swap3A_814 = arith.constant 2144 : index
    %swap3A_815 = tpu.vector_load %arg6[%swap3A_814] {strides = array<i32>} : memref<2560xi32, #tpu.memory_space<vmem>>, vector<16xi32>,
    tpu.vector_store %arg6[%swap3A_814], %gather3A_813 {strides = array<i32>} : memref<2560xi32, #tpu.memory_space<vmem>>, vector<16xi32>,
    %add3A_816 = arith.constant 564 : i32
    %add3A_817 = vector.broadcast %add3A_816 : i32 to vector<16xi32>
    %add3A_818 = arith.addi %mul3A_7, %add3A_817 : vector<16xi32>
    %gather3A_819 = tpu.vector_load_idx %arg5[%add3A_818] : memref<2560xi32, #tpu.memory_space<vmem>>[vector<16xi32>], vector<16xi32>,
    %swap3A_820 = arith.constant 2160 : index
    %swap3A_821 = tpu.vector_load %arg6[%swap3A_820] {strides = array<i32>} : memref<2560xi32, #tpu.memory_space<vmem>>, vector<16xi32>,
    tpu.vector_store %arg6[%swap3A_820], %gather3A_819 {strides = array<i32>} : memref<2560xi32, #tpu.memory_space<vmem>>, vector<16xi32>,
    %add3A_822 = arith.constant 644 : i32
    %add3A_823 = vector.broadcast %add3A_822 : i32 to vector<16xi32>
    %add3A_824 = arith.addi %mul3A_7, %add3A_823 : vector<16xi32>
    %gather3A_825 = tpu.vector_load_idx %arg5[%add3A_824] : memref<2560xi32, #tpu.memory_space<vmem>>[vector<16xi32>], vector<16xi32>,
    %swap3A_826 = arith.constant 2176 : index
    %swap3A_827 = tpu.vector_load %arg6[%swap3A_826] {strides = array<i32>} : memref<2560xi32, #tpu.memory_space<vmem>>, vector<16xi32>,
    tpu.vector_store %arg6[%swap3A_826], %gather3A_825 {strides = array<i32>} : memref<2560xi32, #tpu.memory_space<vmem>>, vector<16xi32>,
    %add3A_828 = arith.constant 724 : i32
    %add3A_829 = vector.broadcast %add3A_828 : i32 to vector<16xi32>
    %add3A_830 = arith.addi %mul3A_7, %add3A_829 : vector<16xi32>
    %gather3A_831 = tpu.vector_load_idx %arg5[%add3A_830] : memref<2560xi32, #tpu.memory_space<vmem>>[vector<16xi32>], vector<16xi32>,
    %swap3A_832 = arith.constant 2192 : index
    %swap3A_833 = tpu.vector_load %arg6[%swap3A_832] {strides = array<i32>} : memref<2560xi32, #tpu.memory_space<vmem>>, vector<16xi32>,
    tpu.vector_store %arg6[%swap3A_832], %gather3A_831 {strides = array<i32>} : memref<2560xi32, #tpu.memory_space<vmem>>, vector<16xi32>,
    %add3A_834 = arith.constant 804 : i32
    %add3A_835 = vector.broadcast %add3A_834 : i32 to vector<16xi32>
    %add3A_836 = arith.addi %mul3A_7, %add3A_835 : vector<16xi32>
    %gather3A_837 = tpu.vector_load_idx %arg5[%add3A_836] : memref<2560xi32, #tpu.memory_space<vmem>>[vector<16xi32>], vector<16xi32>,
    %swap3A_838 = arith.constant 2208 : index
    %swap3A_839 = tpu.vector_load %arg6[%swap3A_838] {strides = array<i32>} : memref<2560xi32, #tpu.memory_space<vmem>>, vector<16xi32>,
    tpu.vector_store %arg6[%swap3A_838], %gather3A_837 {strides = array<i32>} : memref<2560xi32, #tpu.memory_space<vmem>>, vector<16xi32>,
    %add3A_840 = arith.constant 884 : i32
    %add3A_841 = vector.broadcast %add3A_840 : i32 to vector<16xi32>
    %add3A_842 = arith.addi %mul3A_7, %add3A_841 : vector<16xi32>
    %gather3A_843 = tpu.vector_load_idx %arg5[%add3A_842] : memref<2560xi32, #tpu.memory_space<vmem>>[vector<16xi32>], vector<16xi32>,
    %swap3A_844 = arith.constant 2224 : index
    %swap3A_845 = tpu.vector_load %arg6[%swap3A_844] {strides = array<i32>} : memref<2560xi32, #tpu.memory_space<vmem>>, vector<16xi32>,
    tpu.vector_store %arg6[%swap3A_844], %gather3A_843 {strides = array<i32>} : memref<2560xi32, #tpu.memory_space<vmem>>, vector<16xi32>,
    %add3A_846 = arith.constant 964 : i32
    %add3A_847 = vector.broadcast %add3A_846 : i32 to vector<16xi32>
    %add3A_848 = arith.addi %mul3A_7, %add3A_847 : vector<16xi32>
    %gather3A_849 = tpu.vector_load_idx %arg5[%add3A_848] : memref<2560xi32, #tpu.memory_space<vmem>>[vector<16xi32>], vector<16xi32>,
    %swap3A_850 = arith.constant 2240 : index
    %swap3A_851 = tpu.vector_load %arg6[%swap3A_850] {strides = array<i32>} : memref<2560xi32, #tpu.memory_space<vmem>>, vector<16xi32>,
    tpu.vector_store %arg6[%swap3A_850], %gather3A_849 {strides = array<i32>} : memref<2560xi32, #tpu.memory_space<vmem>>, vector<16xi32>,
    %add3A_852 = arith.constant 1044 : i32
    %add3A_853 = vector.broadcast %add3A_852 : i32 to vector<16xi32>
    %add3A_854 = arith.addi %mul3A_7, %add3A_853 : vector<16xi32>
    %gather3A_855 = tpu.vector_load_idx %arg5[%add3A_854] : memref<2560xi32, #tpu.memory_space<vmem>>[vector<16xi32>], vector<16xi32>,
    %swap3A_856 = arith.constant 2256 : index
    %swap3A_857 = tpu.vector_load %arg6[%swap3A_856] {strides = array<i32>} : memref<2560xi32, #tpu.memory_space<vmem>>, vector<16xi32>,
    tpu.vector_store %arg6[%swap3A_856], %gather3A_855 {strides = array<i32>} : memref<2560xi32, #tpu.memory_space<vmem>>, vector<16xi32>,
    %add3A_858 = arith.constant 1124 : i32
    %add3A_859 = vector.broadcast %add3A_858 : i32 to vector<16xi32>
    %add3A_860 = arith.addi %mul3A_7, %add3A_859 : vector<16xi32>
    %gather3A_861 = tpu.vector_load_idx %arg5[%add3A_860] : memref<2560xi32, #tpu.memory_space<vmem>>[vector<16xi32>], vector<16xi32>,
    %swap3A_862 = arith.constant 2272 : index
    %swap3A_863 = tpu.vector_load %arg6[%swap3A_862] {strides = array<i32>} : memref<2560xi32, #tpu.memory_space<vmem>>, vector<16xi32>,
    tpu.vector_store %arg6[%swap3A_862], %gather3A_861 {strides = array<i32>} : memref<2560xi32, #tpu.memory_space<vmem>>, vector<16xi32>,
    %add3A_864 = arith.constant 1204 : i32
    %add3A_865 = vector.broadcast %add3A_864 : i32 to vector<16xi32>
    %add3A_866 = arith.addi %mul3A_7, %add3A_865 : vector<16xi32>
    %gather3A_867 = tpu.vector_load_idx %arg5[%add3A_866] : memref<2560xi32, #tpu.memory_space<vmem>>[vector<16xi32>], vector<16xi32>,
    %swap3A_868 = arith.constant 2288 : index
    %swap3A_869 = tpu.vector_load %arg6[%swap3A_868] {strides = array<i32>} : memref<2560xi32, #tpu.memory_space<vmem>>, vector<16xi32>,
    tpu.vector_store %arg6[%swap3A_868], %gather3A_867 {strides = array<i32>} : memref<2560xi32, #tpu.memory_space<vmem>>, vector<16xi32>,
    %add3A_870 = arith.constant 1284 : i32
    %add3A_871 = vector.broadcast %add3A_870 : i32 to vector<16xi32>
    %add3A_872 = arith.addi %mul3A_7, %add3A_871 : vector<16xi32>
    %gather3A_873 = tpu.vector_load_idx %arg5[%add3A_872] : memref<2560xi32, #tpu.memory_space<vmem>>[vector<16xi32>], vector<16xi32>,
    %swap3A_874 = arith.constant 2304 : index
    %swap3A_875 = tpu.vector_load %arg6[%swap3A_874] {strides = array<i32>} : memref<2560xi32, #tpu.memory_space<vmem>>, vector<16xi32>,
    tpu.vector_store %arg6[%swap3A_874], %gather3A_873 {strides = array<i32>} : memref<2560xi32, #tpu.memory_space<vmem>>, vector<16xi32>,
    %add3A_876 = arith.constant 1364 : i32
    %add3A_877 = vector.broadcast %add3A_876 : i32 to vector<16xi32>
    %add3A_878 = arith.addi %mul3A_7, %add3A_877 : vector<16xi32>
    %gather3A_879 = tpu.vector_load_idx %arg5[%add3A_878] : memref<2560xi32, #tpu.memory_space<vmem>>[vector<16xi32>], vector<16xi32>,
    %swap3A_880 = arith.constant 2320 : index
    %swap3A_881 = tpu.vector_load %arg6[%swap3A_880] {strides = array<i32>} : memref<2560xi32, #tpu.memory_space<vmem>>, vector<16xi32>,
    tpu.vector_store %arg6[%swap3A_880], %gather3A_879 {strides = array<i32>} : memref<2560xi32, #tpu.memory_space<vmem>>, vector<16xi32>,
    %add3A_882 = arith.constant 1444 : i32
    %add3A_883 = vector.broadcast %add3A_882 : i32 to vector<16xi32>
    %add3A_884 = arith.addi %mul3A_7, %add3A_883 : vector<16xi32>
    %gather3A_885 = tpu.vector_load_idx %arg5[%add3A_884] : memref<2560xi32, #tpu.memory_space<vmem>>[vector<16xi32>], vector<16xi32>,
    %swap3A_886 = arith.constant 2336 : index
    %swap3A_887 = tpu.vector_load %arg6[%swap3A_886] {strides = array<i32>} : memref<2560xi32, #tpu.memory_space<vmem>>, vector<16xi32>,
    tpu.vector_store %arg6[%swap3A_886], %gather3A_885 {strides = array<i32>} : memref<2560xi32, #tpu.memory_space<vmem>>, vector<16xi32>,
    %add3A_888 = arith.constant 1524 : i32
    %add3A_889 = vector.broadcast %add3A_888 : i32 to vector<16xi32>
    %add3A_890 = arith.addi %mul3A_7, %add3A_889 : vector<16xi32>
    %gather3A_891 = tpu.vector_load_idx %arg5[%add3A_890] : memref<2560xi32, #tpu.memory_space<vmem>>[vector<16xi32>], vector<16xi32>,
    %swap3A_892 = arith.constant 2352 : index
    %swap3A_893 = tpu.vector_load %arg6[%swap3A_892] {strides = array<i32>} : memref<2560xi32, #tpu.memory_space<vmem>>, vector<16xi32>,
    tpu.vector_store %arg6[%swap3A_892], %gather3A_891 {strides = array<i32>} : memref<2560xi32, #tpu.memory_space<vmem>>, vector<16xi32>,
    %add3A_894 = arith.constant 1604 : i32
    %add3A_895 = vector.broadcast %add3A_894 : i32 to vector<16xi32>
    %add3A_896 = arith.addi %mul3A_7, %add3A_895 : vector<16xi32>
    %gather3A_897 = tpu.vector_load_idx %arg5[%add3A_896] : memref<2560xi32, #tpu.memory_space<vmem>>[vector<16xi32>], vector<16xi32>,
    %swap3A_898 = arith.constant 2368 : index
    %swap3A_899 = tpu.vector_load %arg6[%swap3A_898] {strides = array<i32>} : memref<2560xi32, #tpu.memory_space<vmem>>, vector<16xi32>,
    tpu.vector_store %arg6[%swap3A_898], %gather3A_897 {strides = array<i32>} : memref<2560xi32, #tpu.memory_space<vmem>>, vector<16xi32>,
    %add3A_900 = arith.constant 1684 : i32
    %add3A_901 = vector.broadcast %add3A_900 : i32 to vector<16xi32>
    %add3A_902 = arith.addi %mul3A_7, %add3A_901 : vector<16xi32>
    %gather3A_903 = tpu.vector_load_idx %arg5[%add3A_902] : memref<2560xi32, #tpu.memory_space<vmem>>[vector<16xi32>], vector<16xi32>,
    %swap3A_904 = arith.constant 2384 : index
    %swap3A_905 = tpu.vector_load %arg6[%swap3A_904] {strides = array<i32>} : memref<2560xi32, #tpu.memory_space<vmem>>, vector<16xi32>,
    tpu.vector_store %arg6[%swap3A_904], %gather3A_903 {strides = array<i32>} : memref<2560xi32, #tpu.memory_space<vmem>>, vector<16xi32>,
    %add3A_906 = arith.constant 1764 : i32
    %add3A_907 = vector.broadcast %add3A_906 : i32 to vector<16xi32>
    %add3A_908 = arith.addi %mul3A_7, %add3A_907 : vector<16xi32>
    %gather3A_909 = tpu.vector_load_idx %arg5[%add3A_908] : memref<2560xi32, #tpu.memory_space<vmem>>[vector<16xi32>], vector<16xi32>,
    %swap3A_910 = arith.constant 2400 : index
    %swap3A_911 = tpu.vector_load %arg6[%swap3A_910] {strides = array<i32>} : memref<2560xi32, #tpu.memory_space<vmem>>, vector<16xi32>,
    tpu.vector_store %arg6[%swap3A_910], %gather3A_909 {strides = array<i32>} : memref<2560xi32, #tpu.memory_space<vmem>>, vector<16xi32>,
    %add3A_912 = arith.constant 1844 : i32
    %add3A_913 = vector.broadcast %add3A_912 : i32 to vector<16xi32>
    %add3A_914 = arith.addi %mul3A_7, %add3A_913 : vector<16xi32>
    %gather3A_915 = tpu.vector_load_idx %arg5[%add3A_914] : memref<2560xi32, #tpu.memory_space<vmem>>[vector<16xi32>], vector<16xi32>,
    %swap3A_916 = arith.constant 2416 : index
    %swap3A_917 = tpu.vector_load %arg6[%swap3A_916] {strides = array<i32>} : memref<2560xi32, #tpu.memory_space<vmem>>, vector<16xi32>,
    tpu.vector_store %arg6[%swap3A_916], %gather3A_915 {strides = array<i32>} : memref<2560xi32, #tpu.memory_space<vmem>>, vector<16xi32>,
    %add3A_918 = arith.constant 1924 : i32
    %add3A_919 = vector.broadcast %add3A_918 : i32 to vector<16xi32>
    %add3A_920 = arith.addi %mul3A_7, %add3A_919 : vector<16xi32>
    %gather3A_921 = tpu.vector_load_idx %arg5[%add3A_920] : memref<2560xi32, #tpu.memory_space<vmem>>[vector<16xi32>], vector<16xi32>,
    %swap3A_922 = arith.constant 2432 : index
    %swap3A_923 = tpu.vector_load %arg6[%swap3A_922] {strides = array<i32>} : memref<2560xi32, #tpu.memory_space<vmem>>, vector<16xi32>,
    tpu.vector_store %arg6[%swap3A_922], %gather3A_921 {strides = array<i32>} : memref<2560xi32, #tpu.memory_space<vmem>>, vector<16xi32>,
    %add3A_924 = arith.constant 2004 : i32
    %add3A_925 = vector.broadcast %add3A_924 : i32 to vector<16xi32>
    %add3A_926 = arith.addi %mul3A_7, %add3A_925 : vector<16xi32>
    %gather3A_927 = tpu.vector_load_idx %arg5[%add3A_926] : memref<2560xi32, #tpu.memory_space<vmem>>[vector<16xi32>], vector<16xi32>,
    %swap3A_928 = arith.constant 2448 : index
    %swap3A_929 = tpu.vector_load %arg6[%swap3A_928] {strides = array<i32>} : memref<2560xi32, #tpu.memory_space<vmem>>, vector<16xi32>,
    tpu.vector_store %arg6[%swap3A_928], %gather3A_927 {strides = array<i32>} : memref<2560xi32, #tpu.memory_space<vmem>>, vector<16xi32>,
    %add3A_930 = arith.constant 2084 : i32
    %add3A_931 = vector.broadcast %add3A_930 : i32 to vector<16xi32>
    %add3A_932 = arith.addi %mul3A_7, %add3A_931 : vector<16xi32>
    %gather3A_933 = tpu.vector_load_idx %arg5[%add3A_932] : memref<2560xi32, #tpu.memory_space<vmem>>[vector<16xi32>], vector<16xi32>,
    %swap3A_934 = arith.constant 2464 : index
    %swap3A_935 = tpu.vector_load %arg6[%swap3A_934] {strides = array<i32>} : memref<2560xi32, #tpu.memory_space<vmem>>, vector<16xi32>,
    tpu.vector_store %arg6[%swap3A_934], %gather3A_933 {strides = array<i32>} : memref<2560xi32, #tpu.memory_space<vmem>>, vector<16xi32>,
    %add3A_936 = arith.constant 2164 : i32
    %add3A_937 = vector.broadcast %add3A_936 : i32 to vector<16xi32>
    %add3A_938 = arith.addi %mul3A_7, %add3A_937 : vector<16xi32>
    %gather3A_939 = tpu.vector_load_idx %arg5[%add3A_938] : memref<2560xi32, #tpu.memory_space<vmem>>[vector<16xi32>], vector<16xi32>,
    %swap3A_940 = arith.constant 2480 : index
    %swap3A_941 = tpu.vector_load %arg6[%swap3A_940] {strides = array<i32>} : memref<2560xi32, #tpu.memory_space<vmem>>, vector<16xi32>,
    tpu.vector_store %arg6[%swap3A_940], %gather3A_939 {strides = array<i32>} : memref<2560xi32, #tpu.memory_space<vmem>>, vector<16xi32>,
    %add3A_942 = arith.constant 2244 : i32
    %add3A_943 = vector.broadcast %add3A_942 : i32 to vector<16xi32>
    %add3A_944 = arith.addi %mul3A_7, %add3A_943 : vector<16xi32>
    %gather3A_945 = tpu.vector_load_idx %arg5[%add3A_944] : memref<2560xi32, #tpu.memory_space<vmem>>[vector<16xi32>], vector<16xi32>,
    %swap3A_946 = arith.constant 2496 : index
    %swap3A_947 = tpu.vector_load %arg6[%swap3A_946] {strides = array<i32>} : memref<2560xi32, #tpu.memory_space<vmem>>, vector<16xi32>,
    tpu.vector_store %arg6[%swap3A_946], %gather3A_945 {strides = array<i32>} : memref<2560xi32, #tpu.memory_space<vmem>>, vector<16xi32>,
    %add3A_948 = arith.constant 2324 : i32
    %add3A_949 = vector.broadcast %add3A_948 : i32 to vector<16xi32>
    %add3A_950 = arith.addi %mul3A_7, %add3A_949 : vector<16xi32>
    %gather3A_951 = tpu.vector_load_idx %arg5[%add3A_950] : memref<2560xi32, #tpu.memory_space<vmem>>[vector<16xi32>], vector<16xi32>,
    %swap3A_952 = arith.constant 2512 : index
    %swap3A_953 = tpu.vector_load %arg6[%swap3A_952] {strides = array<i32>} : memref<2560xi32, #tpu.memory_space<vmem>>, vector<16xi32>,
    tpu.vector_store %arg6[%swap3A_952], %gather3A_951 {strides = array<i32>} : memref<2560xi32, #tpu.memory_space<vmem>>, vector<16xi32>,
    %add3A_954 = arith.constant 2404 : i32
    %add3A_955 = vector.broadcast %add3A_954 : i32 to vector<16xi32>
    %add3A_956 = arith.addi %mul3A_7, %add3A_955 : vector<16xi32>
    %gather3A_957 = tpu.vector_load_idx %arg5[%add3A_956] : memref<2560xi32, #tpu.memory_space<vmem>>[vector<16xi32>], vector<16xi32>,
    %swap3A_958 = arith.constant 2528 : index
    %swap3A_959 = tpu.vector_load %arg6[%swap3A_958] {strides = array<i32>} : memref<2560xi32, #tpu.memory_space<vmem>>, vector<16xi32>,
    tpu.vector_store %arg6[%swap3A_958], %gather3A_957 {strides = array<i32>} : memref<2560xi32, #tpu.memory_space<vmem>>, vector<16xi32>,
    %add3A_960 = arith.constant 2484 : i32
    %add3A_961 = vector.broadcast %add3A_960 : i32 to vector<16xi32>
    %add3A_962 = arith.addi %mul3A_7, %add3A_961 : vector<16xi32>
    %gather3A_963 = tpu.vector_load_idx %arg5[%add3A_962] : memref<2560xi32, #tpu.memory_space<vmem>>[vector<16xi32>], vector<16xi32>,
    %swap3A_964 = arith.constant 2544 : index
    %swap3A_965 = tpu.vector_load %arg6[%swap3A_964] {strides = array<i32>} : memref<2560xi32, #tpu.memory_space<vmem>>, vector<16xi32>,
    tpu.vector_store %arg6[%swap3A_964], %gather3A_963 {strides = array<i32>} : memref<2560xi32, #tpu.memory_space<vmem>>, vector<16xi32>,
    %dma_start3A = arith.constant 0 : i32
    %dma_start3A_966 = arith.constant 0 : i32
    %dma_start3A_967 = arith.constant 0 : i32
    %dma_start3A_968 = tpu.memref_slice %arg7[%dma_start3A, %dma_start3A_966, %dma_start3A_967] : memref<5x512x16xf32, #tpu.memory_space<vmem>> -> memref<1x128x16xf32, #tpu.memory_space<vmem>>
    %dma_start3A_969 = tpu.memref_squeeze %dma_start3A_968 : memref<1x128x16xf32, #tpu.memory_space<vmem>> -> memref<128x16xf32, #tpu.memory_space<vmem>>
    %dma_start3A_970 = arith.constant 0 : i32
    %dma_start3A_971 = tpu.memref_slice %arg6[%dma_start3A_970] : memref<2560xi32, #tpu.memory_space<vmem>> -> memref<128xi32, #tpu.memory_space<vmem>>
    %dma_start3A_972 = arith.constant 0 : i32
    %dma_start3A_973 = arith.constant 0 : i32
    %dma_start3A_974 = tpu.memref_slice %arg3[%dma_start3A_972, %dma_start3A_973] : memref<1000000x16xf32, #tpu.memory_space<hbm>> -> memref<1000000x16xf32, #tpu.memory_space<hbm>>
    tpu.enqueue_indirect_dma source(%dma_start3A_974 : memref<1000000x16xf32, #tpu.memory_space<hbm>>) target(%dma_start3A_969 : memref<128x16xf32, #tpu.memory_space<vmem>>) offsets(%dma_start3A_971 : memref<128xi32, #tpu.memory_space<vmem>>) semaphore(%arg8 : memref<!tpu.dma_semaphore, #tpu.memory_space<semaphore_mem>>)
    %dma_start3A_975 = arith.constant 0 : i32
    %dma_start3A_976 = arith.constant 128 : i32
    %dma_start3A_977 = arith.constant 0 : i32
    %dma_start3A_978 = tpu.memref_slice %arg7[%dma_start3A_975, %dma_start3A_976, %dma_start3A_977] : memref<5x512x16xf32, #tpu.memory_space<vmem>> -> memref<1x128x16xf32, #tpu.memory_space<vmem>>
    %dma_start3A_979 = tpu.memref_squeeze %dma_start3A_978 : memref<1x128x16xf32, #tpu.memory_space<vmem>> -> memref<128x16xf32, #tpu.memory_space<vmem>>
    %dma_start3A_980 = arith.constant 128 : i32
    %dma_start3A_981 = tpu.memref_slice %arg6[%dma_start3A_980] : memref<2560xi32, #tpu.memory_space<vmem>> -> memref<128xi32, #tpu.memory_space<vmem>>
    %dma_start3A_982 = arith.constant 0 : i32
    %dma_start3A_983 = arith.constant 0 : i32
    %dma_start3A_984 = tpu.memref_slice %arg3[%dma_start3A_982, %dma_start3A_983] : memref<1000000x16xf32, #tpu.memory_space<hbm>> -> memref<1000000x16xf32, #tpu.memory_space<hbm>>
    tpu.enqueue_indirect_dma source(%dma_start3A_984 : memref<1000000x16xf32, #tpu.memory_space<hbm>>) target(%dma_start3A_979 : memref<128x16xf32, #tpu.memory_space<vmem>>) offsets(%dma_start3A_981 : memref<128xi32, #tpu.memory_space<vmem>>) semaphore(%arg8 : memref<!tpu.dma_semaphore, #tpu.memory_space<semaphore_mem>>)
    %dma_start3A_985 = arith.constant 0 : i32
    %dma_start3A_986 = arith.constant 256 : i32
    %dma_start3A_987 = arith.constant 0 : i32
    %dma_start3A_988 = tpu.memref_slice %arg7[%dma_start3A_985, %dma_start3A_986, %dma_start3A_987] : memref<5x512x16xf32, #tpu.memory_space<vmem>> -> memref<1x128x16xf32, #tpu.memory_space<vmem>>
    %dma_start3A_989 = tpu.memref_squeeze %dma_start3A_988 : memref<1x128x16xf32, #tpu.memory_space<vmem>> -> memref<128x16xf32, #tpu.memory_space<vmem>>
    %dma_start3A_990 = arith.constant 256 : i32
    %dma_start3A_991 = tpu.memref_slice %arg6[%dma_start3A_990] : memref<2560xi32, #tpu.memory_space<vmem>> -> memref<128xi32, #tpu.memory_space<vmem>>
    %dma_start3A_992 = arith.constant 0 : i32
    %dma_start3A_993 = arith.constant 0 : i32
    %dma_start3A_994 = tpu.memref_slice %arg3[%dma_start3A_992, %dma_start3A_993] : memref<1000000x16xf32, #tpu.memory_space<hbm>> -> memref<1000000x16xf32, #tpu.memory_space<hbm>>
    tpu.enqueue_indirect_dma source(%dma_start3A_994 : memref<1000000x16xf32, #tpu.memory_space<hbm>>) target(%dma_start3A_989 : memref<128x16xf32, #tpu.memory_space<vmem>>) offsets(%dma_start3A_991 : memref<128xi32, #tpu.memory_space<vmem>>) semaphore(%arg8 : memref<!tpu.dma_semaphore, #tpu.memory_space<semaphore_mem>>)
    %dma_start3A_995 = arith.constant 0 : i32
    %dma_start3A_996 = arith.constant 384 : i32
    %dma_start3A_997 = arith.constant 0 : i32
    %dma_start3A_998 = tpu.memref_slice %arg7[%dma_start3A_995, %dma_start3A_996, %dma_start3A_997] : memref<5x512x16xf32, #tpu.memory_space<vmem>> -> memref<1x128x16xf32, #tpu.memory_space<vmem>>
    %dma_start3A_999 = tpu.memref_squeeze %dma_start3A_998 : memref<1x128x16xf32, #tpu.memory_space<vmem>> -> memref<128x16xf32, #tpu.memory_space<vmem>>
    %dma_start3A_1000 = arith.constant 384 : i32
    %dma_start3A_1001 = tpu.memref_slice %arg6[%dma_start3A_1000] : memref<2560xi32, #tpu.memory_space<vmem>> -> memref<128xi32, #tpu.memory_space<vmem>>
    %dma_start3A_1002 = arith.constant 0 : i32
    %dma_start3A_1003 = arith.constant 0 : i32
    %dma_start3A_1004 = tpu.memref_slice %arg3[%dma_start3A_1002, %dma_start3A_1003] : memref<1000000x16xf32, #tpu.memory_space<hbm>> -> memref<1000000x16xf32, #tpu.memory_space<hbm>>
    tpu.enqueue_indirect_dma source(%dma_start3A_1004 : memref<1000000x16xf32, #tpu.memory_space<hbm>>) target(%dma_start3A_999 : memref<128x16xf32, #tpu.memory_space<vmem>>) offsets(%dma_start3A_1001 : memref<128xi32, #tpu.memory_space<vmem>>) semaphore(%arg8 : memref<!tpu.dma_semaphore, #tpu.memory_space<semaphore_mem>>)
    %dma_start3A_1005 = arith.constant 1 : i32
    %dma_start3A_1006 = arith.constant 0 : i32
    %dma_start3A_1007 = arith.constant 0 : i32
    %dma_start3A_1008 = tpu.memref_slice %arg7[%dma_start3A_1005, %dma_start3A_1006, %dma_start3A_1007] : memref<5x512x16xf32, #tpu.memory_space<vmem>> -> memref<1x128x16xf32, #tpu.memory_space<vmem>>
    %dma_start3A_1009 = tpu.memref_squeeze %dma_start3A_1008 : memref<1x128x16xf32, #tpu.memory_space<vmem>> -> memref<128x16xf32, #tpu.memory_space<vmem>>
    %dma_start3A_1010 = arith.constant 512 : i32
    %dma_start3A_1011 = tpu.memref_slice %arg6[%dma_start3A_1010] : memref<2560xi32, #tpu.memory_space<vmem>> -> memref<128xi32, #tpu.memory_space<vmem>>
    %dma_start3A_1012 = arith.constant 0 : i32
    %dma_start3A_1013 = arith.constant 0 : i32
    %dma_start3A_1014 = tpu.memref_slice %arg3[%dma_start3A_1012, %dma_start3A_1013] : memref<1000000x16xf32, #tpu.memory_space<hbm>> -> memref<1000000x16xf32, #tpu.memory_space<hbm>>
    tpu.enqueue_indirect_dma source(%dma_start3A_1014 : memref<1000000x16xf32, #tpu.memory_space<hbm>>) target(%dma_start3A_1009 : memref<128x16xf32, #tpu.memory_space<vmem>>) offsets(%dma_start3A_1011 : memref<128xi32, #tpu.memory_space<vmem>>) semaphore(%arg8 : memref<!tpu.dma_semaphore, #tpu.memory_space<semaphore_mem>>)
    %dma_start3A_1015 = arith.constant 1 : i32
    %dma_start3A_1016 = arith.constant 128 : i32
    %dma_start3A_1017 = arith.constant 0 : i32
    %dma_start3A_1018 = tpu.memref_slice %arg7[%dma_start3A_1015, %dma_start3A_1016, %dma_start3A_1017] : memref<5x512x16xf32, #tpu.memory_space<vmem>> -> memref<1x128x16xf32, #tpu.memory_space<vmem>>
    %dma_start3A_1019 = tpu.memref_squeeze %dma_start3A_1018 : memref<1x128x16xf32, #tpu.memory_space<vmem>> -> memref<128x16xf32, #tpu.memory_space<vmem>>
    %dma_start3A_1020 = arith.constant 640 : i32
    %dma_start3A_1021 = tpu.memref_slice %arg6[%dma_start3A_1020] : memref<2560xi32, #tpu.memory_space<vmem>> -> memref<128xi32, #tpu.memory_space<vmem>>
    %dma_start3A_1022 = arith.constant 0 : i32
    %dma_start3A_1023 = arith.constant 0 : i32
    %dma_start3A_1024 = tpu.memref_slice %arg3[%dma_start3A_1022, %dma_start3A_1023] : memref<1000000x16xf32, #tpu.memory_space<hbm>> -> memref<1000000x16xf32, #tpu.memory_space<hbm>>
    tpu.enqueue_indirect_dma source(%dma_start3A_1024 : memref<1000000x16xf32, #tpu.memory_space<hbm>>) target(%dma_start3A_1019 : memref<128x16xf32, #tpu.memory_space<vmem>>) offsets(%dma_start3A_1021 : memref<128xi32, #tpu.memory_space<vmem>>) semaphore(%arg8 : memref<!tpu.dma_semaphore, #tpu.memory_space<semaphore_mem>>)
    %dma_start3A_1025 = arith.constant 1 : i32
    %dma_start3A_1026 = arith.constant 256 : i32
    %dma_start3A_1027 = arith.constant 0 : i32
    %dma_start3A_1028 = tpu.memref_slice %arg7[%dma_start3A_1025, %dma_start3A_1026, %dma_start3A_1027] : memref<5x512x16xf32, #tpu.memory_space<vmem>> -> memref<1x128x16xf32, #tpu.memory_space<vmem>>
    %dma_start3A_1029 = tpu.memref_squeeze %dma_start3A_1028 : memref<1x128x16xf32, #tpu.memory_space<vmem>> -> memref<128x16xf32, #tpu.memory_space<vmem>>
    %dma_start3A_1030 = arith.constant 768 : i32
    %dma_start3A_1031 = tpu.memref_slice %arg6[%dma_start3A_1030] : memref<2560xi32, #tpu.memory_space<vmem>> -> memref<128xi32, #tpu.memory_space<vmem>>
    %dma_start3A_1032 = arith.constant 0 : i32
    %dma_start3A_1033 = arith.constant 0 : i32
    %dma_start3A_1034 = tpu.memref_slice %arg3[%dma_start3A_1032, %dma_start3A_1033] : memref<1000000x16xf32, #tpu.memory_space<hbm>> -> memref<1000000x16xf32, #tpu.memory_space<hbm>>
    tpu.enqueue_indirect_dma source(%dma_start3A_1034 : memref<1000000x16xf32, #tpu.memory_space<hbm>>) target(%dma_start3A_1029 : memref<128x16xf32, #tpu.memory_space<vmem>>) offsets(%dma_start3A_1031 : memref<128xi32, #tpu.memory_space<vmem>>) semaphore(%arg8 : memref<!tpu.dma_semaphore, #tpu.memory_space<semaphore_mem>>)
    %dma_start3A_1035 = arith.constant 1 : i32
    %dma_start3A_1036 = arith.constant 384 : i32
    %dma_start3A_1037 = arith.constant 0 : i32
    %dma_start3A_1038 = tpu.memref_slice %arg7[%dma_start3A_1035, %dma_start3A_1036, %dma_start3A_1037] : memref<5x512x16xf32, #tpu.memory_space<vmem>> -> memref<1x128x16xf32, #tpu.memory_space<vmem>>
    %dma_start3A_1039 = tpu.memref_squeeze %dma_start3A_1038 : memref<1x128x16xf32, #tpu.memory_space<vmem>> -> memref<128x16xf32, #tpu.memory_space<vmem>>
    %dma_start3A_1040 = arith.constant 896 : i32
    %dma_start3A_1041 = tpu.memref_slice %arg6[%dma_start3A_1040] : memref<2560xi32, #tpu.memory_space<vmem>> -> memref<128xi32, #tpu.memory_space<vmem>>
    %dma_start3A_1042 = arith.constant 0 : i32
    %dma_start3A_1043 = arith.constant 0 : i32
    %dma_start3A_1044 = tpu.memref_slice %arg3[%dma_start3A_1042, %dma_start3A_1043] : memref<1000000x16xf32, #tpu.memory_space<hbm>> -> memref<1000000x16xf32, #tpu.memory_space<hbm>>
    tpu.enqueue_indirect_dma source(%dma_start3A_1044 : memref<1000000x16xf32, #tpu.memory_space<hbm>>) target(%dma_start3A_1039 : memref<128x16xf32, #tpu.memory_space<vmem>>) offsets(%dma_start3A_1041 : memref<128xi32, #tpu.memory_space<vmem>>) semaphore(%arg8 : memref<!tpu.dma_semaphore, #tpu.memory_space<semaphore_mem>>)
    %dma_start3A_1045 = arith.constant 2 : i32
    %dma_start3A_1046 = arith.constant 0 : i32
    %dma_start3A_1047 = arith.constant 0 : i32
    %dma_start3A_1048 = tpu.memref_slice %arg7[%dma_start3A_1045, %dma_start3A_1046, %dma_start3A_1047] : memref<5x512x16xf32, #tpu.memory_space<vmem>> -> memref<1x128x16xf32, #tpu.memory_space<vmem>>
    %dma_start3A_1049 = tpu.memref_squeeze %dma_start3A_1048 : memref<1x128x16xf32, #tpu.memory_space<vmem>> -> memref<128x16xf32, #tpu.memory_space<vmem>>
    %dma_start3A_1050 = arith.constant 1024 : i32
    %dma_start3A_1051 = tpu.memref_slice %arg6[%dma_start3A_1050] : memref<2560xi32, #tpu.memory_space<vmem>> -> memref<128xi32, #tpu.memory_space<vmem>>
    %dma_start3A_1052 = arith.constant 0 : i32
    %dma_start3A_1053 = arith.constant 0 : i32
    %dma_start3A_1054 = tpu.memref_slice %arg3[%dma_start3A_1052, %dma_start3A_1053] : memref<1000000x16xf32, #tpu.memory_space<hbm>> -> memref<1000000x16xf32, #tpu.memory_space<hbm>>
    tpu.enqueue_indirect_dma source(%dma_start3A_1054 : memref<1000000x16xf32, #tpu.memory_space<hbm>>) target(%dma_start3A_1049 : memref<128x16xf32, #tpu.memory_space<vmem>>) offsets(%dma_start3A_1051 : memref<128xi32, #tpu.memory_space<vmem>>) semaphore(%arg8 : memref<!tpu.dma_semaphore, #tpu.memory_space<semaphore_mem>>)
    %dma_start3A_1055 = arith.constant 2 : i32
    %dma_start3A_1056 = arith.constant 128 : i32
    %dma_start3A_1057 = arith.constant 0 : i32
    %dma_start3A_1058 = tpu.memref_slice %arg7[%dma_start3A_1055, %dma_start3A_1056, %dma_start3A_1057] : memref<5x512x16xf32, #tpu.memory_space<vmem>> -> memref<1x128x16xf32, #tpu.memory_space<vmem>>
    %dma_start3A_1059 = tpu.memref_squeeze %dma_start3A_1058 : memref<1x128x16xf32, #tpu.memory_space<vmem>> -> memref<128x16xf32, #tpu.memory_space<vmem>>
    %dma_start3A_1060 = arith.constant 1152 : i32
    %dma_start3A_1061 = tpu.memref_slice %arg6[%dma_start3A_1060] : memref<2560xi32, #tpu.memory_space<vmem>> -> memref<128xi32, #tpu.memory_space<vmem>>
    %dma_start3A_1062 = arith.constant 0 : i32
    %dma_start3A_1063 = arith.constant 0 : i32
    %dma_start3A_1064 = tpu.memref_slice %arg3[%dma_start3A_1062, %dma_start3A_1063] : memref<1000000x16xf32, #tpu.memory_space<hbm>> -> memref<1000000x16xf32, #tpu.memory_space<hbm>>
    tpu.enqueue_indirect_dma source(%dma_start3A_1064 : memref<1000000x16xf32, #tpu.memory_space<hbm>>) target(%dma_start3A_1059 : memref<128x16xf32, #tpu.memory_space<vmem>>) offsets(%dma_start3A_1061 : memref<128xi32, #tpu.memory_space<vmem>>) semaphore(%arg8 : memref<!tpu.dma_semaphore, #tpu.memory_space<semaphore_mem>>)
    %dma_start3A_1065 = arith.constant 2 : i32
    %dma_start3A_1066 = arith.constant 256 : i32
    %dma_start3A_1067 = arith.constant 0 : i32
    %dma_start3A_1068 = tpu.memref_slice %arg7[%dma_start3A_1065, %dma_start3A_1066, %dma_start3A_1067] : memref<5x512x16xf32, #tpu.memory_space<vmem>> -> memref<1x128x16xf32, #tpu.memory_space<vmem>>
    %dma_start3A_1069 = tpu.memref_squeeze %dma_start3A_1068 : memref<1x128x16xf32, #tpu.memory_space<vmem>> -> memref<128x16xf32, #tpu.memory_space<vmem>>
    %dma_start3A_1070 = arith.constant 1280 : i32
    %dma_start3A_1071 = tpu.memref_slice %arg6[%dma_start3A_1070] : memref<2560xi32, #tpu.memory_space<vmem>> -> memref<128xi32, #tpu.memory_space<vmem>>
    %dma_start3A_1072 = arith.constant 0 : i32
    %dma_start3A_1073 = arith.constant 0 : i32
    %dma_start3A_1074 = tpu.memref_slice %arg3[%dma_start3A_1072, %dma_start3A_1073] : memref<1000000x16xf32, #tpu.memory_space<hbm>> -> memref<1000000x16xf32, #tpu.memory_space<hbm>>
    tpu.enqueue_indirect_dma source(%dma_start3A_1074 : memref<1000000x16xf32, #tpu.memory_space<hbm>>) target(%dma_start3A_1069 : memref<128x16xf32, #tpu.memory_space<vmem>>) offsets(%dma_start3A_1071 : memref<128xi32, #tpu.memory_space<vmem>>) semaphore(%arg8 : memref<!tpu.dma_semaphore, #tpu.memory_space<semaphore_mem>>)
    %dma_start3A_1075 = arith.constant 2 : i32
    %dma_start3A_1076 = arith.constant 384 : i32
    %dma_start3A_1077 = arith.constant 0 : i32
    %dma_start3A_1078 = tpu.memref_slice %arg7[%dma_start3A_1075, %dma_start3A_1076, %dma_start3A_1077] : memref<5x512x16xf32, #tpu.memory_space<vmem>> -> memref<1x128x16xf32, #tpu.memory_space<vmem>>
    %dma_start3A_1079 = tpu.memref_squeeze %dma_start3A_1078 : memref<1x128x16xf32, #tpu.memory_space<vmem>> -> memref<128x16xf32, #tpu.memory_space<vmem>>
    %dma_start3A_1080 = arith.constant 1408 : i32
    %dma_start3A_1081 = tpu.memref_slice %arg6[%dma_start3A_1080] : memref<2560xi32, #tpu.memory_space<vmem>> -> memref<128xi32, #tpu.memory_space<vmem>>
    %dma_start3A_1082 = arith.constant 0 : i32
    %dma_start3A_1083 = arith.constant 0 : i32
    %dma_start3A_1084 = tpu.memref_slice %arg3[%dma_start3A_1082, %dma_start3A_1083] : memref<1000000x16xf32, #tpu.memory_space<hbm>> -> memref<1000000x16xf32, #tpu.memory_space<hbm>>
    tpu.enqueue_indirect_dma source(%dma_start3A_1084 : memref<1000000x16xf32, #tpu.memory_space<hbm>>) target(%dma_start3A_1079 : memref<128x16xf32, #tpu.memory_space<vmem>>) offsets(%dma_start3A_1081 : memref<128xi32, #tpu.memory_space<vmem>>) semaphore(%arg8 : memref<!tpu.dma_semaphore, #tpu.memory_space<semaphore_mem>>)
    %dma_start3A_1085 = arith.constant 3 : i32
    %dma_start3A_1086 = arith.constant 0 : i32
    %dma_start3A_1087 = arith.constant 0 : i32
    %dma_start3A_1088 = tpu.memref_slice %arg7[%dma_start3A_1085, %dma_start3A_1086, %dma_start3A_1087] : memref<5x512x16xf32, #tpu.memory_space<vmem>> -> memref<1x128x16xf32, #tpu.memory_space<vmem>>
    %dma_start3A_1089 = tpu.memref_squeeze %dma_start3A_1088 : memref<1x128x16xf32, #tpu.memory_space<vmem>> -> memref<128x16xf32, #tpu.memory_space<vmem>>
    %dma_start3A_1090 = arith.constant 1536 : i32
    %dma_start3A_1091 = tpu.memref_slice %arg6[%dma_start3A_1090] : memref<2560xi32, #tpu.memory_space<vmem>> -> memref<128xi32, #tpu.memory_space<vmem>>
    %dma_start3A_1092 = arith.constant 0 : i32
    %dma_start3A_1093 = arith.constant 0 : i32
    %dma_start3A_1094 = tpu.memref_slice %arg3[%dma_start3A_1092, %dma_start3A_1093] : memref<1000000x16xf32, #tpu.memory_space<hbm>> -> memref<1000000x16xf32, #tpu.memory_space<hbm>>
    tpu.enqueue_indirect_dma source(%dma_start3A_1094 : memref<1000000x16xf32, #tpu.memory_space<hbm>>) target(%dma_start3A_1089 : memref<128x16xf32, #tpu.memory_space<vmem>>) offsets(%dma_start3A_1091 : memref<128xi32, #tpu.memory_space<vmem>>) semaphore(%arg8 : memref<!tpu.dma_semaphore, #tpu.memory_space<semaphore_mem>>)
    %dma_start3A_1095 = arith.constant 3 : i32
    %dma_start3A_1096 = arith.constant 128 : i32
    %dma_start3A_1097 = arith.constant 0 : i32
    %dma_start3A_1098 = tpu.memref_slice %arg7[%dma_start3A_1095, %dma_start3A_1096, %dma_start3A_1097] : memref<5x512x16xf32, #tpu.memory_space<vmem>> -> memref<1x128x16xf32, #tpu.memory_space<vmem>>
    %dma_start3A_1099 = tpu.memref_squeeze %dma_start3A_1098 : memref<1x128x16xf32, #tpu.memory_space<vmem>> -> memref<128x16xf32, #tpu.memory_space<vmem>>
    %dma_start3A_1100 = arith.constant 1664 : i32
    %dma_start3A_1101 = tpu.memref_slice %arg6[%dma_start3A_1100] : memref<2560xi32, #tpu.memory_space<vmem>> -> memref<128xi32, #tpu.memory_space<vmem>>
    %dma_start3A_1102 = arith.constant 0 : i32
    %dma_start3A_1103 = arith.constant 0 : i32
    %dma_start3A_1104 = tpu.memref_slice %arg3[%dma_start3A_1102, %dma_start3A_1103] : memref<1000000x16xf32, #tpu.memory_space<hbm>> -> memref<1000000x16xf32, #tpu.memory_space<hbm>>
    tpu.enqueue_indirect_dma source(%dma_start3A_1104 : memref<1000000x16xf32, #tpu.memory_space<hbm>>) target(%dma_start3A_1099 : memref<128x16xf32, #tpu.memory_space<vmem>>) offsets(%dma_start3A_1101 : memref<128xi32, #tpu.memory_space<vmem>>) semaphore(%arg8 : memref<!tpu.dma_semaphore, #tpu.memory_space<semaphore_mem>>)
    %dma_start3A_1105 = arith.constant 3 : i32
    %dma_start3A_1106 = arith.constant 256 : i32
    %dma_start3A_1107 = arith.constant 0 : i32
    %dma_start3A_1108 = tpu.memref_slice %arg7[%dma_start3A_1105, %dma_start3A_1106, %dma_start3A_1107] : memref<5x512x16xf32, #tpu.memory_space<vmem>> -> memref<1x128x16xf32, #tpu.memory_space<vmem>>
    %dma_start3A_1109 = tpu.memref_squeeze %dma_start3A_1108 : memref<1x128x16xf32, #tpu.memory_space<vmem>> -> memref<128x16xf32, #tpu.memory_space<vmem>>
    %dma_start3A_1110 = arith.constant 1792 : i32
    %dma_start3A_1111 = tpu.memref_slice %arg6[%dma_start3A_1110] : memref<2560xi32, #tpu.memory_space<vmem>> -> memref<128xi32, #tpu.memory_space<vmem>>
    %dma_start3A_1112 = arith.constant 0 : i32
    %dma_start3A_1113 = arith.constant 0 : i32
    %dma_start3A_1114 = tpu.memref_slice %arg3[%dma_start3A_1112, %dma_start3A_1113] : memref<1000000x16xf32, #tpu.memory_space<hbm>> -> memref<1000000x16xf32, #tpu.memory_space<hbm>>
    tpu.enqueue_indirect_dma source(%dma_start3A_1114 : memref<1000000x16xf32, #tpu.memory_space<hbm>>) target(%dma_start3A_1109 : memref<128x16xf32, #tpu.memory_space<vmem>>) offsets(%dma_start3A_1111 : memref<128xi32, #tpu.memory_space<vmem>>) semaphore(%arg8 : memref<!tpu.dma_semaphore, #tpu.memory_space<semaphore_mem>>)
    %dma_start3A_1115 = arith.constant 3 : i32
    %dma_start3A_1116 = arith.constant 384 : i32
    %dma_start3A_1117 = arith.constant 0 : i32
    %dma_start3A_1118 = tpu.memref_slice %arg7[%dma_start3A_1115, %dma_start3A_1116, %dma_start3A_1117] : memref<5x512x16xf32, #tpu.memory_space<vmem>> -> memref<1x128x16xf32, #tpu.memory_space<vmem>>
    %dma_start3A_1119 = tpu.memref_squeeze %dma_start3A_1118 : memref<1x128x16xf32, #tpu.memory_space<vmem>> -> memref<128x16xf32, #tpu.memory_space<vmem>>
    %dma_start3A_1120 = arith.constant 1920 : i32
    %dma_start3A_1121 = tpu.memref_slice %arg6[%dma_start3A_1120] : memref<2560xi32, #tpu.memory_space<vmem>> -> memref<128xi32, #tpu.memory_space<vmem>>
    %dma_start3A_1122 = arith.constant 0 : i32
    %dma_start3A_1123 = arith.constant 0 : i32
    %dma_start3A_1124 = tpu.memref_slice %arg3[%dma_start3A_1122, %dma_start3A_1123] : memref<1000000x16xf32, #tpu.memory_space<hbm>> -> memref<1000000x16xf32, #tpu.memory_space<hbm>>
    tpu.enqueue_indirect_dma source(%dma_start3A_1124 : memref<1000000x16xf32, #tpu.memory_space<hbm>>) target(%dma_start3A_1119 : memref<128x16xf32, #tpu.memory_space<vmem>>) offsets(%dma_start3A_1121 : memref<128xi32, #tpu.memory_space<vmem>>) semaphore(%arg8 : memref<!tpu.dma_semaphore, #tpu.memory_space<semaphore_mem>>)
    %dma_start3A_1125 = arith.constant 4 : i32
    %dma_start3A_1126 = arith.constant 0 : i32
    %dma_start3A_1127 = arith.constant 0 : i32
    %dma_start3A_1128 = tpu.memref_slice %arg7[%dma_start3A_1125, %dma_start3A_1126, %dma_start3A_1127] : memref<5x512x16xf32, #tpu.memory_space<vmem>> -> memref<1x128x16xf32, #tpu.memory_space<vmem>>
    %dma_start3A_1129 = tpu.memref_squeeze %dma_start3A_1128 : memref<1x128x16xf32, #tpu.memory_space<vmem>> -> memref<128x16xf32, #tpu.memory_space<vmem>>
    %dma_start3A_1130 = arith.constant 2048 : i32
    %dma_start3A_1131 = tpu.memref_slice %arg6[%dma_start3A_1130] : memref<2560xi32, #tpu.memory_space<vmem>> -> memref<128xi32, #tpu.memory_space<vmem>>
    %dma_start3A_1132 = arith.constant 0 : i32
    %dma_start3A_1133 = arith.constant 0 : i32
    %dma_start3A_1134 = tpu.memref_slice %arg3[%dma_start3A_1132, %dma_start3A_1133] : memref<1000000x16xf32, #tpu.memory_space<hbm>> -> memref<1000000x16xf32, #tpu.memory_space<hbm>>
    tpu.enqueue_indirect_dma source(%dma_start3A_1134 : memref<1000000x16xf32, #tpu.memory_space<hbm>>) target(%dma_start3A_1129 : memref<128x16xf32, #tpu.memory_space<vmem>>) offsets(%dma_start3A_1131 : memref<128xi32, #tpu.memory_space<vmem>>) semaphore(%arg8 : memref<!tpu.dma_semaphore, #tpu.memory_space<semaphore_mem>>)
    %dma_start3A_1135 = arith.constant 4 : i32
    %dma_start3A_1136 = arith.constant 128 : i32
    %dma_start3A_1137 = arith.constant 0 : i32
    %dma_start3A_1138 = tpu.memref_slice %arg7[%dma_start3A_1135, %dma_start3A_1136, %dma_start3A_1137] : memref<5x512x16xf32, #tpu.memory_space<vmem>> -> memref<1x128x16xf32, #tpu.memory_space<vmem>>
    %dma_start3A_1139 = tpu.memref_squeeze %dma_start3A_1138 : memref<1x128x16xf32, #tpu.memory_space<vmem>> -> memref<128x16xf32, #tpu.memory_space<vmem>>
    %dma_start3A_1140 = arith.constant 2176 : i32
    %dma_start3A_1141 = tpu.memref_slice %arg6[%dma_start3A_1140] : memref<2560xi32, #tpu.memory_space<vmem>> -> memref<128xi32, #tpu.memory_space<vmem>>
    %dma_start3A_1142 = arith.constant 0 : i32
    %dma_start3A_1143 = arith.constant 0 : i32
    %dma_start3A_1144 = tpu.memref_slice %arg3[%dma_start3A_1142, %dma_start3A_1143] : memref<1000000x16xf32, #tpu.memory_space<hbm>> -> memref<1000000x16xf32, #tpu.memory_space<hbm>>
    tpu.enqueue_indirect_dma source(%dma_start3A_1144 : memref<1000000x16xf32, #tpu.memory_space<hbm>>) target(%dma_start3A_1139 : memref<128x16xf32, #tpu.memory_space<vmem>>) offsets(%dma_start3A_1141 : memref<128xi32, #tpu.memory_space<vmem>>) semaphore(%arg8 : memref<!tpu.dma_semaphore, #tpu.memory_space<semaphore_mem>>)
    %dma_start3A_1145 = arith.constant 4 : i32
    %dma_start3A_1146 = arith.constant 256 : i32
    %dma_start3A_1147 = arith.constant 0 : i32
    %dma_start3A_1148 = tpu.memref_slice %arg7[%dma_start3A_1145, %dma_start3A_1146, %dma_start3A_1147] : memref<5x512x16xf32, #tpu.memory_space<vmem>> -> memref<1x128x16xf32, #tpu.memory_space<vmem>>
    %dma_start3A_1149 = tpu.memref_squeeze %dma_start3A_1148 : memref<1x128x16xf32, #tpu.memory_space<vmem>> -> memref<128x16xf32, #tpu.memory_space<vmem>>
    %dma_start3A_1150 = arith.constant 2304 : i32
    %dma_start3A_1151 = tpu.memref_slice %arg6[%dma_start3A_1150] : memref<2560xi32, #tpu.memory_space<vmem>> -> memref<128xi32, #tpu.memory_space<vmem>>
    %dma_start3A_1152 = arith.constant 0 : i32
    %dma_start3A_1153 = arith.constant 0 : i32
    %dma_start3A_1154 = tpu.memref_slice %arg3[%dma_start3A_1152, %dma_start3A_1153] : memref<1000000x16xf32, #tpu.memory_space<hbm>> -> memref<1000000x16xf32, #tpu.memory_space<hbm>>
    tpu.enqueue_indirect_dma source(%dma_start3A_1154 : memref<1000000x16xf32, #tpu.memory_space<hbm>>) target(%dma_start3A_1149 : memref<128x16xf32, #tpu.memory_space<vmem>>) offsets(%dma_start3A_1151 : memref<128xi32, #tpu.memory_space<vmem>>) semaphore(%arg8 : memref<!tpu.dma_semaphore, #tpu.memory_space<semaphore_mem>>)
    %dma_start3A_1155 = arith.constant 4 : i32
    %dma_start3A_1156 = arith.constant 384 : i32
    %dma_start3A_1157 = arith.constant 0 : i32
    %dma_start3A_1158 = tpu.memref_slice %arg7[%dma_start3A_1155, %dma_start3A_1156, %dma_start3A_1157] : memref<5x512x16xf32, #tpu.memory_space<vmem>> -> memref<1x128x16xf32, #tpu.memory_space<vmem>>
    %dma_start3A_1159 = tpu.memref_squeeze %dma_start3A_1158 : memref<1x128x16xf32, #tpu.memory_space<vmem>> -> memref<128x16xf32, #tpu.memory_space<vmem>>
    %dma_start3A_1160 = arith.constant 2432 : i32
    %dma_start3A_1161 = tpu.memref_slice %arg6[%dma_start3A_1160] : memref<2560xi32, #tpu.memory_space<vmem>> -> memref<128xi32, #tpu.memory_space<vmem>>
    %dma_start3A_1162 = arith.constant 0 : i32
    %dma_start3A_1163 = arith.constant 0 : i32
    %dma_start3A_1164 = tpu.memref_slice %arg3[%dma_start3A_1162, %dma_start3A_1163] : memref<1000000x16xf32, #tpu.memory_space<hbm>> -> memref<1000000x16xf32, #tpu.memory_space<hbm>>
    tpu.enqueue_indirect_dma source(%dma_start3A_1164 : memref<1000000x16xf32, #tpu.memory_space<hbm>>) target(%dma_start3A_1159 : memref<128x16xf32, #tpu.memory_space<vmem>>) offsets(%dma_start3A_1161 : memref<128xi32, #tpu.memory_space<vmem>>) semaphore(%arg8 : memref<!tpu.dma_semaphore, #tpu.memory_space<semaphore_mem>>)
    %dma_wait3A = arith.constant 0 : i32
    %dma_wait3A_1165 = arith.constant 0 : i32
    %dma_wait3A_1166 = arith.constant 0 : i32
    %dma_wait3A_1167 = tpu.memref_slice %arg7[%dma_wait3A, %dma_wait3A_1165, %dma_wait3A_1166] : memref<5x512x16xf32, #tpu.memory_space<vmem>> -> memref<1x128x16xf32, #tpu.memory_space<vmem>>
    %dma_wait3A_1168 = tpu.memref_squeeze %dma_wait3A_1167 : memref<1x128x16xf32, #tpu.memory_space<vmem>> -> memref<128x16xf32, #tpu.memory_space<vmem>>
    %dma_wait3A_1169 = arith.constant 0 : i32
    %dma_wait3A_1170 = tpu.memref_slice %arg6[%dma_wait3A_1169] : memref<2560xi32, #tpu.memory_space<vmem>> -> memref<128xi32, #tpu.memory_space<vmem>>
    %dma_wait3A_1171 = arith.constant 0 : i32
    %dma_wait3A_1172 = arith.constant 0 : i32
    %dma_wait3A_1173 = tpu.memref_slice %arg3[%dma_wait3A_1171, %dma_wait3A_1172] : memref<1000000x16xf32, #tpu.memory_space<hbm>> -> memref<1000000x16xf32, #tpu.memory_space<hbm>>
    tpu.wait_indirect_dma semaphore(%arg8 : memref<!tpu.dma_semaphore, #tpu.memory_space<semaphore_mem>>) src(%dma_wait3A_1173 : memref<1000000x16xf32, #tpu.memory_space<hbm>>) dst(%dma_wait3A_1168 : memref<128x16xf32, #tpu.memory_space<vmem>>)
    %dma_wait3A_1174 = arith.constant 0 : i32
    %dma_wait3A_1175 = arith.constant 128 : i32
    %dma_wait3A_1176 = arith.constant 0 : i32
    %dma_wait3A_1177 = tpu.memref_slice %arg7[%dma_wait3A_1174, %dma_wait3A_1175, %dma_wait3A_1176] : memref<5x512x16xf32, #tpu.memory_space<vmem>> -> memref<1x128x16xf32, #tpu.memory_space<vmem>>
    %dma_wait3A_1178 = tpu.memref_squeeze %dma_wait3A_1177 : memref<1x128x16xf32, #tpu.memory_space<vmem>> -> memref<128x16xf32, #tpu.memory_space<vmem>>
    %dma_wait3A_1179 = arith.constant 128 : i32
    %dma_wait3A_1180 = tpu.memref_slice %arg6[%dma_wait3A_1179] : memref<2560xi32, #tpu.memory_space<vmem>> -> memref<128xi32, #tpu.memory_space<vmem>>
    %dma_wait3A_1181 = arith.constant 0 : i32
    %dma_wait3A_1182 = arith.constant 0 : i32
    %dma_wait3A_1183 = tpu.memref_slice %arg3[%dma_wait3A_1181, %dma_wait3A_1182] : memref<1000000x16xf32, #tpu.memory_space<hbm>> -> memref<1000000x16xf32, #tpu.memory_space<hbm>>
    tpu.wait_indirect_dma semaphore(%arg8 : memref<!tpu.dma_semaphore, #tpu.memory_space<semaphore_mem>>) src(%dma_wait3A_1183 : memref<1000000x16xf32, #tpu.memory_space<hbm>>) dst(%dma_wait3A_1178 : memref<128x16xf32, #tpu.memory_space<vmem>>)
    %dma_wait3A_1184 = arith.constant 0 : i32
    %dma_wait3A_1185 = arith.constant 256 : i32
    %dma_wait3A_1186 = arith.constant 0 : i32
    %dma_wait3A_1187 = tpu.memref_slice %arg7[%dma_wait3A_1184, %dma_wait3A_1185, %dma_wait3A_1186] : memref<5x512x16xf32, #tpu.memory_space<vmem>> -> memref<1x128x16xf32, #tpu.memory_space<vmem>>
    %dma_wait3A_1188 = tpu.memref_squeeze %dma_wait3A_1187 : memref<1x128x16xf32, #tpu.memory_space<vmem>> -> memref<128x16xf32, #tpu.memory_space<vmem>>
    %dma_wait3A_1189 = arith.constant 256 : i32
    %dma_wait3A_1190 = tpu.memref_slice %arg6[%dma_wait3A_1189] : memref<2560xi32, #tpu.memory_space<vmem>> -> memref<128xi32, #tpu.memory_space<vmem>>
    %dma_wait3A_1191 = arith.constant 0 : i32
    %dma_wait3A_1192 = arith.constant 0 : i32
    %dma_wait3A_1193 = tpu.memref_slice %arg3[%dma_wait3A_1191, %dma_wait3A_1192] : memref<1000000x16xf32, #tpu.memory_space<hbm>> -> memref<1000000x16xf32, #tpu.memory_space<hbm>>
    tpu.wait_indirect_dma semaphore(%arg8 : memref<!tpu.dma_semaphore, #tpu.memory_space<semaphore_mem>>) src(%dma_wait3A_1193 : memref<1000000x16xf32, #tpu.memory_space<hbm>>) dst(%dma_wait3A_1188 : memref<128x16xf32, #tpu.memory_space<vmem>>)
    %dma_wait3A_1194 = arith.constant 0 : i32
    %dma_wait3A_1195 = arith.constant 384 : i32
    %dma_wait3A_1196 = arith.constant 0 : i32
    %dma_wait3A_1197 = tpu.memref_slice %arg7[%dma_wait3A_1194, %dma_wait3A_1195, %dma_wait3A_1196] : memref<5x512x16xf32, #tpu.memory_space<vmem>> -> memref<1x128x16xf32, #tpu.memory_space<vmem>>
    %dma_wait3A_1198 = tpu.memref_squeeze %dma_wait3A_1197 : memref<1x128x16xf32, #tpu.memory_space<vmem>> -> memref<128x16xf32, #tpu.memory_space<vmem>>
    %dma_wait3A_1199 = arith.constant 384 : i32
    %dma_wait3A_1200 = tpu.memref_slice %arg6[%dma_wait3A_1199] : memref<2560xi32, #tpu.memory_space<vmem>> -> memref<128xi32, #tpu.memory_space<vmem>>
    %dma_wait3A_1201 = arith.constant 0 : i32
    %dma_wait3A_1202 = arith.constant 0 : i32
    %dma_wait3A_1203 = tpu.memref_slice %arg3[%dma_wait3A_1201, %dma_wait3A_1202] : memref<1000000x16xf32, #tpu.memory_space<hbm>> -> memref<1000000x16xf32, #tpu.memory_space<hbm>>
    tpu.wait_indirect_dma semaphore(%arg8 : memref<!tpu.dma_semaphore, #tpu.memory_space<semaphore_mem>>) src(%dma_wait3A_1203 : memref<1000000x16xf32, #tpu.memory_space<hbm>>) dst(%dma_wait3A_1198 : memref<128x16xf32, #tpu.memory_space<vmem>>)
    %dma_wait3A_1204 = arith.constant 1 : i32
    %dma_wait3A_1205 = arith.constant 0 : i32
    %dma_wait3A_1206 = arith.constant 0 : i32
    %dma_wait3A_1207 = tpu.memref_slice %arg7[%dma_wait3A_1204, %dma_wait3A_1205, %dma_wait3A_1206] : memref<5x512x16xf32, #tpu.memory_space<vmem>> -> memref<1x128x16xf32, #tpu.memory_space<vmem>>
    %dma_wait3A_1208 = tpu.memref_squeeze %dma_wait3A_1207 : memref<1x128x16xf32, #tpu.memory_space<vmem>> -> memref<128x16xf32, #tpu.memory_space<vmem>>
    %dma_wait3A_1209 = arith.constant 512 : i32
    %dma_wait3A_1210 = tpu.memref_slice %arg6[%dma_wait3A_1209] : memref<2560xi32, #tpu.memory_space<vmem>> -> memref<128xi32, #tpu.memory_space<vmem>>
    %dma_wait3A_1211 = arith.constant 0 : i32
    %dma_wait3A_1212 = arith.constant 0 : i32
    %dma_wait3A_1213 = tpu.memref_slice %arg3[%dma_wait3A_1211, %dma_wait3A_1212] : memref<1000000x16xf32, #tpu.memory_space<hbm>> -> memref<1000000x16xf32, #tpu.memory_space<hbm>>
    tpu.wait_indirect_dma semaphore(%arg8 : memref<!tpu.dma_semaphore, #tpu.memory_space<semaphore_mem>>) src(%dma_wait3A_1213 : memref<1000000x16xf32, #tpu.memory_space<hbm>>) dst(%dma_wait3A_1208 : memref<128x16xf32, #tpu.memory_space<vmem>>)
    %dma_wait3A_1214 = arith.constant 1 : i32
    %dma_wait3A_1215 = arith.constant 128 : i32
    %dma_wait3A_1216 = arith.constant 0 : i32
    %dma_wait3A_1217 = tpu.memref_slice %arg7[%dma_wait3A_1214, %dma_wait3A_1215, %dma_wait3A_1216] : memref<5x512x16xf32, #tpu.memory_space<vmem>> -> memref<1x128x16xf32, #tpu.memory_space<vmem>>
    %dma_wait3A_1218 = tpu.memref_squeeze %dma_wait3A_1217 : memref<1x128x16xf32, #tpu.memory_space<vmem>> -> memref<128x16xf32, #tpu.memory_space<vmem>>
    %dma_wait3A_1219 = arith.constant 640 : i32
    %dma_wait3A_1220 = tpu.memref_slice %arg6[%dma_wait3A_1219] : memref<2560xi32, #tpu.memory_space<vmem>> -> memref<128xi32, #tpu.memory_space<vmem>>
    %dma_wait3A_1221 = arith.constant 0 : i32
    %dma_wait3A_1222 = arith.constant 0 : i32
    %dma_wait3A_1223 = tpu.memref_slice %arg3[%dma_wait3A_1221, %dma_wait3A_1222] : memref<1000000x16xf32, #tpu.memory_space<hbm>> -> memref<1000000x16xf32, #tpu.memory_space<hbm>>
    tpu.wait_indirect_dma semaphore(%arg8 : memref<!tpu.dma_semaphore, #tpu.memory_space<semaphore_mem>>) src(%dma_wait3A_1223 : memref<1000000x16xf32, #tpu.memory_space<hbm>>) dst(%dma_wait3A_1218 : memref<128x16xf32, #tpu.memory_space<vmem>>)
    %dma_wait3A_1224 = arith.constant 1 : i32
    %dma_wait3A_1225 = arith.constant 256 : i32
    %dma_wait3A_1226 = arith.constant 0 : i32
    %dma_wait3A_1227 = tpu.memref_slice %arg7[%dma_wait3A_1224, %dma_wait3A_1225, %dma_wait3A_1226] : memref<5x512x16xf32, #tpu.memory_space<vmem>> -> memref<1x128x16xf32, #tpu.memory_space<vmem>>
    %dma_wait3A_1228 = tpu.memref_squeeze %dma_wait3A_1227 : memref<1x128x16xf32, #tpu.memory_space<vmem>> -> memref<128x16xf32, #tpu.memory_space<vmem>>
    %dma_wait3A_1229 = arith.constant 768 : i32
    %dma_wait3A_1230 = tpu.memref_slice %arg6[%dma_wait3A_1229] : memref<2560xi32, #tpu.memory_space<vmem>> -> memref<128xi32, #tpu.memory_space<vmem>>
    %dma_wait3A_1231 = arith.constant 0 : i32
    %dma_wait3A_1232 = arith.constant 0 : i32
    %dma_wait3A_1233 = tpu.memref_slice %arg3[%dma_wait3A_1231, %dma_wait3A_1232] : memref<1000000x16xf32, #tpu.memory_space<hbm>> -> memref<1000000x16xf32, #tpu.memory_space<hbm>>
    tpu.wait_indirect_dma semaphore(%arg8 : memref<!tpu.dma_semaphore, #tpu.memory_space<semaphore_mem>>) src(%dma_wait3A_1233 : memref<1000000x16xf32, #tpu.memory_space<hbm>>) dst(%dma_wait3A_1228 : memref<128x16xf32, #tpu.memory_space<vmem>>)
    %dma_wait3A_1234 = arith.constant 1 : i32
    %dma_wait3A_1235 = arith.constant 384 : i32
    %dma_wait3A_1236 = arith.constant 0 : i32
    %dma_wait3A_1237 = tpu.memref_slice %arg7[%dma_wait3A_1234, %dma_wait3A_1235, %dma_wait3A_1236] : memref<5x512x16xf32, #tpu.memory_space<vmem>> -> memref<1x128x16xf32, #tpu.memory_space<vmem>>
    %dma_wait3A_1238 = tpu.memref_squeeze %dma_wait3A_1237 : memref<1x128x16xf32, #tpu.memory_space<vmem>> -> memref<128x16xf32, #tpu.memory_space<vmem>>
    %dma_wait3A_1239 = arith.constant 896 : i32
    %dma_wait3A_1240 = tpu.memref_slice %arg6[%dma_wait3A_1239] : memref<2560xi32, #tpu.memory_space<vmem>> -> memref<128xi32, #tpu.memory_space<vmem>>
    %dma_wait3A_1241 = arith.constant 0 : i32
    %dma_wait3A_1242 = arith.constant 0 : i32
    %dma_wait3A_1243 = tpu.memref_slice %arg3[%dma_wait3A_1241, %dma_wait3A_1242] : memref<1000000x16xf32, #tpu.memory_space<hbm>> -> memref<1000000x16xf32, #tpu.memory_space<hbm>>
    tpu.wait_indirect_dma semaphore(%arg8 : memref<!tpu.dma_semaphore, #tpu.memory_space<semaphore_mem>>) src(%dma_wait3A_1243 : memref<1000000x16xf32, #tpu.memory_space<hbm>>) dst(%dma_wait3A_1238 : memref<128x16xf32, #tpu.memory_space<vmem>>)
    %dma_wait3A_1244 = arith.constant 2 : i32
    %dma_wait3A_1245 = arith.constant 0 : i32
    %dma_wait3A_1246 = arith.constant 0 : i32
    %dma_wait3A_1247 = tpu.memref_slice %arg7[%dma_wait3A_1244, %dma_wait3A_1245, %dma_wait3A_1246] : memref<5x512x16xf32, #tpu.memory_space<vmem>> -> memref<1x128x16xf32, #tpu.memory_space<vmem>>
    %dma_wait3A_1248 = tpu.memref_squeeze %dma_wait3A_1247 : memref<1x128x16xf32, #tpu.memory_space<vmem>> -> memref<128x16xf32, #tpu.memory_space<vmem>>
    %dma_wait3A_1249 = arith.constant 1024 : i32
    %dma_wait3A_1250 = tpu.memref_slice %arg6[%dma_wait3A_1249] : memref<2560xi32, #tpu.memory_space<vmem>> -> memref<128xi32, #tpu.memory_space<vmem>>
    %dma_wait3A_1251 = arith.constant 0 : i32
    %dma_wait3A_1252 = arith.constant 0 : i32
    %dma_wait3A_1253 = tpu.memref_slice %arg3[%dma_wait3A_1251, %dma_wait3A_1252] : memref<1000000x16xf32, #tpu.memory_space<hbm>> -> memref<1000000x16xf32, #tpu.memory_space<hbm>>
    tpu.wait_indirect_dma semaphore(%arg8 : memref<!tpu.dma_semaphore, #tpu.memory_space<semaphore_mem>>) src(%dma_wait3A_1253 : memref<1000000x16xf32, #tpu.memory_space<hbm>>) dst(%dma_wait3A_1248 : memref<128x16xf32, #tpu.memory_space<vmem>>)
    %dma_wait3A_1254 = arith.constant 2 : i32
    %dma_wait3A_1255 = arith.constant 128 : i32
    %dma_wait3A_1256 = arith.constant 0 : i32
    %dma_wait3A_1257 = tpu.memref_slice %arg7[%dma_wait3A_1254, %dma_wait3A_1255, %dma_wait3A_1256] : memref<5x512x16xf32, #tpu.memory_space<vmem>> -> memref<1x128x16xf32, #tpu.memory_space<vmem>>
    %dma_wait3A_1258 = tpu.memref_squeeze %dma_wait3A_1257 : memref<1x128x16xf32, #tpu.memory_space<vmem>> -> memref<128x16xf32, #tpu.memory_space<vmem>>
    %dma_wait3A_1259 = arith.constant 1152 : i32
    %dma_wait3A_1260 = tpu.memref_slice %arg6[%dma_wait3A_1259] : memref<2560xi32, #tpu.memory_space<vmem>> -> memref<128xi32, #tpu.memory_space<vmem>>
    %dma_wait3A_1261 = arith.constant 0 : i32
    %dma_wait3A_1262 = arith.constant 0 : i32
    %dma_wait3A_1263 = tpu.memref_slice %arg3[%dma_wait3A_1261, %dma_wait3A_1262] : memref<1000000x16xf32, #tpu.memory_space<hbm>> -> memref<1000000x16xf32, #tpu.memory_space<hbm>>
    tpu.wait_indirect_dma semaphore(%arg8 : memref<!tpu.dma_semaphore, #tpu.memory_space<semaphore_mem>>) src(%dma_wait3A_1263 : memref<1000000x16xf32, #tpu.memory_space<hbm>>) dst(%dma_wait3A_1258 : memref<128x16xf32, #tpu.memory_space<vmem>>)
    %dma_wait3A_1264 = arith.constant 2 : i32
    %dma_wait3A_1265 = arith.constant 256 : i32
    %dma_wait3A_1266 = arith.constant 0 : i32
    %dma_wait3A_1267 = tpu.memref_slice %arg7[%dma_wait3A_1264, %dma_wait3A_1265, %dma_wait3A_1266] : memref<5x512x16xf32, #tpu.memory_space<vmem>> -> memref<1x128x16xf32, #tpu.memory_space<vmem>>
    %dma_wait3A_1268 = tpu.memref_squeeze %dma_wait3A_1267 : memref<1x128x16xf32, #tpu.memory_space<vmem>> -> memref<128x16xf32, #tpu.memory_space<vmem>>
    %dma_wait3A_1269 = arith.constant 1280 : i32
    %dma_wait3A_1270 = tpu.memref_slice %arg6[%dma_wait3A_1269] : memref<2560xi32, #tpu.memory_space<vmem>> -> memref<128xi32, #tpu.memory_space<vmem>>
    %dma_wait3A_1271 = arith.constant 0 : i32
    %dma_wait3A_1272 = arith.constant 0 : i32
    %dma_wait3A_1273 = tpu.memref_slice %arg3[%dma_wait3A_1271, %dma_wait3A_1272] : memref<1000000x16xf32, #tpu.memory_space<hbm>> -> memref<1000000x16xf32, #tpu.memory_space<hbm>>
    tpu.wait_indirect_dma semaphore(%arg8 : memref<!tpu.dma_semaphore, #tpu.memory_space<semaphore_mem>>) src(%dma_wait3A_1273 : memref<1000000x16xf32, #tpu.memory_space<hbm>>) dst(%dma_wait3A_1268 : memref<128x16xf32, #tpu.memory_space<vmem>>)
    %dma_wait3A_1274 = arith.constant 2 : i32
    %dma_wait3A_1275 = arith.constant 384 : i32
    %dma_wait3A_1276 = arith.constant 0 : i32
    %dma_wait3A_1277 = tpu.memref_slice %arg7[%dma_wait3A_1274, %dma_wait3A_1275, %dma_wait3A_1276] : memref<5x512x16xf32, #tpu.memory_space<vmem>> -> memref<1x128x16xf32, #tpu.memory_space<vmem>>
    %dma_wait3A_1278 = tpu.memref_squeeze %dma_wait3A_1277 : memref<1x128x16xf32, #tpu.memory_space<vmem>> -> memref<128x16xf32, #tpu.memory_space<vmem>>
    %dma_wait3A_1279 = arith.constant 1408 : i32
    %dma_wait3A_1280 = tpu.memref_slice %arg6[%dma_wait3A_1279] : memref<2560xi32, #tpu.memory_space<vmem>> -> memref<128xi32, #tpu.memory_space<vmem>>
    %dma_wait3A_1281 = arith.constant 0 : i32
    %dma_wait3A_1282 = arith.constant 0 : i32
    %dma_wait3A_1283 = tpu.memref_slice %arg3[%dma_wait3A_1281, %dma_wait3A_1282] : memref<1000000x16xf32, #tpu.memory_space<hbm>> -> memref<1000000x16xf32, #tpu.memory_space<hbm>>
    tpu.wait_indirect_dma semaphore(%arg8 : memref<!tpu.dma_semaphore, #tpu.memory_space<semaphore_mem>>) src(%dma_wait3A_1283 : memref<1000000x16xf32, #tpu.memory_space<hbm>>) dst(%dma_wait3A_1278 : memref<128x16xf32, #tpu.memory_space<vmem>>)
    %dma_wait3A_1284 = arith.constant 3 : i32
    %dma_wait3A_1285 = arith.constant 0 : i32
    %dma_wait3A_1286 = arith.constant 0 : i32
    %dma_wait3A_1287 = tpu.memref_slice %arg7[%dma_wait3A_1284, %dma_wait3A_1285, %dma_wait3A_1286] : memref<5x512x16xf32, #tpu.memory_space<vmem>> -> memref<1x128x16xf32, #tpu.memory_space<vmem>>
    %dma_wait3A_1288 = tpu.memref_squeeze %dma_wait3A_1287 : memref<1x128x16xf32, #tpu.memory_space<vmem>> -> memref<128x16xf32, #tpu.memory_space<vmem>>
    %dma_wait3A_1289 = arith.constant 1536 : i32
    %dma_wait3A_1290 = tpu.memref_slice %arg6[%dma_wait3A_1289] : memref<2560xi32, #tpu.memory_space<vmem>> -> memref<128xi32, #tpu.memory_space<vmem>>
    %dma_wait3A_1291 = arith.constant 0 : i32
    %dma_wait3A_1292 = arith.constant 0 : i32
    %dma_wait3A_1293 = tpu.memref_slice %arg3[%dma_wait3A_1291, %dma_wait3A_1292] : memref<1000000x16xf32, #tpu.memory_space<hbm>> -> memref<1000000x16xf32, #tpu.memory_space<hbm>>
    tpu.wait_indirect_dma semaphore(%arg8 : memref<!tpu.dma_semaphore, #tpu.memory_space<semaphore_mem>>) src(%dma_wait3A_1293 : memref<1000000x16xf32, #tpu.memory_space<hbm>>) dst(%dma_wait3A_1288 : memref<128x16xf32, #tpu.memory_space<vmem>>)
    %dma_wait3A_1294 = arith.constant 3 : i32
    %dma_wait3A_1295 = arith.constant 128 : i32
    %dma_wait3A_1296 = arith.constant 0 : i32
    %dma_wait3A_1297 = tpu.memref_slice %arg7[%dma_wait3A_1294, %dma_wait3A_1295, %dma_wait3A_1296] : memref<5x512x16xf32, #tpu.memory_space<vmem>> -> memref<1x128x16xf32, #tpu.memory_space<vmem>>
    %dma_wait3A_1298 = tpu.memref_squeeze %dma_wait3A_1297 : memref<1x128x16xf32, #tpu.memory_space<vmem>> -> memref<128x16xf32, #tpu.memory_space<vmem>>
    %dma_wait3A_1299 = arith.constant 1664 : i32
    %dma_wait3A_1300 = tpu.memref_slice %arg6[%dma_wait3A_1299] : memref<2560xi32, #tpu.memory_space<vmem>> -> memref<128xi32, #tpu.memory_space<vmem>>
    %dma_wait3A_1301 = arith.constant 0 : i32
    %dma_wait3A_1302 = arith.constant 0 : i32
    %dma_wait3A_1303 = tpu.memref_slice %arg3[%dma_wait3A_1301, %dma_wait3A_1302] : memref<1000000x16xf32, #tpu.memory_space<hbm>> -> memref<1000000x16xf32, #tpu.memory_space<hbm>>
    tpu.wait_indirect_dma semaphore(%arg8 : memref<!tpu.dma_semaphore, #tpu.memory_space<semaphore_mem>>) src(%dma_wait3A_1303 : memref<1000000x16xf32, #tpu.memory_space<hbm>>) dst(%dma_wait3A_1298 : memref<128x16xf32, #tpu.memory_space<vmem>>)
    %dma_wait3A_1304 = arith.constant 3 : i32
    %dma_wait3A_1305 = arith.constant 256 : i32
    %dma_wait3A_1306 = arith.constant 0 : i32
    %dma_wait3A_1307 = tpu.memref_slice %arg7[%dma_wait3A_1304, %dma_wait3A_1305, %dma_wait3A_1306] : memref<5x512x16xf32, #tpu.memory_space<vmem>> -> memref<1x128x16xf32, #tpu.memory_space<vmem>>
    %dma_wait3A_1308 = tpu.memref_squeeze %dma_wait3A_1307 : memref<1x128x16xf32, #tpu.memory_space<vmem>> -> memref<128x16xf32, #tpu.memory_space<vmem>>
    %dma_wait3A_1309 = arith.constant 1792 : i32
    %dma_wait3A_1310 = tpu.memref_slice %arg6[%dma_wait3A_1309] : memref<2560xi32, #tpu.memory_space<vmem>> -> memref<128xi32, #tpu.memory_space<vmem>>
    %dma_wait3A_1311 = arith.constant 0 : i32
    %dma_wait3A_1312 = arith.constant 0 : i32
    %dma_wait3A_1313 = tpu.memref_slice %arg3[%dma_wait3A_1311, %dma_wait3A_1312] : memref<1000000x16xf32, #tpu.memory_space<hbm>> -> memref<1000000x16xf32, #tpu.memory_space<hbm>>
    tpu.wait_indirect_dma semaphore(%arg8 : memref<!tpu.dma_semaphore, #tpu.memory_space<semaphore_mem>>) src(%dma_wait3A_1313 : memref<1000000x16xf32, #tpu.memory_space<hbm>>) dst(%dma_wait3A_1308 : memref<128x16xf32, #tpu.memory_space<vmem>>)
    %dma_wait3A_1314 = arith.constant 3 : i32
    %dma_wait3A_1315 = arith.constant 384 : i32
    %dma_wait3A_1316 = arith.constant 0 : i32
    %dma_wait3A_1317 = tpu.memref_slice %arg7[%dma_wait3A_1314, %dma_wait3A_1315, %dma_wait3A_1316] : memref<5x512x16xf32, #tpu.memory_space<vmem>> -> memref<1x128x16xf32, #tpu.memory_space<vmem>>
    %dma_wait3A_1318 = tpu.memref_squeeze %dma_wait3A_1317 : memref<1x128x16xf32, #tpu.memory_space<vmem>> -> memref<128x16xf32, #tpu.memory_space<vmem>>
    %dma_wait3A_1319 = arith.constant 1920 : i32
    %dma_wait3A_1320 = tpu.memref_slice %arg6[%dma_wait3A_1319] : memref<2560xi32, #tpu.memory_space<vmem>> -> memref<128xi32, #tpu.memory_space<vmem>>
    %dma_wait3A_1321 = arith.constant 0 : i32
    %dma_wait3A_1322 = arith.constant 0 : i32
    %dma_wait3A_1323 = tpu.memref_slice %arg3[%dma_wait3A_1321, %dma_wait3A_1322] : memref<1000000x16xf32, #tpu.memory_space<hbm>> -> memref<1000000x16xf32, #tpu.memory_space<hbm>>
    tpu.wait_indirect_dma semaphore(%arg8 : memref<!tpu.dma_semaphore, #tpu.memory_space<semaphore_mem>>) src(%dma_wait3A_1323 : memref<1000000x16xf32, #tpu.memory_space<hbm>>) dst(%dma_wait3A_1318 : memref<128x16xf32, #tpu.memory_space<vmem>>)
    %dma_wait3A_1324 = arith.constant 4 : i32
    %dma_wait3A_1325 = arith.constant 0 : i32
    %dma_wait3A_1326 = arith.constant 0 : i32
    %dma_wait3A_1327 = tpu.memref_slice %arg7[%dma_wait3A_1324, %dma_wait3A_1325, %dma_wait3A_1326] : memref<5x512x16xf32, #tpu.memory_space<vmem>> -> memref<1x128x16xf32, #tpu.memory_space<vmem>>
    %dma_wait3A_1328 = tpu.memref_squeeze %dma_wait3A_1327 : memref<1x128x16xf32, #tpu.memory_space<vmem>> -> memref<128x16xf32, #tpu.memory_space<vmem>>
    %dma_wait3A_1329 = arith.constant 2048 : i32
    %dma_wait3A_1330 = tpu.memref_slice %arg6[%dma_wait3A_1329] : memref<2560xi32, #tpu.memory_space<vmem>> -> memref<128xi32, #tpu.memory_space<vmem>>
    %dma_wait3A_1331 = arith.constant 0 : i32
    %dma_wait3A_1332 = arith.constant 0 : i32
    %dma_wait3A_1333 = tpu.memref_slice %arg3[%dma_wait3A_1331, %dma_wait3A_1332] : memref<1000000x16xf32, #tpu.memory_space<hbm>> -> memref<1000000x16xf32, #tpu.memory_space<hbm>>
    tpu.wait_indirect_dma semaphore(%arg8 : memref<!tpu.dma_semaphore, #tpu.memory_space<semaphore_mem>>) src(%dma_wait3A_1333 : memref<1000000x16xf32, #tpu.memory_space<hbm>>) dst(%dma_wait3A_1328 : memref<128x16xf32, #tpu.memory_space<vmem>>)
    %dma_wait3A_1334 = arith.constant 4 : i32
    %dma_wait3A_1335 = arith.constant 128 : i32
    %dma_wait3A_1336 = arith.constant 0 : i32
    %dma_wait3A_1337 = tpu.memref_slice %arg7[%dma_wait3A_1334, %dma_wait3A_1335, %dma_wait3A_1336] : memref<5x512x16xf32, #tpu.memory_space<vmem>> -> memref<1x128x16xf32, #tpu.memory_space<vmem>>
    %dma_wait3A_1338 = tpu.memref_squeeze %dma_wait3A_1337 : memref<1x128x16xf32, #tpu.memory_space<vmem>> -> memref<128x16xf32, #tpu.memory_space<vmem>>
    %dma_wait3A_1339 = arith.constant 2176 : i32
    %dma_wait3A_1340 = tpu.memref_slice %arg6[%dma_wait3A_1339] : memref<2560xi32, #tpu.memory_space<vmem>> -> memref<128xi32, #tpu.memory_space<vmem>>
    %dma_wait3A_1341 = arith.constant 0 : i32
    %dma_wait3A_1342 = arith.constant 0 : i32
    %dma_wait3A_1343 = tpu.memref_slice %arg3[%dma_wait3A_1341, %dma_wait3A_1342] : memref<1000000x16xf32, #tpu.memory_space<hbm>> -> memref<1000000x16xf32, #tpu.memory_space<hbm>>
    tpu.wait_indirect_dma semaphore(%arg8 : memref<!tpu.dma_semaphore, #tpu.memory_space<semaphore_mem>>) src(%dma_wait3A_1343 : memref<1000000x16xf32, #tpu.memory_space<hbm>>) dst(%dma_wait3A_1338 : memref<128x16xf32, #tpu.memory_space<vmem>>)
    %dma_wait3A_1344 = arith.constant 4 : i32
    %dma_wait3A_1345 = arith.constant 256 : i32
    %dma_wait3A_1346 = arith.constant 0 : i32
    %dma_wait3A_1347 = tpu.memref_slice %arg7[%dma_wait3A_1344, %dma_wait3A_1345, %dma_wait3A_1346] : memref<5x512x16xf32, #tpu.memory_space<vmem>> -> memref<1x128x16xf32, #tpu.memory_space<vmem>>
    %dma_wait3A_1348 = tpu.memref_squeeze %dma_wait3A_1347 : memref<1x128x16xf32, #tpu.memory_space<vmem>> -> memref<128x16xf32, #tpu.memory_space<vmem>>
    %dma_wait3A_1349 = arith.constant 2304 : i32
    %dma_wait3A_1350 = tpu.memref_slice %arg6[%dma_wait3A_1349] : memref<2560xi32, #tpu.memory_space<vmem>> -> memref<128xi32, #tpu.memory_space<vmem>>
    %dma_wait3A_1351 = arith.constant 0 : i32
    %dma_wait3A_1352 = arith.constant 0 : i32
    %dma_wait3A_1353 = tpu.memref_slice %arg3[%dma_wait3A_1351, %dma_wait3A_1352] : memref<1000000x16xf32, #tpu.memory_space<hbm>> -> memref<1000000x16xf32, #tpu.memory_space<hbm>>
    tpu.wait_indirect_dma semaphore(%arg8 : memref<!tpu.dma_semaphore, #tpu.memory_space<semaphore_mem>>) src(%dma_wait3A_1353 : memref<1000000x16xf32, #tpu.memory_space<hbm>>) dst(%dma_wait3A_1348 : memref<128x16xf32, #tpu.memory_space<vmem>>)
    %dma_wait3A_1354 = arith.constant 4 : i32
    %dma_wait3A_1355 = arith.constant 384 : i32
    %dma_wait3A_1356 = arith.constant 0 : i32
    %dma_wait3A_1357 = tpu.memref_slice %arg7[%dma_wait3A_1354, %dma_wait3A_1355, %dma_wait3A_1356] : memref<5x512x16xf32, #tpu.memory_space<vmem>> -> memref<1x128x16xf32, #tpu.memory_space<vmem>>
    %dma_wait3A_1358 = tpu.memref_squeeze %dma_wait3A_1357 : memref<1x128x16xf32, #tpu.memory_space<vmem>> -> memref<128x16xf32, #tpu.memory_space<vmem>>
    %dma_wait3A_1359 = arith.constant 2432 : i32
    %dma_wait3A_1360 = tpu.memref_slice %arg6[%dma_wait3A_1359] : memref<2560xi32, #tpu.memory_space<vmem>> -> memref<128xi32, #tpu.memory_space<vmem>>
    %dma_wait3A_1361 = arith.constant 0 : i32
    %dma_wait3A_1362 = arith.constant 0 : i32
    %dma_wait3A_1363 = tpu.memref_slice %arg3[%dma_wait3A_1361, %dma_wait3A_1362] : memref<1000000x16xf32, #tpu.memory_space<hbm>> -> memref<1000000x16xf32, #tpu.memory_space<hbm>>
    tpu.wait_indirect_dma semaphore(%arg8 : memref<!tpu.dma_semaphore, #tpu.memory_space<semaphore_mem>>) src(%dma_wait3A_1363 : memref<1000000x16xf32, #tpu.memory_space<hbm>>) dst(%dma_wait3A_1358 : memref<128x16xf32, #tpu.memory_space<vmem>>)
    %run_scoped3A = arith.constant 0 : i32
    %run_scoped3A_1364 = arith.constant 0 : i32
    "tpu.region"() ({
      %run_scoped3A_1373 = tpu.sem_alloc : memref<!tpu.dma_semaphore, #tpu.memory_space<semaphore_mem>>
      %dma_start3A_1374 = arith.constant 0 : i32
      %dma_start3A_1375 = arith.constant 0 : i32
      %dma_start3A_1376 = tpu.memref_slice %arg7[%run_scoped3A, %dma_start3A_1374, %dma_start3A_1375] : memref<5x512x16xf32, #tpu.memory_space<vmem>> -> memref<1x512x16xf32, #tpu.memory_space<vmem>>
      %dma_start3A_1377 = tpu.memref_squeeze %dma_start3A_1376 : memref<1x512x16xf32, #tpu.memory_space<vmem>> -> memref<512x16xf32, #tpu.memory_space<vmem>>
      %dma_start3A_1378 = arith.constant 0 : i32
      %dma_start3A_1379 = tpu.memref_slice %arg4[%run_scoped3A_1364, %mul3A_2, %dma_start3A_1378] : memref<5x16384x16xf32, #tpu.memory_space<hbm>> -> memref<1x512x16xf32, #tpu.memory_space<hbm>>
      %dma_start3A_1380 = tpu.memref_squeeze %dma_start3A_1379 : memref<1x512x16xf32, #tpu.memory_space<hbm>> -> memref<512x16xf32, #tpu.memory_space<hbm>>
      %dma_start3A_1381 = arith.constant 0 : i32
      %dma_start3A_1382 = tpu.memref_slice %arg4[%run_scoped3A_1364, %mul3A_2, %dma_start3A_1381] : memref<5x16384x16xf32, #tpu.memory_space<hbm>> -> memref<1x512x16xf32, #tpu.memory_space<hbm>>
      %dma_start3A_1383 = tpu.memref_squeeze %dma_start3A_1382 : memref<1x512x16xf32, #tpu.memory_space<hbm>> -> memref<512x16xf32, #tpu.memory_space<hbm>>
      %dma_start3A_1384 = arith.constant 0 : i32
      %dma_start3A_1385 = arith.constant 0 : i32
      %dma_start3A_1386 = tpu.memref_slice %arg7[%run_scoped3A, %dma_start3A_1384, %dma_start3A_1385] : memref<5x512x16xf32, #tpu.memory_space<vmem>> -> memref<1x512x16xf32, #tpu.memory_space<vmem>>
      %dma_start3A_1387 = tpu.memref_squeeze %dma_start3A_1386 : memref<1x512x16xf32, #tpu.memory_space<vmem>> -> memref<512x16xf32, #tpu.memory_space<vmem>>
      tpu.enqueue_dma source(%dma_start3A_1387 : memref<512x16xf32, #tpu.memory_space<vmem>>) target(%dma_start3A_1383 : memref<512x16xf32, #tpu.memory_space<hbm>>) target_semaphore(%run_scoped3A_1373 : memref<!tpu.dma_semaphore, #tpu.memory_space<semaphore_mem>>)
      %dma_wait3A_1388 = arith.constant 0 : i32
      %dma_wait3A_1389 = arith.constant 0 : i32
      %dma_wait3A_1390 = tpu.memref_slice %arg7[%run_scoped3A, %dma_wait3A_1388, %dma_wait3A_1389] : memref<5x512x16xf32, #tpu.memory_space<vmem>> -> memref<1x512x16xf32, #tpu.memory_space<vmem>>
      %dma_wait3A_1391 = tpu.memref_squeeze %dma_wait3A_1390 : memref<1x512x16xf32, #tpu.memory_space<vmem>> -> memref<512x16xf32, #tpu.memory_space<vmem>>
      %dma_wait3A_1392 = arith.constant 0 : i32
      %dma_wait3A_1393 = tpu.memref_slice %arg4[%run_scoped3A_1364, %mul3A_2, %dma_wait3A_1392] : memref<5x16384x16xf32, #tpu.memory_space<hbm>> -> memref<1x512x16xf32, #tpu.memory_space<hbm>>
      %dma_wait3A_1394 = tpu.memref_squeeze %dma_wait3A_1393 : memref<1x512x16xf32, #tpu.memory_space<hbm>> -> memref<512x16xf32, #tpu.memory_space<hbm>>
      %dma_wait3A_1395 = arith.constant 0 : i32
      %dma_wait3A_1396 = tpu.memref_slice %arg4[%run_scoped3A_1364, %mul3A_2, %dma_wait3A_1395] : memref<5x16384x16xf32, #tpu.memory_space<hbm>> -> memref<1x512x16xf32, #tpu.memory_space<hbm>>
      %dma_wait3A_1397 = tpu.memref_squeeze %dma_wait3A_1396 : memref<1x512x16xf32, #tpu.memory_space<hbm>> -> memref<512x16xf32, #tpu.memory_space<hbm>>
      %dma_wait3A_1398 = arith.constant 0 : i32
      %dma_wait3A_1399 = arith.constant 0 : i32
      %dma_wait3A_1400 = tpu.memref_slice %arg7[%run_scoped3A, %dma_wait3A_1398, %dma_wait3A_1399] : memref<5x512x16xf32, #tpu.memory_space<vmem>> -> memref<1x512x16xf32, #tpu.memory_space<vmem>>
      %dma_wait3A_1401 = tpu.memref_squeeze %dma_wait3A_1400 : memref<1x512x16xf32, #tpu.memory_space<vmem>> -> memref<512x16xf32, #tpu.memory_space<vmem>>
      tpu.wait_dma2 semaphore(%run_scoped3A_1373 : memref<!tpu.dma_semaphore, #tpu.memory_space<semaphore_mem>>) src(%dma_wait3A_1401 : memref<512x16xf32, #tpu.memory_space<vmem>>) dst(%dma_wait3A_1397 : memref<512x16xf32, #tpu.memory_space<hbm>>)
      tpu.yield
    }) : () -> ()
    %run_scoped3A_1365 = arith.constant 1 : i32
    %run_scoped3A_1366 = arith.constant 1 : i32
    "tpu.region"() ({
      %run_scoped3A_1373 = tpu.sem_alloc : memref<!tpu.dma_semaphore, #tpu.memory_space<semaphore_mem>>
      %dma_start3A_1374 = arith.constant 0 : i32
      %dma_start3A_1375 = arith.constant 0 : i32
      %dma_start3A_1376 = tpu.memref_slice %arg7[%run_scoped3A_1365, %dma_start3A_1374, %dma_start3A_1375] : memref<5x512x16xf32, #tpu.memory_space<vmem>> -> memref<1x512x16xf32, #tpu.memory_space<vmem>>
      %dma_start3A_1377 = tpu.memref_squeeze %dma_start3A_1376 : memref<1x512x16xf32, #tpu.memory_space<vmem>> -> memref<512x16xf32, #tpu.memory_space<vmem>>
      %dma_start3A_1378 = arith.constant 0 : i32
      %dma_start3A_1379 = tpu.memref_slice %arg4[%run_scoped3A_1366, %mul3A_2, %dma_start3A_1378] : memref<5x16384x16xf32, #tpu.memory_space<hbm>> -> memref<1x512x16xf32, #tpu.memory_space<hbm>>
      %dma_start3A_1380 = tpu.memref_squeeze %dma_start3A_1379 : memref<1x512x16xf32, #tpu.memory_space<hbm>> -> memref<512x16xf32, #tpu.memory_space<hbm>>
      %dma_start3A_1381 = arith.constant 0 : i32
      %dma_start3A_1382 = tpu.memref_slice %arg4[%run_scoped3A_1366, %mul3A_2, %dma_start3A_1381] : memref<5x16384x16xf32, #tpu.memory_space<hbm>> -> memref<1x512x16xf32, #tpu.memory_space<hbm>>
      %dma_start3A_1383 = tpu.memref_squeeze %dma_start3A_1382 : memref<1x512x16xf32, #tpu.memory_space<hbm>> -> memref<512x16xf32, #tpu.memory_space<hbm>>
      %dma_start3A_1384 = arith.constant 0 : i32
      %dma_start3A_1385 = arith.constant 0 : i32
      %dma_start3A_1386 = tpu.memref_slice %arg7[%run_scoped3A_1365, %dma_start3A_1384, %dma_start3A_1385] : memref<5x512x16xf32, #tpu.memory_space<vmem>> -> memref<1x512x16xf32, #tpu.memory_space<vmem>>
      %dma_start3A_1387 = tpu.memref_squeeze %dma_start3A_1386 : memref<1x512x16xf32, #tpu.memory_space<vmem>> -> memref<512x16xf32, #tpu.memory_space<vmem>>
      tpu.enqueue_dma source(%dma_start3A_1387 : memref<512x16xf32, #tpu.memory_space<vmem>>) target(%dma_start3A_1383 : memref<512x16xf32, #tpu.memory_space<hbm>>) target_semaphore(%run_scoped3A_1373 : memref<!tpu.dma_semaphore, #tpu.memory_space<semaphore_mem>>)
      %dma_wait3A_1388 = arith.constant 0 : i32
      %dma_wait3A_1389 = arith.constant 0 : i32
      %dma_wait3A_1390 = tpu.memref_slice %arg7[%run_scoped3A_1365, %dma_wait3A_1388, %dma_wait3A_1389] : memref<5x512x16xf32, #tpu.memory_space<vmem>> -> memref<1x512x16xf32, #tpu.memory_space<vmem>>
      %dma_wait3A_1391 = tpu.memref_squeeze %dma_wait3A_1390 : memref<1x512x16xf32, #tpu.memory_space<vmem>> -> memref<512x16xf32, #tpu.memory_space<vmem>>
      %dma_wait3A_1392 = arith.constant 0 : i32
      %dma_wait3A_1393 = tpu.memref_slice %arg4[%run_scoped3A_1366, %mul3A_2, %dma_wait3A_1392] : memref<5x16384x16xf32, #tpu.memory_space<hbm>> -> memref<1x512x16xf32, #tpu.memory_space<hbm>>
      %dma_wait3A_1394 = tpu.memref_squeeze %dma_wait3A_1393 : memref<1x512x16xf32, #tpu.memory_space<hbm>> -> memref<512x16xf32, #tpu.memory_space<hbm>>
      %dma_wait3A_1395 = arith.constant 0 : i32
      %dma_wait3A_1396 = tpu.memref_slice %arg4[%run_scoped3A_1366, %mul3A_2, %dma_wait3A_1395] : memref<5x16384x16xf32, #tpu.memory_space<hbm>> -> memref<1x512x16xf32, #tpu.memory_space<hbm>>
      %dma_wait3A_1397 = tpu.memref_squeeze %dma_wait3A_1396 : memref<1x512x16xf32, #tpu.memory_space<hbm>> -> memref<512x16xf32, #tpu.memory_space<hbm>>
      %dma_wait3A_1398 = arith.constant 0 : i32
      %dma_wait3A_1399 = arith.constant 0 : i32
      %dma_wait3A_1400 = tpu.memref_slice %arg7[%run_scoped3A_1365, %dma_wait3A_1398, %dma_wait3A_1399] : memref<5x512x16xf32, #tpu.memory_space<vmem>> -> memref<1x512x16xf32, #tpu.memory_space<vmem>>
      %dma_wait3A_1401 = tpu.memref_squeeze %dma_wait3A_1400 : memref<1x512x16xf32, #tpu.memory_space<vmem>> -> memref<512x16xf32, #tpu.memory_space<vmem>>
      tpu.wait_dma2 semaphore(%run_scoped3A_1373 : memref<!tpu.dma_semaphore, #tpu.memory_space<semaphore_mem>>) src(%dma_wait3A_1401 : memref<512x16xf32, #tpu.memory_space<vmem>>) dst(%dma_wait3A_1397 : memref<512x16xf32, #tpu.memory_space<hbm>>)
      tpu.yield
    }) : () -> ()
    %run_scoped3A_1367 = arith.constant 2 : i32
    %run_scoped3A_1368 = arith.constant 2 : i32
    "tpu.region"() ({
      %run_scoped3A_1373 = tpu.sem_alloc : memref<!tpu.dma_semaphore, #tpu.memory_space<semaphore_mem>>
      %dma_start3A_1374 = arith.constant 0 : i32
      %dma_start3A_1375 = arith.constant 0 : i32
      %dma_start3A_1376 = tpu.memref_slice %arg7[%run_scoped3A_1367, %dma_start3A_1374, %dma_start3A_1375] : memref<5x512x16xf32, #tpu.memory_space<vmem>> -> memref<1x512x16xf32, #tpu.memory_space<vmem>>
      %dma_start3A_1377 = tpu.memref_squeeze %dma_start3A_1376 : memref<1x512x16xf32, #tpu.memory_space<vmem>> -> memref<512x16xf32, #tpu.memory_space<vmem>>
      %dma_start3A_1378 = arith.constant 0 : i32
      %dma_start3A_1379 = tpu.memref_slice %arg4[%run_scoped3A_1368, %mul3A_2, %dma_start3A_1378] : memref<5x16384x16xf32, #tpu.memory_space<hbm>> -> memref<1x512x16xf32, #tpu.memory_space<hbm>>
      %dma_start3A_1380 = tpu.memref_squeeze %dma_start3A_1379 : memref<1x512x16xf32, #tpu.memory_space<hbm>> -> memref<512x16xf32, #tpu.memory_space<hbm>>
      %dma_start3A_1381 = arith.constant 0 : i32
      %dma_start3A_1382 = tpu.memref_slice %arg4[%run_scoped3A_1368, %mul3A_2, %dma_start3A_1381] : memref<5x16384x16xf32, #tpu.memory_space<hbm>> -> memref<1x512x16xf32, #tpu.memory_space<hbm>>
      %dma_start3A_1383 = tpu.memref_squeeze %dma_start3A_1382 : memref<1x512x16xf32, #tpu.memory_space<hbm>> -> memref<512x16xf32, #tpu.memory_space<hbm>>
      %dma_start3A_1384 = arith.constant 0 : i32
      %dma_start3A_1385 = arith.constant 0 : i32
      %dma_start3A_1386 = tpu.memref_slice %arg7[%run_scoped3A_1367, %dma_start3A_1384, %dma_start3A_1385] : memref<5x512x16xf32, #tpu.memory_space<vmem>> -> memref<1x512x16xf32, #tpu.memory_space<vmem>>
      %dma_start3A_1387 = tpu.memref_squeeze %dma_start3A_1386 : memref<1x512x16xf32, #tpu.memory_space<vmem>> -> memref<512x16xf32, #tpu.memory_space<vmem>>
      tpu.enqueue_dma source(%dma_start3A_1387 : memref<512x16xf32, #tpu.memory_space<vmem>>) target(%dma_start3A_1383 : memref<512x16xf32, #tpu.memory_space<hbm>>) target_semaphore(%run_scoped3A_1373 : memref<!tpu.dma_semaphore, #tpu.memory_space<semaphore_mem>>)
      %dma_wait3A_1388 = arith.constant 0 : i32
      %dma_wait3A_1389 = arith.constant 0 : i32
      %dma_wait3A_1390 = tpu.memref_slice %arg7[%run_scoped3A_1367, %dma_wait3A_1388, %dma_wait3A_1389] : memref<5x512x16xf32, #tpu.memory_space<vmem>> -> memref<1x512x16xf32, #tpu.memory_space<vmem>>
      %dma_wait3A_1391 = tpu.memref_squeeze %dma_wait3A_1390 : memref<1x512x16xf32, #tpu.memory_space<vmem>> -> memref<512x16xf32, #tpu.memory_space<vmem>>
      %dma_wait3A_1392 = arith.constant 0 : i32
      %dma_wait3A_1393 = tpu.memref_slice %arg4[%run_scoped3A_1368, %mul3A_2, %dma_wait3A_1392] : memref<5x16384x16xf32, #tpu.memory_space<hbm>> -> memref<1x512x16xf32, #tpu.memory_space<hbm>>
      %dma_wait3A_1394 = tpu.memref_squeeze %dma_wait3A_1393 : memref<1x512x16xf32, #tpu.memory_space<hbm>> -> memref<512x16xf32, #tpu.memory_space<hbm>>
      %dma_wait3A_1395 = arith.constant 0 : i32
      %dma_wait3A_1396 = tpu.memref_slice %arg4[%run_scoped3A_1368, %mul3A_2, %dma_wait3A_1395] : memref<5x16384x16xf32, #tpu.memory_space<hbm>> -> memref<1x512x16xf32, #tpu.memory_space<hbm>>
      %dma_wait3A_1397 = tpu.memref_squeeze %dma_wait3A_1396 : memref<1x512x16xf32, #tpu.memory_space<hbm>> -> memref<512x16xf32, #tpu.memory_space<hbm>>
      %dma_wait3A_1398 = arith.constant 0 : i32
      %dma_wait3A_1399 = arith.constant 0 : i32
      %dma_wait3A_1400 = tpu.memref_slice %arg7[%run_scoped3A_1367, %dma_wait3A_1398, %dma_wait3A_1399] : memref<5x512x16xf32, #tpu.memory_space<vmem>> -> memref<1x512x16xf32, #tpu.memory_space<vmem>>
      %dma_wait3A_1401 = tpu.memref_squeeze %dma_wait3A_1400 : memref<1x512x16xf32, #tpu.memory_space<vmem>> -> memref<512x16xf32, #tpu.memory_space<vmem>>
      tpu.wait_dma2 semaphore(%run_scoped3A_1373 : memref<!tpu.dma_semaphore, #tpu.memory_space<semaphore_mem>>) src(%dma_wait3A_1401 : memref<512x16xf32, #tpu.memory_space<vmem>>) dst(%dma_wait3A_1397 : memref<512x16xf32, #tpu.memory_space<hbm>>)
      tpu.yield
    }) : () -> ()
    %run_scoped3A_1369 = arith.constant 3 : i32
    %run_scoped3A_1370 = arith.constant 3 : i32
    "tpu.region"() ({
      %run_scoped3A_1373 = tpu.sem_alloc : memref<!tpu.dma_semaphore, #tpu.memory_space<semaphore_mem>>
      %dma_start3A_1374 = arith.constant 0 : i32
      %dma_start3A_1375 = arith.constant 0 : i32
      %dma_start3A_1376 = tpu.memref_slice %arg7[%run_scoped3A_1369, %dma_start3A_1374, %dma_start3A_1375] : memref<5x512x16xf32, #tpu.memory_space<vmem>> -> memref<1x512x16xf32, #tpu.memory_space<vmem>>
      %dma_start3A_1377 = tpu.memref_squeeze %dma_start3A_1376 : memref<1x512x16xf32, #tpu.memory_space<vmem>> -> memref<512x16xf32, #tpu.memory_space<vmem>>
      %dma_start3A_1378 = arith.constant 0 : i32
      %dma_start3A_1379 = tpu.memref_slice %arg4[%run_scoped3A_1370, %mul3A_2, %dma_start3A_1378] : memref<5x16384x16xf32, #tpu.memory_space<hbm>> -> memref<1x512x16xf32, #tpu.memory_space<hbm>>
      %dma_start3A_1380 = tpu.memref_squeeze %dma_start3A_1379 : memref<1x512x16xf32, #tpu.memory_space<hbm>> -> memref<512x16xf32, #tpu.memory_space<hbm>>
      %dma_start3A_1381 = arith.constant 0 : i32
      %dma_start3A_1382 = tpu.memref_slice %arg4[%run_scoped3A_1370, %mul3A_2, %dma_start3A_1381] : memref<5x16384x16xf32, #tpu.memory_space<hbm>> -> memref<1x512x16xf32, #tpu.memory_space<hbm>>
      %dma_start3A_1383 = tpu.memref_squeeze %dma_start3A_1382 : memref<1x512x16xf32, #tpu.memory_space<hbm>> -> memref<512x16xf32, #tpu.memory_space<hbm>>
      %dma_start3A_1384 = arith.constant 0 : i32
      %dma_start3A_1385 = arith.constant 0 : i32
      %dma_start3A_1386 = tpu.memref_slice %arg7[%run_scoped3A_1369, %dma_start3A_1384, %dma_start3A_1385] : memref<5x512x16xf32, #tpu.memory_space<vmem>> -> memref<1x512x16xf32, #tpu.memory_space<vmem>>
      %dma_start3A_1387 = tpu.memref_squeeze %dma_start3A_1386 : memref<1x512x16xf32, #tpu.memory_space<vmem>> -> memref<512x16xf32, #tpu.memory_space<vmem>>
      tpu.enqueue_dma source(%dma_start3A_1387 : memref<512x16xf32, #tpu.memory_space<vmem>>) target(%dma_start3A_1383 : memref<512x16xf32, #tpu.memory_space<hbm>>) target_semaphore(%run_scoped3A_1373 : memref<!tpu.dma_semaphore, #tpu.memory_space<semaphore_mem>>)
      %dma_wait3A_1388 = arith.constant 0 : i32
      %dma_wait3A_1389 = arith.constant 0 : i32
      %dma_wait3A_1390 = tpu.memref_slice %arg7[%run_scoped3A_1369, %dma_wait3A_1388, %dma_wait3A_1389] : memref<5x512x16xf32, #tpu.memory_space<vmem>> -> memref<1x512x16xf32, #tpu.memory_space<vmem>>
      %dma_wait3A_1391 = tpu.memref_squeeze %dma_wait3A_1390 : memref<1x512x16xf32, #tpu.memory_space<vmem>> -> memref<512x16xf32, #tpu.memory_space<vmem>>
      %dma_wait3A_1392 = arith.constant 0 : i32
      %dma_wait3A_1393 = tpu.memref_slice %arg4[%run_scoped3A_1370, %mul3A_2, %dma_wait3A_1392] : memref<5x16384x16xf32, #tpu.memory_space<hbm>> -> memref<1x512x16xf32, #tpu.memory_space<hbm>>
      %dma_wait3A_1394 = tpu.memref_squeeze %dma_wait3A_1393 : memref<1x512x16xf32, #tpu.memory_space<hbm>> -> memref<512x16xf32, #tpu.memory_space<hbm>>
      %dma_wait3A_1395 = arith.constant 0 : i32
      %dma_wait3A_1396 = tpu.memref_slice %arg4[%run_scoped3A_1370, %mul3A_2, %dma_wait3A_1395] : memref<5x16384x16xf32, #tpu.memory_space<hbm>> -> memref<1x512x16xf32, #tpu.memory_space<hbm>>
      %dma_wait3A_1397 = tpu.memref_squeeze %dma_wait3A_1396 : memref<1x512x16xf32, #tpu.memory_space<hbm>> -> memref<512x16xf32, #tpu.memory_space<hbm>>
      %dma_wait3A_1398 = arith.constant 0 : i32
      %dma_wait3A_1399 = arith.constant 0 : i32
      %dma_wait3A_1400 = tpu.memref_slice %arg7[%run_scoped3A_1369, %dma_wait3A_1398, %dma_wait3A_1399] : memref<5x512x16xf32, #tpu.memory_space<vmem>> -> memref<1x512x16xf32, #tpu.memory_space<vmem>>
      %dma_wait3A_1401 = tpu.memref_squeeze %dma_wait3A_1400 : memref<1x512x16xf32, #tpu.memory_space<vmem>> -> memref<512x16xf32, #tpu.memory_space<vmem>>
      tpu.wait_dma2 semaphore(%run_scoped3A_1373 : memref<!tpu.dma_semaphore, #tpu.memory_space<semaphore_mem>>) src(%dma_wait3A_1401 : memref<512x16xf32, #tpu.memory_space<vmem>>) dst(%dma_wait3A_1397 : memref<512x16xf32, #tpu.memory_space<hbm>>)
      tpu.yield
    }) : () -> ()
    %run_scoped3A_1371 = arith.constant 4 : i32
    %run_scoped3A_1372 = arith.constant 4 : i32
    "tpu.region"() ({
      %run_scoped3A_1373 = tpu.sem_alloc : memref<!tpu.dma_semaphore, #tpu.memory_space<semaphore_mem>>
      %dma_start3A_1374 = arith.constant 0 : i32
      %dma_start3A_1375 = arith.constant 0 : i32
      %dma_start3A_1376 = tpu.memref_slice %arg7[%run_scoped3A_1371, %dma_start3A_1374, %dma_start3A_1375] : memref<5x512x16xf32, #tpu.memory_space<vmem>> -> memref<1x512x16xf32, #tpu.memory_space<vmem>>
      %dma_start3A_1377 = tpu.memref_squeeze %dma_start3A_1376 : memref<1x512x16xf32, #tpu.memory_space<vmem>> -> memref<512x16xf32, #tpu.memory_space<vmem>>
      %dma_start3A_1378 = arith.constant 0 : i32
      %dma_start3A_1379 = tpu.memref_slice %arg4[%run_scoped3A_1372, %mul3A_2, %dma_start3A_1378] : memref<5x16384x16xf32, #tpu.memory_space<hbm>> -> memref<1x512x16xf32, #tpu.memory_space<hbm>>
      %dma_start3A_1380 = tpu.memref_squeeze %dma_start3A_1379 : memref<1x512x16xf32, #tpu.memory_space<hbm>> -> memref<512x16xf32, #tpu.memory_space<hbm>>
      %dma_start3A_1381 = arith.constant 0 : i32
      %dma_start3A_1382 = tpu.memref_slice %arg4[%run_scoped3A_1372, %mul3A_2, %dma_start3A_1381] : memref<5x16384x16xf32, #tpu.memory_space<hbm>> -> memref<1x512x16xf32, #tpu.memory_space<hbm>>
      %dma_start3A_1383 = tpu.memref_squeeze %dma_start3A_1382 : memref<1x512x16xf32, #tpu.memory_space<hbm>> -> memref<512x16xf32, #tpu.memory_space<hbm>>
      %dma_start3A_1384 = arith.constant 0 : i32
      %dma_start3A_1385 = arith.constant 0 : i32
      %dma_start3A_1386 = tpu.memref_slice %arg7[%run_scoped3A_1371, %dma_start3A_1384, %dma_start3A_1385] : memref<5x512x16xf32, #tpu.memory_space<vmem>> -> memref<1x512x16xf32, #tpu.memory_space<vmem>>
      %dma_start3A_1387 = tpu.memref_squeeze %dma_start3A_1386 : memref<1x512x16xf32, #tpu.memory_space<vmem>> -> memref<512x16xf32, #tpu.memory_space<vmem>>
      tpu.enqueue_dma source(%dma_start3A_1387 : memref<512x16xf32, #tpu.memory_space<vmem>>) target(%dma_start3A_1383 : memref<512x16xf32, #tpu.memory_space<hbm>>) target_semaphore(%run_scoped3A_1373 : memref<!tpu.dma_semaphore, #tpu.memory_space<semaphore_mem>>)
      %dma_wait3A_1388 = arith.constant 0 : i32
      %dma_wait3A_1389 = arith.constant 0 : i32
      %dma_wait3A_1390 = tpu.memref_slice %arg7[%run_scoped3A_1371, %dma_wait3A_1388, %dma_wait3A_1389] : memref<5x512x16xf32, #tpu.memory_space<vmem>> -> memref<1x512x16xf32, #tpu.memory_space<vmem>>
      %dma_wait3A_1391 = tpu.memref_squeeze %dma_wait3A_1390 : memref<1x512x16xf32, #tpu.memory_space<vmem>> -> memref<512x16xf32, #tpu.memory_space<vmem>>
      %dma_wait3A_1392 = arith.constant 0 : i32
      %dma_wait3A_1393 = tpu.memref_slice %arg4[%run_scoped3A_1372, %mul3A_2, %dma_wait3A_1392] : memref<5x16384x16xf32, #tpu.memory_space<hbm>> -> memref<1x512x16xf32, #tpu.memory_space<hbm>>
      %dma_wait3A_1394 = tpu.memref_squeeze %dma_wait3A_1393 : memref<1x512x16xf32, #tpu.memory_space<hbm>> -> memref<512x16xf32, #tpu.memory_space<hbm>>
      %dma_wait3A_1395 = arith.constant 0 : i32
      %dma_wait3A_1396 = tpu.memref_slice %arg4[%run_scoped3A_1372, %mul3A_2, %dma_wait3A_1395] : memref<5x16384x16xf32, #tpu.memory_space<hbm>> -> memref<1x512x16xf32, #tpu.memory_space<hbm>>
      %dma_wait3A_1397 = tpu.memref_squeeze %dma_wait3A_1396 : memref<1x512x16xf32, #tpu.memory_space<hbm>> -> memref<512x16xf32, #tpu.memory_space<hbm>>
      %dma_wait3A_1398 = arith.constant 0 : i32
      %dma_wait3A_1399 = arith.constant 0 : i32
      %dma_wait3A_1400 = tpu.memref_slice %arg7[%run_scoped3A_1371, %dma_wait3A_1398, %dma_wait3A_1399] : memref<5x512x16xf32, #tpu.memory_space<vmem>> -> memref<1x512x16xf32, #tpu.memory_space<vmem>>
      %dma_wait3A_1401 = tpu.memref_squeeze %dma_wait3A_1400 : memref<1x512x16xf32, #tpu.memory_space<vmem>> -> memref<512x16xf32, #tpu.memory_space<vmem>>
      tpu.wait_dma2 semaphore(%run_scoped3A_1373 : memref<!tpu.dma_semaphore, #tpu.memory_space<semaphore_mem>>) src(%dma_wait3A_1401 : memref<512x16xf32, #tpu.memory_space<vmem>>) dst(%dma_wait3A_1397 : memref<512x16xf32, #tpu.memory_space<hbm>>)
      tpu.yield
    }) : () -> ()
    return
  }
}

module attributes {stable_mosaic.version = 14 : i64} {
  func.func @_loss_body(%arg0: memref<10240x128xf32, #tpu.memory_space<vmem>>, %arg1: memref<1x1xf32, #tpu.memory_space<smem>>) attributes {dimension_semantics = [], scalar_prefetch = 0 : i64, scratch_operands = 0 : i64, tpu.core_type = #tpu.core_type<tc>} {
    %get3A = arith.constant 0 : index
    %get3A_0 = arith.constant 0 : index
    %get3A_1 = vector.load %arg0[%get3A, %get3A_0] : memref<10240x128xf32, #tpu.memory_space<vmem>>, vector<2048x128xf32>
    %get3A_2 = arith.constant 2048 : index
    %get3A_3 = arith.constant 0 : index
    %get3A_4 = vector.load %arg0[%get3A_2, %get3A_3] : memref<10240x128xf32, #tpu.memory_space<vmem>>, vector<2048x128xf32>
    %get3A_5 = arith.constant 4096 : index
    %get3A_6 = arith.constant 0 : index
    %get3A_7 = vector.load %arg0[%get3A_5, %get3A_6] : memref<10240x128xf32, #tpu.memory_space<vmem>>, vector<2048x128xf32>
    %get3A_8 = arith.constant 6144 : index
    %get3A_9 = arith.constant 0 : index
    %get3A_10 = vector.load %arg0[%get3A_8, %get3A_9] : memref<10240x128xf32, #tpu.memory_space<vmem>>, vector<2048x128xf32>
    %get3A_11 = arith.constant 8192 : index
    %get3A_12 = arith.constant 0 : index
    %get3A_13 = vector.load %arg0[%get3A_11, %get3A_12] : memref<10240x128xf32, #tpu.memory_space<vmem>>, vector<2048x128xf32>
    %iota3A = tpu.iota {dimensions = array<i32: 0>} : vector<128x8xi32>
    %iota3A_14 = tpu.iota {dimensions = array<i32: 1>} : vector<128x8xi32>
    %jit3A = arith.constant 16 : i32
    %div3A = vector.broadcast %jit3A : i32 to vector<128x8xi32>
    %div3A_15 = arith.divsi %iota3A, %div3A : vector<128x8xi32>
    %sign3A = arith.constant 0 : i32
    %sign3A_16 = vector.broadcast %sign3A : i32 to vector<128x8xi32>
    %sign3A_17 = arith.cmpi sgt, %iota3A, %sign3A_16 : vector<128x8xi32>
    %sign3A_18 = arith.extui %sign3A_17 : vector<128x8xi1> to vector<128x8xi32>
    %sign3A_19 = arith.constant 0 : i32
    %sign3A_20 = vector.broadcast %sign3A_19 : i32 to vector<128x8xi32>
    %sign3A_21 = arith.cmpi slt, %iota3A, %sign3A_20 : vector<128x8xi32>
    %sign3A_22 = arith.extui %sign3A_21 : vector<128x8xi1> to vector<128x8xi32>
    %sign3A_23 = arith.subi %sign3A_18, %sign3A_22 : vector<128x8xi32>
    %sign3A_24 = arith.constant 0 : i32
    %sign3A_25 = arith.cmpi sgt, %jit3A, %sign3A_24 : i32
    %sign3A_26 = arith.extui %sign3A_25 : i1 to i32
    %sign3A_27 = arith.constant 0 : i32
    %sign3A_28 = arith.cmpi slt, %jit3A, %sign3A_27 : i32
    %sign3A_29 = arith.extui %sign3A_28 : i1 to i32
    %sign3A_30 = arith.subi %sign3A_26, %sign3A_29 : i32
    %ne3A = vector.broadcast %sign3A_30 : i32 to vector<128x8xi32>
    %ne3A_31 = arith.cmpi ne, %sign3A_23, %ne3A : vector<128x8xi32>
    %rem3A = vector.broadcast %jit3A : i32 to vector<128x8xi32>
    %rem3A_32 = arith.remsi %iota3A, %rem3A : vector<128x8xi32>
    %ne3A_33 = arith.constant 0 : i32
    %ne3A_34 = vector.broadcast %ne3A_33 : i32 to vector<128x8xi32>
    %ne3A_35 = arith.cmpi ne, %rem3A_32, %ne3A_34 : vector<128x8xi32>
    %and3A = arith.andi %ne3A_31, %ne3A_35 : vector<128x8xi1>
    %sub3A = arith.constant 1 : i32
    %sub3A_36 = vector.broadcast %sub3A : i32 to vector<128x8xi32>
    %sub3A_37 = arith.subi %div3A_15, %sub3A_36 : vector<128x8xi32>
    %select_n3A = arith.select %and3A, %sub3A_37, %div3A_15 : vector<128x8xi1>, vector<128x8xi32>
    %eq3A = arith.cmpi eq, %select_n3A, %iota3A_14 : vector<128x8xi32>
    %jit3A_38 = arith.constant 1.000000e+00 : f32
    %jit3A_39 = arith.constant 0.000000e+00 : f32
    %broadcast_in_dim3A = vector.broadcast %jit3A_38 : f32 to vector<128x8xf32>
    %broadcast_in_dim3A_40 = vector.broadcast %jit3A_39 : f32 to vector<128x8xf32>
    %select_n3A_41 = arith.select %eq3A, %broadcast_in_dim3A, %broadcast_in_dim3A_40 : vector<128x8xi1>, vector<128x8xf32>
    %mul3A = arith.mulf %get3A_1, %get3A_4 : vector<2048x128xf32>
    %dot_general3A = arith.constant dense<0.000000e+00> : vector<2048x8xf32>
    %dot_general3A_42 = tpu.matmul %mul3A, %select_n3A_41, %dot_general3A {dimension_numbers = #tpu.dot_dimension_numbers<[1], [0], [0], [1], [0, 0, 1, 1], [], []>, transpose_lhs_hint = false} : vector<2048x128xf32>, vector<128x8xf32>, vector<2048x8xf32> -> vector<2048x8xf32>
    %mul3A_43 = arith.mulf %get3A_1, %get3A_7 : vector<2048x128xf32>
    %dot_general3A_44 = arith.constant dense<0.000000e+00> : vector<2048x8xf32>
    %dot_general3A_45 = tpu.matmul %mul3A_43, %select_n3A_41, %dot_general3A_44 {dimension_numbers = #tpu.dot_dimension_numbers<[1], [0], [0], [1], [0, 0, 1, 1], [], []>, transpose_lhs_hint = false} : vector<2048x128xf32>, vector<128x8xf32>, vector<2048x8xf32> -> vector<2048x8xf32>
    %sub3A_46 = arith.subf %dot_general3A_45, %dot_general3A_42 : vector<2048x8xf32>
    %max3A = arith.constant 0.000000e+00 : f32
    %max3A_47 = vector.broadcast %max3A : f32 to vector<2048x8xf32>
    %max3A_48 = arith.maximumf %sub3A_46, %max3A_47 : vector<2048x8xf32>
    %abs3A = math.absf %sub3A_46 : vector<2048x8xf32>
    %neg3A = arith.constant 0.000000e+00 : f32
    %neg3A_49 = vector.broadcast %neg3A : f32 to vector<2048x8xf32>
    %neg3A_50 = arith.subf %neg3A_49, %abs3A : vector<2048x8xf32>
    %exp3A = math.exp %neg3A_50 : vector<2048x8xf32>
    %log1p3A = math.log1p %exp3A : vector<2048x8xf32>
    %add3A = arith.addf %max3A_48, %log1p3A : vector<2048x8xf32>
    %reduce_sum3A = vector.shape_cast %add3A : vector<2048x8xf32> to vector<1x2048x8xf32>
    %reduce_sum3A_51 = arith.constant dense<0.000000e+00> : vector<1xf32>
    %reduce_sum3A_52 = vector.multi_reduction <add>, %reduce_sum3A, %reduce_sum3A_51 [1, 2] : vector<1x2048x8xf32> to vector<1xf32>
    %reduce_sum3A_53 = vector.shape_cast %reduce_sum3A_52 : vector<1xf32> to vector<1x1x1xf32>
    %reduce_sum3A_54 = vector.extract %reduce_sum3A_53[0, 0, 0] : f32 from vector<1x1x1xf32>
    %mul3A_55 = arith.mulf %get3A_4, %get3A_4 : vector<2048x128xf32>
    %dot_general3A_56 = arith.constant dense<0.000000e+00> : vector<2048x8xf32>
    %dot_general3A_57 = tpu.matmul %mul3A_55, %select_n3A_41, %dot_general3A_56 {dimension_numbers = #tpu.dot_dimension_numbers<[1], [0], [0], [1], [0, 0, 1, 1], [], []>, transpose_lhs_hint = false} : vector<2048x128xf32>, vector<128x8xf32>, vector<2048x8xf32> -> vector<2048x8xf32>
    %mul3A_58 = arith.mulf %get3A_10, %get3A_10 : vector<2048x128xf32>
    %dot_general3A_59 = arith.constant dense<0.000000e+00> : vector<2048x8xf32>
    %dot_general3A_60 = tpu.matmul %mul3A_58, %select_n3A_41, %dot_general3A_59 {dimension_numbers = #tpu.dot_dimension_numbers<[1], [0], [0], [1], [0, 0, 1, 1], [], []>, transpose_lhs_hint = false} : vector<2048x128xf32>, vector<128x8xf32>, vector<2048x8xf32> -> vector<2048x8xf32>
    %mul3A_61 = arith.mulf %get3A_13, %get3A_13 : vector<2048x128xf32>
    %dot_general3A_62 = arith.constant dense<0.000000e+00> : vector<2048x8xf32>
    %dot_general3A_63 = tpu.matmul %mul3A_61, %select_n3A_41, %dot_general3A_62 {dimension_numbers = #tpu.dot_dimension_numbers<[1], [0], [0], [1], [0, 0, 1, 1], [], []>, transpose_lhs_hint = false} : vector<2048x128xf32>, vector<128x8xf32>, vector<2048x8xf32> -> vector<2048x8xf32>
    %mul3A_64 = arith.mulf %get3A_4, %get3A_10 : vector<2048x128xf32>
    %dot_general3A_65 = arith.constant dense<0.000000e+00> : vector<2048x8xf32>
    %dot_general3A_66 = tpu.matmul %mul3A_64, %select_n3A_41, %dot_general3A_65 {dimension_numbers = #tpu.dot_dimension_numbers<[1], [0], [0], [1], [0, 0, 1, 1], [], []>, transpose_lhs_hint = false} : vector<2048x128xf32>, vector<128x8xf32>, vector<2048x8xf32> -> vector<2048x8xf32>
    %mul3A_67 = arith.mulf %get3A_4, %get3A_13 : vector<2048x128xf32>
    %dot_general3A_68 = arith.constant dense<0.000000e+00> : vector<2048x8xf32>
    %dot_general3A_69 = tpu.matmul %mul3A_67, %select_n3A_41, %dot_general3A_68 {dimension_numbers = #tpu.dot_dimension_numbers<[1], [0], [0], [1], [0, 0, 1, 1], [], []>, transpose_lhs_hint = false} : vector<2048x128xf32>, vector<128x8xf32>, vector<2048x8xf32> -> vector<2048x8xf32>
    %sqrt3A = math.sqrt %dot_general3A_57 : vector<2048x8xf32>
    %max3A_70 = arith.constant 9.99999996E-13 : f32
    %max3A_71 = vector.broadcast %max3A_70 : f32 to vector<2048x8xf32>
    %max3A_72 = arith.maximumf %sqrt3A, %max3A_71 : vector<2048x8xf32>
    %div3A_73 = arith.constant 1.000000e+00 : f32
    %div3A_74 = vector.broadcast %div3A_73 : f32 to vector<2048x8xf32>
    %div3A_75 = arith.divf %div3A_74, %max3A_72 : vector<2048x8xf32>
    %sqrt3A_76 = math.sqrt %dot_general3A_60 : vector<2048x8xf32>
    %max3A_77 = arith.constant 9.99999996E-13 : f32
    %max3A_78 = vector.broadcast %max3A_77 : f32 to vector<2048x8xf32>
    %max3A_79 = arith.maximumf %sqrt3A_76, %max3A_78 : vector<2048x8xf32>
    %div3A_80 = arith.constant 1.000000e+00 : f32
    %div3A_81 = vector.broadcast %div3A_80 : f32 to vector<2048x8xf32>
    %div3A_82 = arith.divf %div3A_81, %max3A_79 : vector<2048x8xf32>
    %sqrt3A_83 = math.sqrt %dot_general3A_63 : vector<2048x8xf32>
    %max3A_84 = arith.constant 9.99999996E-13 : f32
    %max3A_85 = vector.broadcast %max3A_84 : f32 to vector<2048x8xf32>
    %max3A_86 = arith.maximumf %sqrt3A_83, %max3A_85 : vector<2048x8xf32>
    %div3A_87 = arith.constant 1.000000e+00 : f32
    %div3A_88 = vector.broadcast %div3A_87 : f32 to vector<2048x8xf32>
    %div3A_89 = arith.divf %div3A_88, %max3A_86 : vector<2048x8xf32>
    %mul3A_90 = arith.mulf %dot_general3A_57, %div3A_75 : vector<2048x8xf32>
    %mul3A_91 = arith.mulf %mul3A_90, %div3A_75 : vector<2048x8xf32>
    %mul3A_92 = arith.constant 2.000000e+00 : f32
    %mul3A_93 = vector.broadcast %mul3A_92 : f32 to vector<2048x8xf32>
    %mul3A_94 = arith.mulf %mul3A_93, %dot_general3A_66 : vector<2048x8xf32>
    %mul3A_95 = arith.mulf %mul3A_94, %div3A_75 : vector<2048x8xf32>
    %mul3A_96 = arith.mulf %mul3A_95, %div3A_82 : vector<2048x8xf32>
    %sub3A_97 = arith.subf %mul3A_91, %mul3A_96 : vector<2048x8xf32>
    %mul3A_98 = arith.mulf %dot_general3A_60, %div3A_82 : vector<2048x8xf32>
    %mul3A_99 = arith.mulf %mul3A_98, %div3A_82 : vector<2048x8xf32>
    %add3A_100 = arith.addf %sub3A_97, %mul3A_99 : vector<2048x8xf32>
    %mul3A_101 = arith.mulf %dot_general3A_57, %div3A_75 : vector<2048x8xf32>
    %mul3A_102 = arith.mulf %mul3A_101, %div3A_75 : vector<2048x8xf32>
    %mul3A_103 = arith.constant 2.000000e+00 : f32
    %mul3A_104 = vector.broadcast %mul3A_103 : f32 to vector<2048x8xf32>
    %mul3A_105 = arith.mulf %mul3A_104, %dot_general3A_69 : vector<2048x8xf32>
    %mul3A_106 = arith.mulf %mul3A_105, %div3A_75 : vector<2048x8xf32>
    %mul3A_107 = arith.mulf %mul3A_106, %div3A_89 : vector<2048x8xf32>
    %sub3A_108 = arith.subf %mul3A_102, %mul3A_107 : vector<2048x8xf32>
    %mul3A_109 = arith.mulf %dot_general3A_63, %div3A_89 : vector<2048x8xf32>
    %mul3A_110 = arith.mulf %mul3A_109, %div3A_89 : vector<2048x8xf32>
    %add3A_111 = arith.addf %sub3A_108, %mul3A_110 : vector<2048x8xf32>
    %sub3A_112 = arith.subf %add3A_111, %add3A_100 : vector<2048x8xf32>
    %max3A_113 = arith.constant 0.000000e+00 : f32
    %max3A_114 = vector.broadcast %max3A_113 : f32 to vector<2048x8xf32>
    %max3A_115 = arith.maximumf %sub3A_112, %max3A_114 : vector<2048x8xf32>
    %abs3A_116 = math.absf %sub3A_112 : vector<2048x8xf32>
    %neg3A_117 = arith.constant 0.000000e+00 : f32
    %neg3A_118 = vector.broadcast %neg3A_117 : f32 to vector<2048x8xf32>
    %neg3A_119 = arith.subf %neg3A_118, %abs3A_116 : vector<2048x8xf32>
    %exp3A_120 = math.exp %neg3A_119 : vector<2048x8xf32>
    %log1p3A_121 = math.log1p %exp3A_120 : vector<2048x8xf32>
    %add3A_122 = arith.addf %max3A_115, %log1p3A_121 : vector<2048x8xf32>
    %reduce_sum3A_123 = vector.shape_cast %add3A_122 : vector<2048x8xf32> to vector<1x2048x8xf32>
    %reduce_sum3A_124 = arith.constant dense<0.000000e+00> : vector<1xf32>
    %reduce_sum3A_125 = vector.multi_reduction <add>, %reduce_sum3A_123, %reduce_sum3A_124 [1, 2] : vector<1x2048x8xf32> to vector<1xf32>
    %reduce_sum3A_126 = vector.shape_cast %reduce_sum3A_125 : vector<1xf32> to vector<1x1x1xf32>
    %reduce_sum3A_127 = vector.extract %reduce_sum3A_126[0, 0, 0] : f32 from vector<1x1x1xf32>
    %mul3A_128 = arith.constant 1.000000e-01 : f32
    %mul3A_129 = arith.mulf %mul3A_128, %reduce_sum3A_127 : f32
    %add3A_130 = arith.addf %reduce_sum3A_54, %mul3A_129 : f32
    %swap3A = arith.constant 0 : index
    %swap3A_131 = arith.constant 0 : index
    %swap3A_132 = memref.load %arg1[%swap3A, %swap3A_131] : memref<1x1xf32, #tpu.memory_space<smem>>
    memref.store %add3A_130, %arg1[%swap3A, %swap3A_131] : memref<1x1xf32, #tpu.memory_space<smem>>
    return
  }
}

</mosaic_0001>

<sc_bundles>
// kernel: kernel.4.cloned.1.call-start
scs
__scs_entry_jumppad:
0x0: {  	(pc) =	sbr.rel $0x88, $3  }
0x1: {  	(tag) =	ssettag $0x0;
	lr =	simm.s32 $0x1  }
0x2: {  	[smem:$0x3F9F] =	sst lr;
	_ =	strace $0xD0000000  }
0x3: {  	_ = 	snop  }
0x4: {  	_ = 	snop  }
0x5: {  	_ = 	snop  }
0x6: {  	_ = 	snop  }
0x7: {  	_ = 	snop  }
__scs_overlays_trampoline_lowered:
0x8: {  	[smem:$0x3FAE] =	sst s0  }
0x9: {  	[smem:$0x3FAF] =	sst s1  }
0xa: {  	[smem:$0x3FB0] =	sst s2  }
0xb: {  	[smem:$0x3FB1] =	sst s3  }
0xc: {  	[smem:$0x3FB2] =	sst s4  }
0xd: {  	[smem:$0x3FB3] =	sst s5  }
0xe: {  	[smem:$0x3FB4] =	sst s6  }
0xf: {  	[smem:$0x3FB5] =	sst s7  }
0x10: {  	[smem:$0x3FB6] =	sst s8  }
0x11: {  	[smem:$0x3FB7] =	sst s9;
	s0 =	simm.s32 @!p0 $0x0  }
0x12: {  	s1 =	sld [smem:$0x3F9D];
	s0 =	simm.s32 @p0 $0x1  }
0x13: {  	[smem:$0x3FB8] =	sst s0;
	s0 =	simm.s32 @!p1 $0x0  }
0x14: {  	s2 =	sld [smem:$0x3F9C];
	s0 =	simm.s32 @p1 $0x1  }
0x15: {  	[smem:$0x3FB9] =	sst s0;
	s0 =	simm.s32 @!p2 $0x0  }
0x16: {  	s3 =	sld [smem:$0x3FDB];
	s0 =	simm.s32 @p2 $0x1  }
0x17: {  	s4 =	simm.s32 $0x1BF5;
	[smem:$0x3FBB] =	sst s0  }
0x18: {  	s0 =	sld [smem:$0x3F9E];
	_ =	swait.ge [sflag:s4], $0x0  }
0x19: {  	s7 =	sld [smem:$0x3F9F]  }
0x1a: {  	s8 =	sadd.s32 $0xFFFFE003, lr  }
0x1b: {  	s9 =	sadd.s32 $0xFFFFFEF7, lr;
	s5 =	simm.s32 $0xFFFFFFFF;
	p2 =	slt.u32 s8, $0xFFFFF086  }
0x1c: {  	p1 =	slt.u32 s9, $0xF7A;
	s5 =	simm.s32 @!p2 $0x0  }
0x1d: {  	s5 =	simm.s32 @p1 $0x1;
	p0 =	seq.s32 s7, s2  }
0x1e: {  	s7 =	smul.u32 @!p0 $0xF7A, s2;
	p2 =	seq.s32 @!p0 s5, $0x0  }
0x1f: {  	s9 =	smul.u32 $0xF7A, s1;
	s8 =	simm.s32 @!p0 $0x1BF5;
	p2 =	por !p2, p0  }
0x20: {  	[sflag:s8] =	ssyncset.s32 @!p0 $0xFFFFF086;
	s6 =	sadd.s32 @!p0 s3, s7;
	s7 =	simm.s32 @!p0 $0x108  }
0x21: {  	s3 =	sadd.s32 s3, s9;
	s6 =	sadd.s32 @!p0 $0x88, s6;
	s7 =	simm.s32 @p2 $0x1082  }
0x22: {  	[simem:s7], [sflag:s8] =	dma.local @!p0 [hbm:s6], $0xF7A  }
0x23: {  	s9 =	sor.u32 $0xD0000000, s2;
	s6 =	simm.s32 $0x108;
	_ =	swait.ge @!p0 [sflag:s8], $0x0  }
0x24: {  	s3 =	sadd.s32 $0x88, s3;
	s6 =	simm.s32 @!p1 $0x1082;
	[sflag:s4] =	ssyncset.s32 $0xFFFFF086  }
0x25: {  	[simem:s6], [sflag:s4] =	dma.local [hbm:s3], $0xF7A  }
0x26: {  	[smem:$0x3F9F] =	sst s1;
	(tag) =	ssettag s2;
	_ =	strace s9  }
0x27: {  	s1 =	sld [smem:$0x3FAF]  }
0x28: {  	s2 =	sld [smem:$0x3FB0]  }
0x29: {  	s4 =	sld [smem:$0x3FB2]  }
0x2a: {  	p0 =	seq.s32 s5, $0x0;
	s5 =	sld [smem:$0x3FB3]  }
0x2b: {  	s6 =	sld [smem:$0x3FB4]  }
0x2c: {  	s7 =	sld [smem:$0x3FB5]  }
0x2d: {  	s3 =	simm.s32 $0x108;
	s8 =	sld [smem:$0x3FB6]  }
0x2e: {  	s3 =	simm.s32 @!p0 $0x1082;
	s9 =	sld [smem:$0x3FB7]  }
0x2f: {  	lr =	sadd.s32 s0, s3;
	s0 =	sld [smem:$0x3FAE]  }
0x30: {  	s3 =	sld [smem:$0x3FB1]  }
0x31: {  	[smem:$0x3FBA] =	sst s10  }
0x32: {  	s10 =	sld [smem:$0x3FB8];
	_ =	sdelay $0x3  }
0x33: {  	p0 =	seq.s32 s10, $0x1;
	s10 =	sld [smem:$0x3FBA];
	_ =	sdelay $0x3  }
0x34: {  	[smem:$0x3FBA] =	sst s10  }
0x35: {  	s10 =	sld [smem:$0x3FB9];
	_ =	sdelay $0x3  }
0x36: {  	p1 =	seq.s32 s10, $0x1;
	s10 =	sld [smem:$0x3FBA];
	_ =	sdelay $0x3  }
0x37: {  	[smem:$0x3FBA] =	sst s10  }
0x38: {  	s10 =	sld [smem:$0x3FBB]  }
0x39: {  	_ = 	snop;
	(pc) =	sbr.ind lr, $3  }
0x3a: {  	_ = 	snop  }
0x3b: {  	_ = 	snop  }
0x3c: {  	p2 =	seq.s32 s10, $0x1;
	s10 =	sld [smem:$0x3FBA]  }
0x3d: {  	_ =	shalt  }
0x3e: {  	_ =	shalt  }
0x3f: {  	_ =	shalt  }
0x40: {  	_ =	shalt  }
0x41: {  	_ =	shalt  }
0x42: {  	_ =	shalt  }
0x43: {  	_ =	shalt  }
0x44: {  	_ =	shalt  }
0x45: {  	_ =	shalt  }
0x46: {  	_ =	shalt  }
0x47: {  	_ =	shalt  }
0x48: {  	_ =	shalt  }
0x49: {  	_ =	shalt  }
0x4a: {  	_ =	shalt  }
0x4b: {  	_ =	shalt  }
0x4c: {  	_ =	shalt  }
0x4d: {  	_ =	shalt  }
0x4e: {  	_ =	shalt  }
0x4f: {  	_ =	shalt  }
0x50: {  	_ =	shalt  }
0x51: {  	_ =	shalt  }
0x52: {  	_ =	shalt  }
0x53: {  	_ =	shalt  }
0x54: {  	_ =	shalt  }
0x55: {  	_ =	shalt  }
0x56: {  	_ =	shalt  }
0x57: {  	_ =	shalt  }
0x58: {  	_ =	shalt  }
0x59: {  	_ =	shalt  }
0x5a: {  	_ =	shalt  }
0x5b: {  	_ =	shalt  }
0x5c: {  	_ =	shalt  }
0x5d: {  	_ =	shalt  }
0x5e: {  	_ =	shalt  }
0x5f: {  	_ =	shalt  }
0x60: {  	_ =	shalt  }
0x61: {  	_ =	shalt  }
0x62: {  	_ =	shalt  }
0x63: {  	_ =	shalt  }
0x64: {  	_ =	shalt  }
0x65: {  	_ =	shalt  }
0x66: {  	_ =	shalt  }
0x67: {  	_ =	shalt  }
0x68: {  	_ =	shalt  }
0x69: {  	_ =	shalt  }
0x6a: {  	_ =	shalt  }
0x6b: {  	_ =	shalt  }
0x6c: {  	_ =	shalt  }
0x6d: {  	_ =	shalt  }
0x6e: {  	_ =	shalt  }
0x6f: {  	_ =	shalt  }
0x70: {  	_ =	shalt  }
0x71: {  	_ =	shalt  }
0x72: {  	_ =	shalt  }
0x73: {  	_ =	shalt  }
0x74: {  	_ =	shalt  }
0x75: {  	_ =	shalt  }
0x76: {  	_ =	shalt  }
0x77: {  	_ =	shalt  }
0x78: {  	_ =	shalt  }
0x79: {  	_ =	shalt  }
0x7a: {  	_ =	shalt  }
0x7b: {  	_ =	shalt  }
0x7c: {  	_ =	shalt  }
0x7d: {  	_ =	shalt  }
0x7e: {  	_ =	shalt  }
0x7f: {  	_ =	shalt  }
0x80: {  	_ =	shalt  }
0x81: {  	_ =	shalt  }
0x82: {  	_ =	shalt  }
0x83: {  	_ =	shalt  }
0x84: {  	_ =	shalt  }
0x85: {  	_ =	shalt  }
0x86: {  	_ =	shalt  }
0x87: {  	_ =	shalt  }
.Lfunc_end0:
.L_simem_size_0:
called_computation_lowered:
.L_overlay_start_0:
0x88: {  	s2 =	sld [smem:$0x3FD9]  }
0x89: {  	s3 =	sld [smem:$0x3FFE];
	_ =	sdelay $0x1  }
0x8a: {  	s1 =	srdreg.scid  }
0x8b: {  	s0 =	sand.u32 $0x1, s1  }
0x8c: {  	s16 =	sshll.u32 s0, $0xA;
	s2 =	sadd.s32 s3, s2  }
0x8d: {  	s2 =	sadd.s32 s2, s16  }
0x8e: {  	[smem:$0x3FC6] =	sst s2  }
0x8f: {  	_ = 	snop  }
0x90: {  	(tm) =	ssettm $0x1  }
0x91: {  	s17 =	sld [smem:$0x3FFB];
	_ =	sdelay $0x3  }
0x92: {  	_ =	strace s17  }
0x93: {  	s2 =	sld [smem:$0x3FFC];
	_ =	sdelay $0x3  }
0x94: {  	_ =	strace s2  }
0x95: {  	s2 =	sld [smem:$0x3FFD];
	_ =	sdelay $0x3  }
0x96: {  	_ =	strace s2  }
0x97: {  	_ =	strace $0x8FFFFFFF  }
0x98: {  	s18 =	sld [smem:$0x3FDB];
	_ =	sdelay $0x1  }
0x99: {  	s19 =	simm.s32 $_scs_section_size  }
0x9a: {  	s4 =	simm.s32 $_size__tile_overlayer_lowered;
	s5 =	simm.s32 $_tile_overlayer_lowered  }
0x9b: {  	s22 =	simm.s32 $0x1BFF;
	s21 =	sshll.u32 s5, $0x1;
	s2 =	sadd.s32 s19, s18  }
0x9c: {  	s6 =	simm.s32 $0x0;
	s20 =	sshll.u32 s4, $0x1;
	s4 =	sadd.s32 s21, s2  }
0x9d: {  	[timem:s6], [sflag:s22] =	dma.local [hbm:s4], s20  }
0x9e: {  	_ =	swait.ge [sflag:s22], s20  }
0x9f: {  	s3 =	ssub.s32 $0x0, s20;
	[sflag:s22] =	ssyncset.done $0x0  }
0xa0: {  	[sflag:s22] =	ssyncadd.s32 s3;
	_ =	sdelay $0x1  }
0xa1: {  	s23 =	simm.s32 $0x1B8B  }
0xa2: {  	_ =	swait.ge [sflag:s23], $0x1  }
0xa3: {  	[sflag:s23] =	ssyncset.done $0x0  }
0xa4: {  	s25 =	simm.s32 $0x1B8E;
	s24 =	sld [smem:$0x3FFE];
	[sflag:s23] =	ssyncadd.s32 $0xFFFFFFFF  }
0xa5: {  	s26 =	simm.s32 $execute0_lowered;
	[smem:$0x3FD2] =	sst s25  }
0xa6: {  	s4 =	sshll.u32 s26, $0x1;
	_ =	strace $0x80000046;
	[dreg:$0x1] =	wrdreg $0xFFFFFFFF  }
0xa7: {  	s28 =	simm.s32 $_size_execute0_lowered;
	s2 =	sadd.s32 s2, s4;
	[dreg:$0x0] =	wrdreg $0x0  }
0xa8: {  	s4 =	sshll.u32 s28, $0x1;
	[dreg:$0x2] =	wrdreg s2  }
0xa9: {  	[dreg:$0x3] =	wrdreg s4  }
0xaa: {  	[dreg:$0x4] =	wrdreg $0xC0  }
0xab: {  	_ =	task [dreg:s6], $0x5FFFF  }
0xac: {  	[dreg:$0x1] =	wrdreg $0xFFFFFFFF  }
0xad: {  	[dreg:$0x0] =	wrdreg $0x60  }
0xae: {  	[dreg:$0x2] =	wrdreg s24  }
0xaf: {  	[dreg:$0x3] =	wrdreg $0x9  }
0xb0: {  	_ =	task.clear_ibuf [dreg:s6], $0x4FFFF;
	_ =	strace $0x90000046  }
0xb1: {  	s29 =	simm.s32 $0x9;
	_ =	strace $0x80000048  }
0xb2: {  	_ =	swait.ge [sflag:s29], $0x1  }
0xb3: {  	[sflag:s29] =	ssyncadd.s32 $0xFFFFFFFF  }
0xb4: {  	_ =	strace $0x90000048  }
0xb5: {  	_ =	sfence  }
0xb6: {  	s30 =	sld [smem:$0x0];
	_ =	sdelay $0x2  }
0xb7: {  	s31 =	sshll.u32 s1, $0xD;
	s1 =	sshrl.u32 s1, $0x2  }
0xb8: {  	s3 =	sand.u32 $0x4000, s31;
	s1 =	sadd.s32 s1, s30  }
0xb9: {  	s0 =	sor.u32 s3, s0;
	s1 =	sshll.u32 s1, $0x11  }
0xba: {  	s0 =	sor.u32 s1, s0  }
0xbb: {  	s0 =	sadd.s32 $0x8F2B, s0  }
0xbc: {  	[sflag:s0] =	ssyncadd.remote.s32 $0x1  }
0xbd: {  	_ =	sfence.sel $0xFFFF  }
0xbe: {  	[dreg:$0x0] =	wrdreg $0xFFFFFFFF;
	(pc) =	sbr.abs _section_cstart, $3  }
0xbf: {  	[dreg:$0x1] =	wrdreg $0xFFFFFFFF  }
0xc0: {  	_ =	task.clear_ibuf [dreg:s6], $0x2FFFF;
	_ =	strace $0x9FFFFFFF  }
0xc1: {  	(tm) =	ssettm $0x7FFFFFFF  }
tec
execute0_lowered:
.L_overlay_start_1:
0x0: {  	(tag) =	ssettag $0x1  }
0x1: {  	s1 =	srdreg.scid;
	s0 =	stileid.u32  }
0x2: {  	s1 =	sand.u32 $0x1, s1;
	s2 =	sshll.u32 s0, $0x1  }
0x3: {  	s4 =	rddreg [dreg:$0x0];
	s3 =	sor.u32 s1, s2;
	s2 =	simm.s32 $0x0  }
0x4: {  	s10 =	simm.s32 $0xA00;
	[smem:$0x7FF] =	sst s2  }
0x5: {  	s11 =	simm.s32 $0xA80;
	_ =	strace $0x80000047;
	[dreg:$0x8] =	wrdreg s10  }
0x6: {  	s12 =	simm.s32 $0x1C00;
	[dreg:$0x9] =	wrdreg s11  }
0x7: {  	s13 =	simm.s32 $0xB00;
	[dreg:$0xa] =	wrdreg s12  }
0x8: {  	v0 =	vlaneseq.u32;
	s14 =	simm.s32 $0x2400;
	[dreg:$0xb] =	wrdreg s13  }
0x9: {  	s15 =	simm.s32 $0xB80;
	v0 =	vmul.u32 $0x5, v0;
	[dreg:$0xc] =	wrdreg s14  }
0xa: {  	s16 =	simm.s32 $0x2C00;
	s17 =	simm.s32 $0xC00;
	[dreg:$0xd] =	wrdreg s15  }
0xb: {  	s18 =	simm.s32 $0xC80;
	s20 =	simm.s32 $0x3C00;
	v1 =	vadd.s32 $0x50, v0;
	v3 =	vadd.s32 $0xF0, v0;
	v4 =	vadd.s32 $0x140, v0;
	[dreg:$0xe] =	wrdreg s16  }
0xc: {  	s21 =	simm.s32 $0xD00;
	s22 =	simm.s32 $0x4400;
	v5 =	vadd.s32 $0x190, v0;
	v6 =	vadd.s32 $0x1E0, v0;
	v7 =	vadd.s32 $0x230, v0;
	[dreg:$0xf] =	wrdreg s17  }
0xd: {  	s23 =	simm.s32 $0xD80;
	s24 =	simm.s32 $0x4C00;
	v8 =	vor.u32 $0x280, v0;
	v9 =	vadd.s32 $0x2D0, v0;
	v10 =	vadd.s32 $0x320, v0;
	[dreg:$0x10] =	wrdreg s18  }
0xe: {  	s25 =	simm.s32 $0xE00;
	s26 =	simm.s32 $0xE80;
	v11 =	vadd.s32 $0x370, v0;
	v12 =	vadd.s32 $0x3C0, v0;
	v13 =	vadd.s32 $0x410, v0;
	[dreg:$0x11] =	wrdreg s20  }
0xf: {  	s28 =	simm.s32 $0x1300;
	s29 =	simm.s32 $0xA400;
	v14 =	vadd.s32 $0x460, v0;
	v15 =	vadd.s32 $0x4B0, v0;
	v16 =	vor.u32 $0x500, v0;
	[dreg:$0x12] =	wrdreg s21  }
0x10: {  	s30 =	simm.s32 $0x1380;
	s31 =	simm.s32 $0xAC00;
	v17 =	vadd.s32 $0x550, v0;
	v18 =	vadd.s32 $0x5A0, v0;
	v19 =	vadd.s32 $0x5F0, v0;
	[dreg:$0x13] =	wrdreg s22  }
0x11: {  	s1 =	ssub.s32 $0x2, s1;
	s5 =	smul.u32 $0x140, s3;
	v20 =	vadd.s32 $0x640, v0;
	v21 =	vadd.s32 $0x690, v0;
	v22 =	vadd.s32 $0x6E0, v0;
	[dreg:$0x14] =	wrdreg s23  }
0x12: {  	s3 =	sshll.u32 s3, $0xA;
	s19 =	sshrl.u32 s1, $0x1;
	v23 =	vadd.s32 $0x730, v0;
	v24 =	vor.u32 $0x780, v0;
	v25 =	vadd.s32 $0x7D0, v0;
	[dreg:$0x15] =	wrdreg s24  }
0x13: {  	v26 =	vadd.s32 $0x820, v0;
	v27 =	vadd.s32 $0x870, v0;
	v28 =	vadd.s32 $0x8C0, v0;
	s3 =	sadd.s32 s3, s4;
	s1 =	ssub.s32 s1, s19;
	[dreg:$0x16] =	wrdreg s25  }
0x14: {  	v29 =	vadd.s32 $0x910, v0;
	v30 =	vadd.s32 $0x960, v0;
	v31 =	vadd.s32 $0x9B0, v0;
	[dreg:$0x17] =	wrdreg s26;
	s13 =	simm.s32 $0xF80;
	s14 =	simm.s32 $0x6C00  }
0x15: {  	v33 =	vadd.s32 $0x51, v0;
	v34 =	vadd.s32 $0xA1, v0;
	v35 =	vadd.s32 $0xF1, v0;
	s15 =	simm.s32 $0x1000;
	s16 =	simm.s32 $0x7400;
	s17 =	simm.s32 $0x1080  }
0x16: {  	v36 =	vadd.s32 $0x141, v0;
	v37 =	vadd.s32 $0x191, v0;
	v38 =	vadd.s32 $0x1E1, v0;
	s18 =	simm.s32 $0x7C00;
	s19 =	simm.s32 $0x1100;
	s20 =	simm.s32 $0x8400  }
0x17: {  	v39 =	vadd.s32 $0x231, v0;
	v40 =	vadd.s32 $0x281, v0;
	v41 =	vadd.s32 $0x2D1, v0;
	s21 =	simm.s32 $0x1180;
	s22 =	simm.s32 $0x8C00;
	s6 =	sadd.s32 $0x3000, s3  }
0x18: {  	v42 =	vadd.s32 $0x321, v0;
	v43 =	vadd.s32 $0x371, v0;
	v44 =	vadd.s32 $0x3C1, v0;
	s23 =	simm.s32 $0x1200;
	s7 =	sadd.s32 $0xB000, s3;
	[dreg:$0x3] =	wrdreg s6  }
0x19: {  	v45 =	vadd.s32 $0x411, v0;
	v46 =	vadd.s32 $0x461, v0;
	v47 =	vadd.s32 $0x4B1, v0;
	s24 =	simm.s32 $0x9400;
	s8 =	sadd.s32 $0x13000, s3;
	[dreg:$0x4] =	wrdreg s7  }
0x1a: {  	v48 =	vadd.s32 $0x501, v0;
	v49 =	vadd.s32 $0x551, v0;
	v50 =	vadd.s32 $0x5A1, v0;
	s25 =	simm.s32 $0x1280;
	s9 =	sadd.s32 $0x1B000, s3;
	[dreg:$0x5] =	wrdreg s8  }
0x1b: {  	v51 =	vadd.s32 $0x5F1, v0;
	v52 =	vadd.s32 $0x641, v0;
	v53 =	vadd.s32 $0x691, v0;
	s5 =	sadd.s32 s5, s4;
	s3 =	sadd.s32 $0x23000, s3;
	[dreg:$0x6] =	wrdreg s9  }
0x1c: {  	v54 =	vadd.s32 $0x6E1, v0;
	v55 =	vadd.s32 $0x731, v0;
	v56 =	vadd.s32 $0x781, v0;
	s26 =	simm.s32 $0x9C00;
	s5 =	sadd.s32 $0x800, s5;
	[dreg:$0x7] =	wrdreg s3  }
0x1d: {  	v57 =	vadd.s32 $0x7D1, v0;
	v58 =	vadd.s32 $0x821, v0;
	v59 =	vadd.s32 $0x871, v0;
	s3 =	sadd.s32 $0xF42C00, s4;
	s4 =	smax.u32 s1, $0x1;
	s6 =	simm.s32 $0x80  }
0x1e: {  	v32 =	vadd.s32 $0x1, v0;
	v60 =	vadd.s32 $0x8C1, v0;
	[tilespmem:$0x1FFE0] =	vst v1;
	v1 =	vadd.s32 $0xA0, v0;
	s7 =	simm.s32 $0x1400;
	s8 =	simm.s32 $0x3400;
	s9 =	simm.s32 $0x5400  }
0x1f: {  	v61 =	vadd.s32 $0x911, v0;
	v62 =	vadd.s32 $0x961, v0;
	v63 =	vadd.s32 $0x9B1, v0;
	[tilespmem:$0x1FFF0] =	vst v1;
	s1 =	simm.s32 $0x1;
	[dreg:$0x2] =	wrdreg s5;
	s5 =	simm.s32 $0x2  }
.LBB2_1:
0x20: {  	s0 =	rddreg [dreg:$0x2]  }
0x21: {  	[tilespmem:s2], [sflag:$0x2] =	stream.linear.gather [hbm4b:s0+s2], $0xA00, $0x38;
	[tilespmem:$0xB400] =	vst v63  }
0x22: {  	_ =	swait.ge [sflag:s5], $0xA00  }
0x23: {  	[sflag:s5] =	ssyncset.done $0x0  }
0x24: {  	[sflag:s5] =	ssyncadd.s32 $0xFFFFF600  }
0x25: {  	v1 =	vld.idx.msk [tilespmem:v0+s2+$0x0], $0xffff;
	_ =	sdelay $0x4  }
0x26: {  	[tilespmem:$0xA00] =	vst v1;
	v1 =	vld [tilespmem:$0x1FFE0];
	_ =	sdelay $0x7  }
0x27: {  	v1 =	vld.idx.msk [tilespmem:v1+s2+$0x0], $0xffff;
	_ =	sdelay $0x4  }
0x28: {  	[tilespmem:$0xA10] =	vst v1;
	v1 =	vld [tilespmem:$0x1FFF0];
	_ =	sdelay $0x7  }
0x29: {  	v1 =	vld.idx.msk [tilespmem:v1+s2+$0x0], $0xffff;
	_ =	sdelay $0x4  }
0x2a: {  	[tilespmem:$0xA20] =	vst v1  }
0x2b: {  	v1 =	vld.idx.msk [tilespmem:v3+s2+$0x0], $0xffff;
	_ =	sdelay $0x4  }
0x2c: {  	[tilespmem:$0xA30] =	vst v1  }
0x2d: {  	v1 =	vld.idx.msk [tilespmem:v4+s2+$0x0], $0xffff;
	_ =	sdelay $0x4  }
0x2e: {  	[tilespmem:$0xA40] =	vst v1  }
0x2f: {  	v1 =	vld.idx.msk [tilespmem:v5+s2+$0x0], $0xffff;
	_ =	sdelay $0x4  }
0x30: {  	[tilespmem:$0xA50] =	vst v1  }
0x31: {  	v1 =	vld.idx.msk [tilespmem:v6+s2+$0x0], $0xffff;
	_ =	sdelay $0x4  }
0x32: {  	[tilespmem:$0xA60] =	vst v1  }
0x33: {  	v1 =	vld.idx.msk [tilespmem:v7+s2+$0x0], $0xffff;
	_ =	sdelay $0x4  }
0x34: {  	[tilespmem:$0xA70] =	vst v1  }
0x35: {  	v1 =	vld.idx.msk [tilespmem:v8+s2+$0x0], $0xffff;
	_ =	sdelay $0x4  }
0x36: {  	[tilespmem:$0xA80] =	vst v1  }
0x37: {  	v1 =	vld.idx.msk [tilespmem:v9+s2+$0x0], $0xffff;
	_ =	sdelay $0x4  }
0x38: {  	[tilespmem:$0xA90] =	vst v1  }
0x39: {  	v1 =	vld.idx.msk [tilespmem:v10+s2+$0x0], $0xffff;
	_ =	sdelay $0x4  }
0x3a: {  	[tilespmem:$0xAA0] =	vst v1  }
0x3b: {  	v1 =	vld.idx.msk [tilespmem:v11+s2+$0x0], $0xffff;
	_ =	sdelay $0x4  }
0x3c: {  	[tilespmem:$0xAB0] =	vst v1  }
0x3d: {  	v1 =	vld.idx.msk [tilespmem:v12+s2+$0x0], $0xffff;
	_ =	sdelay $0x4  }
0x3e: {  	[tilespmem:$0xAC0] =	vst v1  }
0x3f: {  	v1 =	vld.idx.msk [tilespmem:v13+s2+$0x0], $0xffff;
	_ =	sdelay $0x4  }
0x40: {  	[tilespmem:$0xAD0] =	vst v1  }
0x41: {  	v1 =	vld.idx.msk [tilespmem:v14+s2+$0x0], $0xffff;
	_ =	sdelay $0x4  }
0x42: {  	[tilespmem:$0xAE0] =	vst v1  }
0x43: {  	v1 =	vld.idx.msk [tilespmem:v15+s2+$0x0], $0xffff;
	_ =	sdelay $0x4  }
0x44: {  	[tilespmem:$0xAF0] =	vst v1  }
0x45: {  	v1 =	vld.idx.msk [tilespmem:v16+s2+$0x0], $0xffff;
	_ =	sdelay $0x4  }
0x46: {  	[tilespmem:$0xB00] =	vst v1  }
0x47: {  	v1 =	vld.idx.msk [tilespmem:v17+s2+$0x0], $0xffff;
	_ =	sdelay $0x4  }
0x48: {  	[tilespmem:$0xB10] =	vst v1  }
0x49: {  	v1 =	vld.idx.msk [tilespmem:v18+s2+$0x0], $0xffff;
	_ =	sdelay $0x4  }
0x4a: {  	[tilespmem:$0xB20] =	vst v1  }
0x4b: {  	v1 =	vld.idx.msk [tilespmem:v19+s2+$0x0], $0xffff;
	_ =	sdelay $0x4  }
0x4c: {  	[tilespmem:$0xB30] =	vst v1  }
0x4d: {  	v1 =	vld.idx.msk [tilespmem:v20+s2+$0x0], $0xffff;
	_ =	sdelay $0x4  }
0x4e: {  	[tilespmem:$0xB40] =	vst v1  }
0x4f: {  	v1 =	vld.idx.msk [tilespmem:v21+s2+$0x0], $0xffff;
	_ =	sdelay $0x4  }
0x50: {  	[tilespmem:$0xB50] =	vst v1  }
0x51: {  	v1 =	vld.idx.msk [tilespmem:v22+s2+$0x0], $0xffff;
	_ =	sdelay $0x4  }
0x52: {  	[tilespmem:$0xB60] =	vst v1  }
0x53: {  	v1 =	vld.idx.msk [tilespmem:v23+s2+$0x0], $0xffff;
	_ =	sdelay $0x4  }
0x54: {  	[tilespmem:$0xB70] =	vst v1  }
0x55: {  	v1 =	vld.idx.msk [tilespmem:v24+s2+$0x0], $0xffff;
	_ =	sdelay $0x4  }
0x56: {  	[tilespmem:$0xB80] =	vst v1  }
0x57: {  	v1 =	vld.idx.msk [tilespmem:v25+s2+$0x0], $0xffff;
	_ =	sdelay $0x4  }
0x58: {  	[tilespmem:$0xB90] =	vst v1  }
0x59: {  	v1 =	vld.idx.msk [tilespmem:v26+s2+$0x0], $0xffff;
	_ =	sdelay $0x4  }
0x5a: {  	[tilespmem:$0xBA0] =	vst v1  }
0x5b: {  	v1 =	vld.idx.msk [tilespmem:v27+s2+$0x0], $0xffff;
	_ =	sdelay $0x4  }
0x5c: {  	[tilespmem:$0xBB0] =	vst v1  }
0x5d: {  	v1 =	vld.idx.msk [tilespmem:v28+s2+$0x0], $0xffff;
	_ =	sdelay $0x4  }
0x5e: {  	[tilespmem:$0xBC0] =	vst v1  }
0x5f: {  	v1 =	vld.idx.msk [tilespmem:v29+s2+$0x0], $0xffff;
	_ =	sdelay $0x4  }
0x60: {  	[tilespmem:$0xBD0] =	vst v1  }
0x61: {  	v1 =	vld.idx.msk [tilespmem:v30+s2+$0x0], $0xffff;
	_ =	sdelay $0x4  }
0x62: {  	[tilespmem:$0xBE0] =	vst v1  }
0x63: {  	v1 =	vld.idx.msk [tilespmem:v31+s2+$0x0], $0xffff;
	_ =	sdelay $0x4  }
0x64: {  	[tilespmem:$0xBF0] =	vst v1  }
0x65: {  	v1 =	vld.idx.msk [tilespmem:v32+s2+$0x0], $0xffff;
	_ =	sdelay $0x4  }
0x66: {  	[tilespmem:$0xC00] =	vst v1  }
0x67: {  	v1 =	vld.idx.msk [tilespmem:v33+s2+$0x0], $0xffff;
	_ =	sdelay $0x4  }
0x68: {  	[tilespmem:$0xC10] =	vst v1  }
0x69: {  	v1 =	vld.idx.msk [tilespmem:v34+s2+$0x0], $0xffff;
	_ =	sdelay $0x4  }
0x6a: {  	[tilespmem:$0xC20] =	vst v1  }
0x6b: {  	v1 =	vld.idx.msk [tilespmem:v35+s2+$0x0], $0xffff;
	_ =	sdelay $0x4  }
0x6c: {  	[tilespmem:$0xC30] =	vst v1  }
0x6d: {  	v1 =	vld.idx.msk [tilespmem:v36+s2+$0x0], $0xffff;
	_ =	sdelay $0x4  }
0x6e: {  	[tilespmem:$0xC40] =	vst v1  }
0x6f: {  	v1 =	vld.idx.msk [tilespmem:v37+s2+$0x0], $0xffff;
	_ =	sdelay $0x4  }
0x70: {  	[tilespmem:$0xC50] =	vst v1  }
0x71: {  	v1 =	vld.idx.msk [tilespmem:v38+s2+$0x0], $0xffff;
	_ =	sdelay $0x4  }
0x72: {  	[tilespmem:$0xC60] =	vst v1  }
0x73: {  	v1 =	vld.idx.msk [tilespmem:v39+s2+$0x0], $0xffff;
	_ =	sdelay $0x4  }
0x74: {  	[tilespmem:$0xC70] =	vst v1  }
0x75: {  	v1 =	vld.idx.msk [tilespmem:v40+s2+$0x0], $0xffff;
	_ =	sdelay $0x4  }
0x76: {  	[tilespmem:$0xC80] =	vst v1  }
0x77: {  	v1 =	vld.idx.msk [tilespmem:v41+s2+$0x0], $0xffff;
	_ =	sdelay $0x4  }
0x78: {  	[tilespmem:$0xC90] =	vst v1  }
0x79: {  	v1 =	vld.idx.msk [tilespmem:v42+s2+$0x0], $0xffff;
	_ =	sdelay $0x4  }
0x7a: {  	[tilespmem:$0xCA0] =	vst v1  }
0x7b: {  	v1 =	vld.idx.msk [tilespmem:v43+s2+$0x0], $0xffff;
	_ =	sdelay $0x4  }
0x7c: {  	[tilespmem:$0xCB0] =	vst v1  }
0x7d: {  	v1 =	vld.idx.msk [tilespmem:v44+s2+$0x0], $0xffff;
	_ =	sdelay $0x4  }
0x7e: {  	[tilespmem:$0xCC0] =	vst v1  }
0x7f: {  	v1 =	vld.idx.msk [tilespmem:v45+s2+$0x0], $0xffff;
	_ =	sdelay $0x4  }
0x80: {  	[tilespmem:$0xCD0] =	vst v1  }
0x81: {  	v1 =	vld.idx.msk [tilespmem:v46+s2+$0x0], $0xffff;
	_ =	sdelay $0x4  }
0x82: {  	[tilespmem:$0xCE0] =	vst v1  }
0x83: {  	v1 =	vld.idx.msk [tilespmem:v47+s2+$0x0], $0xffff;
	_ =	sdelay $0x4  }
0x84: {  	[tilespmem:$0xCF0] =	vst v1  }
0x85: {  	v1 =	vld.idx.msk [tilespmem:v48+s2+$0x0], $0xffff;
	_ =	sdelay $0x4  }
0x86: {  	[tilespmem:$0xD00] =	vst v1  }
0x87: {  	v1 =	vld.idx.msk [tilespmem:v49+s2+$0x0], $0xffff;
	_ =	sdelay $0x4  }
0x88: {  	[tilespmem:$0xD10] =	vst v1  }
0x89: {  	v1 =	vld.idx.msk [tilespmem:v50+s2+$0x0], $0xffff;
	_ =	sdelay $0x4  }
0x8a: {  	[tilespmem:$0xD20] =	vst v1  }
0x8b: {  	v1 =	vld.idx.msk [tilespmem:v51+s2+$0x0], $0xffff;
	_ =	sdelay $0x4  }
0x8c: {  	[tilespmem:$0xD30] =	vst v1  }
0x8d: {  	v1 =	vld.idx.msk [tilespmem:v52+s2+$0x0], $0xffff;
	_ =	sdelay $0x4  }
0x8e: {  	[tilespmem:$0xD40] =	vst v1  }
0x8f: {  	v1 =	vld.idx.msk [tilespmem:v53+s2+$0x0], $0xffff;
	_ =	sdelay $0x4  }
0x90: {  	[tilespmem:$0xD50] =	vst v1  }
0x91: {  	v1 =	vld.idx.msk [tilespmem:v54+s2+$0x0], $0xffff;
	_ =	sdelay $0x4  }
0x92: {  	[tilespmem:$0xD60] =	vst v1  }
0x93: {  	v1 =	vld.idx.msk [tilespmem:v55+s2+$0x0], $0xffff;
	_ =	sdelay $0x4  }
0x94: {  	[tilespmem:$0xD70] =	vst v1  }
0x95: {  	v1 =	vld.idx.msk [tilespmem:v56+s2+$0x0], $0xffff;
	_ =	sdelay $0x4  }
0x96: {  	[tilespmem:$0xD80] =	vst v1  }
0x97: {  	v1 =	vld.idx.msk [tilespmem:v57+s2+$0x0], $0xffff;
	_ =	sdelay $0x4  }
0x98: {  	[tilespmem:$0xD90] =	vst v1  }
0x99: {  	v1 =	vld.idx.msk [tilespmem:v58+s2+$0x0], $0xffff;
	_ =	sdelay $0x4  }
0x9a: {  	[tilespmem:$0xDA0] =	vst v1  }
0x9b: {  	v1 =	vld.idx.msk [tilespmem:v59+s2+$0x0], $0xffff;
	_ =	sdelay $0x4  }
0x9c: {  	[tilespmem:$0xDB0] =	vst v1  }
0x9d: {  	v1 =	vld.idx.msk [tilespmem:v60+s2+$0x0], $0xffff;
	_ =	sdelay $0x4  }
0x9e: {  	[tilespmem:$0xDC0] =	vst v1  }
0x9f: {  	v1 =	vld.idx.msk [tilespmem:v61+s2+$0x0], $0xffff;
	_ =	sdelay $0x4  }
0xa0: {  	[tilespmem:$0xDD0] =	vst v1  }
0xa1: {  	v1 =	vld.idx.msk [tilespmem:v62+s2+$0x0], $0xffff;
	_ =	sdelay $0x4  }
0xa2: {  	[tilespmem:$0xDE0] =	vst v1  }
0xa3: {  	v1 =	vld.idx.msk [tilespmem:v63+s2+$0x0], $0xffff  }
0xa4: {  	v2 =	vadd.s32 $0x2, v0;
	_ =	sdelay $0x3  }
0xa5: {  	[tilespmem:$0xDF0] =	vst v1  }
0xa6: {  	v1 =	vld.idx.msk [tilespmem:v2+s2+$0x0], $0xffff  }
0xa7: {  	v2 =	vadd.s32 $0x52, v0;
	_ =	sdelay $0x3  }
0xa8: {  	[tilespmem:$0xE00] =	vst v1  }
0xa9: {  	v1 =	vld.idx.msk [tilespmem:v2+s2+$0x0], $0xffff  }
0xaa: {  	v2 =	vadd.s32 $0xA2, v0;
	_ =	sdelay $0x3  }
0xab: {  	[tilespmem:$0xE10] =	vst v1  }
0xac: {  	v1 =	vld.idx.msk [tilespmem:v2+s2+$0x0], $0xffff  }
0xad: {  	v2 =	vadd.s32 $0xF2, v0;
	_ =	sdelay $0x3  }
0xae: {  	[tilespmem:$0xE20] =	vst v1  }
0xaf: {  	v1 =	vld.idx.msk [tilespmem:v2+s2+$0x0], $0xffff  }
0xb0: {  	v2 =	vadd.s32 $0x142, v0;
	_ =	sdelay $0x3  }
0xb1: {  	[tilespmem:$0xE30] =	vst v1  }
0xb2: {  	v1 =	vld.idx.msk [tilespmem:v2+s2+$0x0], $0xffff  }
0xb3: {  	v2 =	vadd.s32 $0x192, v0;
	_ =	sdelay $0x3  }
0xb4: {  	[tilespmem:$0xE40] =	vst v1  }
0xb5: {  	v1 =	vld.idx.msk [tilespmem:v2+s2+$0x0], $0xffff  }
0xb6: {  	v2 =	vadd.s32 $0x1E2, v0;
	_ =	sdelay $0x3  }
0xb7: {  	[tilespmem:$0xE50] =	vst v1  }
0xb8: {  	v1 =	vld.idx.msk [tilespmem:v2+s2+$0x0], $0xffff  }
0xb9: {  	v2 =	vadd.s32 $0x232, v0;
	_ =	sdelay $0x3  }
0xba: {  	[tilespmem:$0xE60] =	vst v1  }
0xbb: {  	v1 =	vld.idx.msk [tilespmem:v2+s2+$0x0], $0xffff  }
0xbc: {  	v2 =	vadd.s32 $0x282, v0;
	_ =	sdelay $0x3  }
0xbd: {  	[tilespmem:$0xE70] =	vst v1  }
0xbe: {  	v1 =	vld.idx.msk [tilespmem:v2+s2+$0x0], $0xffff  }
0xbf: {  	v2 =	vadd.s32 $0x2D2, v0;
	_ =	sdelay $0x3  }
0xc0: {  	[tilespmem:$0xE80] =	vst v1  }
0xc1: {  	v1 =	vld.idx.msk [tilespmem:v2+s2+$0x0], $0xffff  }
0xc2: {  	v2 =	vadd.s32 $0x322, v0;
	_ =	sdelay $0x3  }
0xc3: {  	[tilespmem:$0xE90] =	vst v1  }
0xc4: {  	v1 =	vld.idx.msk [tilespmem:v2+s2+$0x0], $0xffff  }
0xc5: {  	v2 =	vadd.s32 $0x372, v0;
	_ =	sdelay $0x3  }
0xc6: {  	[tilespmem:$0xEA0] =	vst v1  }
0xc7: {  	v1 =	vld.idx.msk [tilespmem:v2+s2+$0x0], $0xffff  }
0xc8: {  	v2 =	vadd.s32 $0x3C2, v0;
	_ =	sdelay $0x3  }
0xc9: {  	[tilespmem:$0xEB0] =	vst v1  }
0xca: {  	v1 =	vld.idx.msk [tilespmem:v2+s2+$0x0], $0xffff  }
0xcb: {  	v2 =	vadd.s32 $0x412, v0;
	_ =	sdelay $0x3  }
0xcc: {  	[tilespmem:$0xEC0] =	vst v1  }
0xcd: {  	v1 =	vld.idx.msk [tilespmem:v2+s2+$0x0], $0xffff  }
0xce: {  	v2 =	vadd.s32 $0x462, v0;
	_ =	sdelay $0x3  }
0xcf: {  	[tilespmem:$0xED0] =	vst v1  }
0xd0: {  	v1 =	vld.idx.msk [tilespmem:v2+s2+$0x0], $0xffff  }
0xd1: {  	v2 =	vadd.s32 $0x4B2, v0;
	_ =	sdelay $0x3  }
0xd2: {  	[tilespmem:$0xEE0] =	vst v1  }
0xd3: {  	v1 =	vld.idx.msk [tilespmem:v2+s2+$0x0], $0xffff  }
0xd4: {  	v2 =	vadd.s32 $0x502, v0;
	_ =	sdelay $0x3  }
0xd5: {  	[tilespmem:$0xEF0] =	vst v1  }
0xd6: {  	v1 =	vld.idx.msk [tilespmem:v2+s2+$0x0], $0xffff  }
0xd7: {  	v2 =	vadd.s32 $0x552, v0;
	_ =	sdelay $0x3  }
0xd8: {  	[tilespmem:$0xF00] =	vst v1  }
0xd9: {  	v1 =	vld.idx.msk [tilespmem:v2+s2+$0x0], $0xffff  }
0xda: {  	v2 =	vadd.s32 $0x5A2, v0;
	_ =	sdelay $0x3  }
0xdb: {  	[tilespmem:$0xF10] =	vst v1  }
0xdc: {  	v1 =	vld.idx.msk [tilespmem:v2+s2+$0x0], $0xffff  }
0xdd: {  	v2 =	vadd.s32 $0x5F2, v0;
	_ =	sdelay $0x3  }
0xde: {  	[tilespmem:$0xF20] =	vst v1  }
0xdf: {  	v1 =	vld.idx.msk [tilespmem:v2+s2+$0x0], $0xffff  }
0xe0: {  	v2 =	vadd.s32 $0x642, v0;
	_ =	sdelay $0x3  }
0xe1: {  	[tilespmem:$0xF30] =	vst v1  }
0xe2: {  	v1 =	vld.idx.msk [tilespmem:v2+s2+$0x0], $0xffff  }
0xe3: {  	v2 =	vadd.s32 $0x692, v0;
	_ =	sdelay $0x3  }
0xe4: {  	[tilespmem:$0xF40] =	vst v1  }
0xe5: {  	v1 =	vld.idx.msk [tilespmem:v2+s2+$0x0], $0xffff  }
0xe6: {  	v2 =	vadd.s32 $0x6E2, v0;
	_ =	sdelay $0x3  }
0xe7: {  	[tilespmem:$0xF50] =	vst v1  }
0xe8: {  	v1 =	vld.idx.msk [tilespmem:v2+s2+$0x0], $0xffff  }
0xe9: {  	v2 =	vadd.s32 $0x732, v0;
	_ =	sdelay $0x3  }
0xea: {  	[tilespmem:$0xF60] =	vst v1  }
0xeb: {  	v1 =	vld.idx.msk [tilespmem:v2+s2+$0x0], $0xffff  }
0xec: {  	v2 =	vadd.s32 $0x782, v0;
	_ =	sdelay $0x3  }
0xed: {  	[tilespmem:$0xF70] =	vst v1  }
0xee: {  	v1 =	vld.idx.msk [tilespmem:v2+s2+$0x0], $0xffff  }
0xef: {  	v2 =	vadd.s32 $0x7D2, v0;
	_ =	sdelay $0x3  }
0xf0: {  	[tilespmem:$0xF80] =	vst v1  }
0xf1: {  	v1 =	vld.idx.msk [tilespmem:v2+s2+$0x0], $0xffff  }
0xf2: {  	v2 =	vadd.s32 $0x822, v0;
	_ =	sdelay $0x3  }
0xf3: {  	[tilespmem:$0xF90] =	vst v1  }
0xf4: {  	v1 =	vld.idx.msk [tilespmem:v2+s2+$0x0], $0xffff  }
0xf5: {  	v2 =	vadd.s32 $0x872, v0;
	_ =	sdelay $0x3  }
0xf6: {  	[tilespmem:$0xFA0] =	vst v1  }
0xf7: {  	v1 =	vld.idx.msk [tilespmem:v2+s2+$0x0], $0xffff  }
0xf8: {  	v2 =	vadd.s32 $0x8C2, v0;
	_ =	sdelay $0x3  }
0xf9: {  	[tilespmem:$0xFB0] =	vst v1  }
0xfa: {  	v1 =	vld.idx.msk [tilespmem:v2+s2+$0x0], $0xffff  }
0xfb: {  	v2 =	vadd.s32 $0x912, v0;
	_ =	sdelay $0x3  }
0xfc: {  	[tilespmem:$0xFC0] =	vst v1  }
0xfd: {  	v1 =	vld.idx.msk [tilespmem:v2+s2+$0x0], $0xffff  }
0xfe: {  	v2 =	vadd.s32 $0x962, v0;
	_ =	sdelay $0x3  }
0xff: {  	[tilespmem:$0xFD0] =	vst v1  }
0x100: {  	v1 =	vld.idx.msk [tilespmem:v2+s2+$0x0], $0xffff  }
0x101: {  	v2 =	vadd.s32 $0x9B2, v0;
	_ =	sdelay $0x3  }
0x102: {  	[tilespmem:$0xFE0] =	vst v1  }
0x103: {  	v1 =	vld.idx.msk [tilespmem:v2+s2+$0x0], $0xffff  }
0x104: {  	v2 =	vadd.s32 $0x3, v0;
	_ =	sdelay $0x3  }
0x105: {  	[tilespmem:$0xFF0] =	vst v1  }
0x106: {  	v1 =	vld.idx.msk [tilespmem:v2+s2+$0x0], $0xffff  }
0x107: {  	v2 =	vadd.s32 $0x53, v0;
	_ =	sdelay $0x3  }
0x108: {  	[tilespmem:$0x1000] =	vst v1  }
0x109: {  	v1 =	vld.idx.msk [tilespmem:v2+s2+$0x0], $0xffff  }
0x10a: {  	v2 =	vadd.s32 $0xA3, v0;
	_ =	sdelay $0x3  }
0x10b: {  	[tilespmem:$0x1010] =	vst v1  }
0x10c: {  	v1 =	vld.idx.msk [tilespmem:v2+s2+$0x0], $0xffff  }
0x10d: {  	v2 =	vadd.s32 $0xF3, v0;
	_ =	sdelay $0x3  }
0x10e: {  	[tilespmem:$0x1020] =	vst v1  }
0x10f: {  	v1 =	vld.idx.msk [tilespmem:v2+s2+$0x0], $0xffff  }
0x110: {  	v2 =	vadd.s32 $0x143, v0;
	_ =	sdelay $0x3  }
0x111: {  	[tilespmem:$0x1030] =	vst v1  }
0x112: {  	v1 =	vld.idx.msk [tilespmem:v2+s2+$0x0], $0xffff  }
0x113: {  	v2 =	vadd.s32 $0x193, v0;
	_ =	sdelay $0x3  }
0x114: {  	[tilespmem:$0x1040] =	vst v1  }
0x115: {  	v1 =	vld.idx.msk [tilespmem:v2+s2+$0x0], $0xffff  }
0x116: {  	v2 =	vadd.s32 $0x1E3, v0;
	_ =	sdelay $0x3  }
0x117: {  	[tilespmem:$0x1050] =	vst v1  }
0x118: {  	v1 =	vld.idx.msk [tilespmem:v2+s2+$0x0], $0xffff  }
0x119: {  	v2 =	vadd.s32 $0x233, v0;
	_ =	sdelay $0x3  }
0x11a: {  	[tilespmem:$0x1060] =	vst v1  }
0x11b: {  	v1 =	vld.idx.msk [tilespmem:v2+s2+$0x0], $0xffff  }
0x11c: {  	v2 =	vadd.s32 $0x283, v0;
	_ =	sdelay $0x3  }
0x11d: {  	[tilespmem:$0x1070] =	vst v1  }
0x11e: {  	v1 =	vld.idx.msk [tilespmem:v2+s2+$0x0], $0xffff  }
0x11f: {  	v2 =	vadd.s32 $0x2D3, v0;
	_ =	sdelay $0x3  }
0x120: {  	[tilespmem:$0x1080] =	vst v1  }
0x121: {  	v1 =	vld.idx.msk [tilespmem:v2+s2+$0x0], $0xffff  }
0x122: {  	v2 =	vadd.s32 $0x323, v0;
	_ =	sdelay $0x3  }
0x123: {  	[tilespmem:$0x1090] =	vst v1  }
0x124: {  	v1 =	vld.idx.msk [tilespmem:v2+s2+$0x0], $0xffff  }
0x125: {  	v2 =	vadd.s32 $0x373, v0;
	_ =	sdelay $0x3  }
0x126: {  	[tilespmem:$0x10A0] =	vst v1  }
0x127: {  	v1 =	vld.idx.msk [tilespmem:v2+s2+$0x0], $0xffff  }
0x128: {  	v2 =	vadd.s32 $0x3C3, v0;
	_ =	sdelay $0x3  }
0x129: {  	[tilespmem:$0x10B0] =	vst v1  }
0x12a: {  	v1 =	vld.idx.msk [tilespmem:v2+s2+$0x0], $0xffff  }
0x12b: {  	v2 =	vadd.s32 $0x413, v0;
	_ =	sdelay $0x3  }
0x12c: {  	[tilespmem:$0x10C0] =	vst v1  }
0x12d: {  	v1 =	vld.idx.msk [tilespmem:v2+s2+$0x0], $0xffff  }
0x12e: {  	v2 =	vadd.s32 $0x463, v0;
	_ =	sdelay $0x3  }
0x12f: {  	[tilespmem:$0x10D0] =	vst v1  }
0x130: {  	v1 =	vld.idx.msk [tilespmem:v2+s2+$0x0], $0xffff  }
0x131: {  	v2 =	vadd.s32 $0x4B3, v0;
	_ =	sdelay $0x3  }
0x132: {  	[tilespmem:$0x10E0] =	vst v1  }
0x133: {  	v1 =	vld.idx.msk [tilespmem:v2+s2+$0x0], $0xffff  }
0x134: {  	v2 =	vadd.s32 $0x503, v0;
	_ =	sdelay $0x3  }
0x135: {  	[tilespmem:$0x10F0] =	vst v1  }
0x136: {  	v1 =	vld.idx.msk [tilespmem:v2+s2+$0x0], $0xffff  }
0x137: {  	v2 =	vadd.s32 $0x553, v0;
	_ =	sdelay $0x3  }
0x138: {  	[tilespmem:$0x1100] =	vst v1  }
0x139: {  	v1 =	vld.idx.msk [tilespmem:v2+s2+$0x0], $0xffff  }
0x13a: {  	v2 =	vadd.s32 $0x5A3, v0;
	_ =	sdelay $0x3  }
0x13b: {  	[tilespmem:$0x1110] =	vst v1  }
0x13c: {  	v1 =	vld.idx.msk [tilespmem:v2+s2+$0x0], $0xffff  }
0x13d: {  	v2 =	vadd.s32 $0x5F3, v0;
	_ =	sdelay $0x3  }
0x13e: {  	[tilespmem:$0x1120] =	vst v1  }
0x13f: {  	v1 =	vld.idx.msk [tilespmem:v2+s2+$0x0], $0xffff  }
0x140: {  	v2 =	vadd.s32 $0x643, v0;
	_ =	sdelay $0x3  }
0x141: {  	[tilespmem:$0x1130] =	vst v1  }
0x142: {  	v1 =	vld.idx.msk [tilespmem:v2+s2+$0x0], $0xffff  }
0x143: {  	v2 =	vadd.s32 $0x693, v0;
	_ =	sdelay $0x3  }
0x144: {  	[tilespmem:$0x1140] =	vst v1  }
0x145: {  	v1 =	vld.idx.msk [tilespmem:v2+s2+$0x0], $0xffff  }
0x146: {  	v2 =	vadd.s32 $0x6E3, v0;
	_ =	sdelay $0x3  }
0x147: {  	[tilespmem:$0x1150] =	vst v1  }
0x148: {  	v1 =	vld.idx.msk [tilespmem:v2+s2+$0x0], $0xffff  }
0x149: {  	v2 =	vadd.s32 $0x733, v0;
	_ =	sdelay $0x3  }
0x14a: {  	[tilespmem:$0x1160] =	vst v1  }
0x14b: {  	v1 =	vld.idx.msk [tilespmem:v2+s2+$0x0], $0xffff  }
0x14c: {  	v2 =	vadd.s32 $0x783, v0;
	_ =	sdelay $0x3  }
0x14d: {  	[tilespmem:$0x1170] =	vst v1  }
0x14e: {  	v1 =	vld.idx.msk [tilespmem:v2+s2+$0x0], $0xffff  }
0x14f: {  	v2 =	vadd.s32 $0x7D3, v0;
	_ =	sdelay $0x3  }
0x150: {  	[tilespmem:$0x1180] =	vst v1  }
0x151: {  	v1 =	vld.idx.msk [tilespmem:v2+s2+$0x0], $0xffff  }
0x152: {  	v2 =	vadd.s32 $0x823, v0;
	_ =	sdelay $0x3  }
0x153: {  	[tilespmem:$0x1190] =	vst v1  }
0x154: {  	v1 =	vld.idx.msk [tilespmem:v2+s2+$0x0], $0xffff  }
0x155: {  	v2 =	vadd.s32 $0x873, v0;
	_ =	sdelay $0x3  }
0x156: {  	[tilespmem:$0x11A0] =	vst v1  }
0x157: {  	v1 =	vld.idx.msk [tilespmem:v2+s2+$0x0], $0xffff  }
0x158: {  	v2 =	vadd.s32 $0x8C3, v0;
	_ =	sdelay $0x3  }
0x159: {  	[tilespmem:$0x11B0] =	vst v1  }
0x15a: {  	v1 =	vld.idx.msk [tilespmem:v2+s2+$0x0], $0xffff  }
0x15b: {  	v2 =	vadd.s32 $0x913, v0;
	_ =	sdelay $0x3  }
0x15c: {  	[tilespmem:$0x11C0] =	vst v1  }
0x15d: {  	v1 =	vld.idx.msk [tilespmem:v2+s2+$0x0], $0xffff  }
0x15e: {  	v2 =	vadd.s32 $0x963, v0;
	_ =	sdelay $0x3  }
0x15f: {  	[tilespmem:$0x11D0] =	vst v1  }
0x160: {  	v1 =	vld.idx.msk [tilespmem:v2+s2+$0x0], $0xffff  }
0x161: {  	v2 =	vadd.s32 $0x9B3, v0;
	_ =	sdelay $0x3  }
0x162: {  	[tilespmem:$0x11E0] =	vst v1  }
0x163: {  	v1 =	vld.idx.msk [tilespmem:v2+s2+$0x0], $0xffff  }
0x164: {  	v2 =	vadd.s32 $0x4, v0;
	_ =	sdelay $0x3  }
0x165: {  	[tilespmem:$0x11F0] =	vst v1  }
0x166: {  	v1 =	vld.idx.msk [tilespmem:v2+s2+$0x0], $0xffff  }
0x167: {  	v2 =	vadd.s32 $0x54, v0;
	_ =	sdelay $0x3  }
0x168: {  	[tilespmem:$0x1200] =	vst v1  }
0x169: {  	v1 =	vld.idx.msk [tilespmem:v2+s2+$0x0], $0xffff  }
0x16a: {  	v2 =	vadd.s32 $0xA4, v0;
	_ =	sdelay $0x3  }
0x16b: {  	[tilespmem:$0x1210] =	vst v1  }
0x16c: {  	v1 =	vld.idx.msk [tilespmem:v2+s2+$0x0], $0xffff  }
0x16d: {  	v2 =	vadd.s32 $0xF4, v0;
	_ =	sdelay $0x3  }
0x16e: {  	[tilespmem:$0x1220] =	vst v1  }
0x16f: {  	v1 =	vld.idx.msk [tilespmem:v2+s2+$0x0], $0xffff  }
0x170: {  	v2 =	vadd.s32 $0x144, v0;
	_ =	sdelay $0x3  }
0x171: {  	[tilespmem:$0x1230] =	vst v1  }
0x172: {  	v1 =	vld.idx.msk [tilespmem:v2+s2+$0x0], $0xffff  }
0x173: {  	v2 =	vadd.s32 $0x194, v0;
	_ =	sdelay $0x3  }
0x174: {  	[tilespmem:$0x1240] =	vst v1  }
0x175: {  	v1 =	vld.idx.msk [tilespmem:v2+s2+$0x0], $0xffff  }
0x176: {  	v2 =	vadd.s32 $0x1E4, v0;
	_ =	sdelay $0x3  }
0x177: {  	[tilespmem:$0x1250] =	vst v1  }
0x178: {  	v1 =	vld.idx.msk [tilespmem:v2+s2+$0x0], $0xffff  }
0x179: {  	v2 =	vadd.s32 $0x234, v0;
	_ =	sdelay $0x3  }
0x17a: {  	[tilespmem:$0x1260] =	vst v1  }
0x17b: {  	v1 =	vld.idx.msk [tilespmem:v2+s2+$0x0], $0xffff  }
0x17c: {  	v2 =	vadd.s32 $0x284, v0;
	_ =	sdelay $0x3  }
0x17d: {  	[tilespmem:$0x1270] =	vst v1  }
0x17e: {  	v1 =	vld.idx.msk [tilespmem:v2+s2+$0x0], $0xffff  }
0x17f: {  	v2 =	vadd.s32 $0x2D4, v0;
	_ =	sdelay $0x3  }
0x180: {  	[tilespmem:$0x1280] =	vst v1  }
0x181: {  	v1 =	vld.idx.msk [tilespmem:v2+s2+$0x0], $0xffff  }
0x182: {  	v2 =	vadd.s32 $0x324, v0;
	_ =	sdelay $0x3  }
0x183: {  	[tilespmem:$0x1290] =	vst v1  }
0x184: {  	v1 =	vld.idx.msk [tilespmem:v2+s2+$0x0], $0xffff  }
0x185: {  	v2 =	vadd.s32 $0x374, v0;
	_ =	sdelay $0x3  }
0x186: {  	[tilespmem:$0x12A0] =	vst v1  }
0x187: {  	v1 =	vld.idx.msk [tilespmem:v2+s2+$0x0], $0xffff  }
0x188: {  	v2 =	vadd.s32 $0x3C4, v0;
	_ =	sdelay $0x3  }
0x189: {  	[tilespmem:$0x12B0] =	vst v1  }
0x18a: {  	v1 =	vld.idx.msk [tilespmem:v2+s2+$0x0], $0xffff  }
0x18b: {  	v2 =	vadd.s32 $0x414, v0;
	_ =	sdelay $0x3  }
0x18c: {  	[tilespmem:$0x12C0] =	vst v1  }
0x18d: {  	v1 =	vld.idx.msk [tilespmem:v2+s2+$0x0], $0xffff  }
0x18e: {  	v2 =	vadd.s32 $0x464, v0;
	_ =	sdelay $0x3  }
0x18f: {  	[tilespmem:$0x12D0] =	vst v1  }
0x190: {  	v1 =	vld.idx.msk [tilespmem:v2+s2+$0x0], $0xffff  }
0x191: {  	v2 =	vadd.s32 $0x4B4, v0;
	_ =	sdelay $0x3  }
0x192: {  	[tilespmem:$0x12E0] =	vst v1  }
0x193: {  	v1 =	vld.idx.msk [tilespmem:v2+s2+$0x0], $0xffff  }
0x194: {  	v2 =	vadd.s32 $0x504, v0;
	_ =	sdelay $0x3  }
0x195: {  	[tilespmem:$0x12F0] =	vst v1  }
0x196: {  	v1 =	vld.idx.msk [tilespmem:v2+s2+$0x0], $0xffff  }
0x197: {  	v2 =	vadd.s32 $0x554, v0;
	_ =	sdelay $0x3  }
0x198: {  	[tilespmem:$0x1300] =	vst v1  }
0x199: {  	v1 =	vld.idx.msk [tilespmem:v2+s2+$0x0], $0xffff  }
0x19a: {  	v2 =	vadd.s32 $0x5A4, v0;
	_ =	sdelay $0x3  }
0x19b: {  	[tilespmem:$0x1310] =	vst v1  }
0x19c: {  	v1 =	vld.idx.msk [tilespmem:v2+s2+$0x0], $0xffff  }
0x19d: {  	v2 =	vadd.s32 $0x5F4, v0;
	_ =	sdelay $0x3  }
0x19e: {  	[tilespmem:$0x1320] =	vst v1  }
0x19f: {  	v1 =	vld.idx.msk [tilespmem:v2+s2+$0x0], $0xffff  }
0x1a0: {  	v2 =	vadd.s32 $0x644, v0;
	_ =	sdelay $0x3  }
0x1a1: {  	[tilespmem:$0x1330] =	vst v1  }
0x1a2: {  	v1 =	vld.idx.msk [tilespmem:v2+s2+$0x0], $0xffff  }
0x1a3: {  	v2 =	vadd.s32 $0x694, v0;
	_ =	sdelay $0x3  }
0x1a4: {  	[tilespmem:$0x1340] =	vst v1  }
0x1a5: {  	v1 =	vld.idx.msk [tilespmem:v2+s2+$0x0], $0xffff  }
0x1a6: {  	v2 =	vadd.s32 $0x6E4, v0;
	_ =	sdelay $0x3  }
0x1a7: {  	[tilespmem:$0x1350] =	vst v1  }
0x1a8: {  	v1 =	vld.idx.msk [tilespmem:v2+s2+$0x0], $0xffff  }
0x1a9: {  	v2 =	vadd.s32 $0x734, v0;
	_ =	sdelay $0x3  }
0x1aa: {  	[tilespmem:$0x1360] =	vst v1  }
0x1ab: {  	v1 =	vld.idx.msk [tilespmem:v2+s2+$0x0], $0xffff  }
0x1ac: {  	v2 =	vadd.s32 $0x784, v0;
	_ =	sdelay $0x3  }
0x1ad: {  	[tilespmem:$0x1370] =	vst v1  }
0x1ae: {  	v1 =	vld.idx.msk [tilespmem:v2+s2+$0x0], $0xffff  }
0x1af: {  	v2 =	vadd.s32 $0x7D4, v0;
	_ =	sdelay $0x3  }
0x1b0: {  	[tilespmem:$0x1380] =	vst v1  }
0x1b1: {  	v1 =	vld.idx.msk [tilespmem:v2+s2+$0x0], $0xffff  }
0x1b2: {  	v2 =	vadd.s32 $0x824, v0;
	_ =	sdelay $0x3  }
0x1b3: {  	[tilespmem:$0x1390] =	vst v1  }
0x1b4: {  	v1 =	vld.idx.msk [tilespmem:v2+s2+$0x0], $0xffff  }
0x1b5: {  	v2 =	vadd.s32 $0x874, v0;
	_ =	sdelay $0x3  }
0x1b6: {  	[tilespmem:$0x13A0] =	vst v1  }
0x1b7: {  	v1 =	vld.idx.msk [tilespmem:v2+s2+$0x0], $0xffff  }
0x1b8: {  	v2 =	vadd.s32 $0x8C4, v0;
	_ =	sdelay $0x3  }
0x1b9: {  	[tilespmem:$0x13B0] =	vst v1  }
0x1ba: {  	v1 =	vld.idx.msk [tilespmem:v2+s2+$0x0], $0xffff  }
0x1bb: {  	v2 =	vadd.s32 $0x914, v0;
	_ =	sdelay $0x3  }
0x1bc: {  	[tilespmem:$0x13C0] =	vst v1  }
0x1bd: {  	v1 =	vld.idx.msk [tilespmem:v2+s2+$0x0], $0xffff  }
0x1be: {  	v2 =	vadd.s32 $0x964, v0;
	_ =	sdelay $0x3  }
0x1bf: {  	[tilespmem:$0x13D0] =	vst v1  }
0x1c0: {  	v1 =	vld.idx.msk [tilespmem:v2+s2+$0x0], $0xffff  }
0x1c1: {  	v2 =	vadd.s32 $0x9B4, v0;
	_ =	sdelay $0x3  }
0x1c2: {  	[tilespmem:$0x13E0] =	vst v1  }
0x1c3: {  	v1 =	vld.idx.msk [tilespmem:v2+s2+$0x0], $0xffff;
	_ =	sdelay $0x1  }
0x1c4: {  	s12 =	rddreg [dreg:$0x8]  }
0x1c5: {  	s10 =	rddreg [dreg:$0x9]  }
0x1c6: {  	s11 =	rddreg [dreg:$0xa]  }
0x1c7: {  	s0 =	rddreg [dreg:$0xb];
	[tilespmem:$0x13F0] =	vst v1  }
0x1c8: {  	[tilespmem:s7], [sflag:$0x1] =	stream.indirect.gather [hbm4b:s3+s6], $0x10, s12, s6, $0xb8;
	[tilespmem:$0xB400] =	vst v63  }
0x1c9: {  	s12 =	rddreg [dreg:$0xe]  }
0x1ca: {  	[tilespmem:s11], [sflag:$0x1] =	stream.indirect.gather [hbm4b:s3+s6], $0x10, s10, s6, $0xb8;
	[tilespmem:$0xB400] =	vst v63  }
0x1cb: {  	s10 =	rddreg [dreg:$0xc]  }
0x1cc: {  	s11 =	rddreg [dreg:$0xd]  }
0x1cd: {  	[tilespmem:s10], [sflag:$0x1] =	stream.indirect.gather [hbm4b:s3+s6], $0x10, s0, s6, $0xb8;
	[tilespmem:$0xB400] =	vst v63  }
0x1ce: {  	s10 =	rddreg [dreg:$0xf]  }
0x1cf: {  	s0 =	rddreg [dreg:$0x12]  }
0x1d0: {  	[tilespmem:s12], [sflag:$0x1] =	stream.indirect.gather [hbm4b:s3+s6], $0x10, s11, s6, $0xb8;
	[tilespmem:$0xB400] =	vst v63  }
0x1d1: {  	s11 =	rddreg [dreg:$0x10]  }
0x1d2: {  	s12 =	rddreg [dreg:$0x11]  }
0x1d3: {  	[tilespmem:s8], [sflag:$0x1] =	stream.indirect.gather [hbm4b:s3+s6], $0x10, s10, s6, $0xb8;
	[tilespmem:$0xB400] =	vst v63  }
0x1d4: {  	s10 =	rddreg [dreg:$0x13]  }
0x1d5: {  	[tilespmem:s12], [sflag:$0x1] =	stream.indirect.gather [hbm4b:s3+s6], $0x10, s11, s6, $0xb8;
	[tilespmem:$0xB400] =	vst v63  }
0x1d6: {  	s11 =	rddreg [dreg:$0x14]  }
0x1d7: {  	[tilespmem:s10], [sflag:$0x1] =	stream.indirect.gather [hbm4b:s3+s6], $0x10, s0, s6, $0xb8;
	[tilespmem:$0xB400] =	vst v63  }
0x1d8: {  	s12 =	rddreg [dreg:$0x15]  }
0x1d9: {  	[tilespmem:s12], [sflag:$0x1] =	stream.indirect.gather [hbm4b:s3+s6], $0x10, s11, s6, $0xb8;
	[tilespmem:$0xB400] =	vst v63  }
0x1da: {  	s10 =	rddreg [dreg:$0x16]  }
0x1db: {  	[tilespmem:s9], [sflag:$0x1] =	stream.indirect.gather [hbm4b:s3+s6], $0x10, s10, s6, $0xb8;
	[tilespmem:$0xB400] =	vst v63  }
0x1dc: {  	s11 =	rddreg [dreg:$0x17];
	s12 =	simm.s32 $0x5C00  }
0x1dd: {  	[tilespmem:s12], [sflag:$0x1] =	stream.indirect.gather [hbm4b:s3+s6], $0x10, s11, s6, $0xb8;
	[tilespmem:$0xB400] =	vst v63  }
0x1de: {  	s11 =	simm.s32 $0xF00;
	s12 =	simm.s32 $0x6400  }
0x1df: {  	[tilespmem:s12], [sflag:$0x1] =	stream.indirect.gather [hbm4b:s3+s6], $0x10, s11, s6, $0xb8;
	[tilespmem:$0xB400] =	vst v63  }
0x1e0: {  	_ = 	snop  }
0x1e1: {  	[tilespmem:s14], [sflag:$0x1] =	stream.indirect.gather [hbm4b:s3+s6], $0x10, s13, s6, $0xb8;
	[tilespmem:$0xB400] =	vst v63  }
0x1e2: {  	_ = 	snop  }
0x1e3: {  	[tilespmem:s16], [sflag:$0x1] =	stream.indirect.gather [hbm4b:s3+s6], $0x10, s15, s6, $0xb8;
	[tilespmem:$0xB400] =	vst v63  }
0x1e4: {  	_ = 	snop  }
0x1e5: {  	[tilespmem:s18], [sflag:$0x1] =	stream.indirect.gather [hbm4b:s3+s6], $0x10, s17, s6, $0xb8;
	[tilespmem:$0xB400] =	vst v63  }
0x1e6: {  	_ = 	snop  }
0x1e7: {  	[tilespmem:s20], [sflag:$0x1] =	stream.indirect.gather [hbm4b:s3+s6], $0x10, s19, s6, $0xb8;
	[tilespmem:$0xB400] =	vst v63  }
0x1e8: {  	_ = 	snop  }
0x1e9: {  	[tilespmem:s22], [sflag:$0x1] =	stream.indirect.gather [hbm4b:s3+s6], $0x10, s21, s6, $0xb8;
	[tilespmem:$0xB400] =	vst v63  }
0x1ea: {  	_ = 	snop  }
0x1eb: {  	[tilespmem:s24], [sflag:$0x1] =	stream.indirect.gather [hbm4b:s3+s6], $0x10, s23, s6, $0xb8;
	[tilespmem:$0xB400] =	vst v63  }
0x1ec: {  	_ = 	snop  }
0x1ed: {  	[tilespmem:s26], [sflag:$0x1] =	stream.indirect.gather [hbm4b:s3+s6], $0x10, s25, s6, $0xb8;
	[tilespmem:$0xB400] =	vst v63  }
0x1ee: {  	_ = 	snop  }
0x1ef: {  	[tilespmem:s29], [sflag:$0x1] =	stream.indirect.gather [hbm4b:s3+s6], $0x10, s28, s6, $0xb8;
	[tilespmem:$0xB400] =	vst v63  }
0x1f0: {  	_ = 	snop  }
0x1f1: {  	[tilespmem:s31], [sflag:$0x1] =	stream.indirect.gather [hbm4b:s3+s6], $0x10, s30, s6, $0xb8;
	[tilespmem:$0xB400] =	vst v63  }
0x1f2: {  	_ =	swait.ge [sflag:s1], $0x800  }
0x1f3: {  	[sflag:s1] =	ssyncset.done $0x0  }
0x1f4: {  	[sflag:s1] =	ssyncadd.s32 $0xFFFFF800  }
0x1f5: {  	_ =	swait.ge [sflag:s1], $0x800  }
0x1f6: {  	[sflag:s1] =	ssyncset.done $0x0  }
0x1f7: {  	[sflag:s1] =	ssyncadd.s32 $0xFFFFF800  }
0x1f8: {  	_ =	swait.ge [sflag:s1], $0x800  }
0x1f9: {  	[sflag:s1] =	ssyncset.done $0x0  }
0x1fa: {  	[sflag:s1] =	ssyncadd.s32 $0xFFFFF800  }
0x1fb: {  	_ =	swait.ge [sflag:s1], $0x800  }
0x1fc: {  	[sflag:s1] =	ssyncset.done $0x0  }
0x1fd: {  	[sflag:s1] =	ssyncadd.s32 $0xFFFFF800  }
0x1fe: {  	_ =	swait.ge [sflag:s1], $0x800  }
0x1ff: {  	[sflag:s1] =	ssyncset.done $0x0  }
0x200: {  	[sflag:s1] =	ssyncadd.s32 $0xFFFFF800  }
0x201: {  	_ =	swait.ge [sflag:s1], $0x800  }
0x202: {  	[sflag:s1] =	ssyncset.done $0x0  }
0x203: {  	[sflag:s1] =	ssyncadd.s32 $0xFFFFF800  }
0x204: {  	_ =	swait.ge [sflag:s1], $0x800  }
0x205: {  	[sflag:s1] =	ssyncset.done $0x0  }
0x206: {  	[sflag:s1] =	ssyncadd.s32 $0xFFFFF800  }
0x207: {  	_ =	swait.ge [sflag:s1], $0x800  }
0x208: {  	[sflag:s1] =	ssyncset.done $0x0  }
0x209: {  	[sflag:s1] =	ssyncadd.s32 $0xFFFFF800  }
0x20a: {  	_ =	swait.ge [sflag:s1], $0x800  }
0x20b: {  	[sflag:s1] =	ssyncset.done $0x0  }
0x20c: {  	[sflag:s1] =	ssyncadd.s32 $0xFFFFF800  }
0x20d: {  	_ =	swait.ge [sflag:s1], $0x800  }
0x20e: {  	[sflag:s1] =	ssyncset.done $0x0  }
0x20f: {  	[sflag:s1] =	ssyncadd.s32 $0xFFFFF800  }
0x210: {  	_ =	swait.ge [sflag:s1], $0x800  }
0x211: {  	[sflag:s1] =	ssyncset.done $0x0  }
0x212: {  	[sflag:s1] =	ssyncadd.s32 $0xFFFFF800  }
0x213: {  	_ =	swait.ge [sflag:s1], $0x800  }
0x214: {  	[sflag:s1] =	ssyncset.done $0x0  }
0x215: {  	[sflag:s1] =	ssyncadd.s32 $0xFFFFF800  }
0x216: {  	_ =	swait.ge [sflag:s1], $0x800  }
0x217: {  	[sflag:s1] =	ssyncset.done $0x0  }
0x218: {  	[sflag:s1] =	ssyncadd.s32 $0xFFFFF800  }
0x219: {  	_ =	swait.ge [sflag:s1], $0x800  }
0x21a: {  	[sflag:s1] =	ssyncset.done $0x0  }
0x21b: {  	[sflag:s1] =	ssyncadd.s32 $0xFFFFF800  }
0x21c: {  	_ =	swait.ge [sflag:s1], $0x800  }
0x21d: {  	[sflag:s1] =	ssyncset.done $0x0  }
0x21e: {  	[sflag:s1] =	ssyncadd.s32 $0xFFFFF800  }
0x21f: {  	_ =	swait.ge [sflag:s1], $0x800  }
0x220: {  	[sflag:s1] =	ssyncset.done $0x0  }
0x221: {  	[sflag:s1] =	ssyncadd.s32 $0xFFFFF800  }
0x222: {  	_ =	swait.ge [sflag:s1], $0x800  }
0x223: {  	[sflag:s1] =	ssyncset.done $0x0  }
0x224: {  	[sflag:s1] =	ssyncadd.s32 $0xFFFFF800  }
0x225: {  	_ =	swait.ge [sflag:s1], $0x800  }
0x226: {  	[sflag:s1] =	ssyncset.done $0x0  }
0x227: {  	[sflag:s1] =	ssyncadd.s32 $0xFFFFF800  }
0x228: {  	_ =	swait.ge [sflag:s1], $0x800  }
0x229: {  	[sflag:s1] =	ssyncset.done $0x0  }
0x22a: {  	[sflag:s1] =	ssyncadd.s32 $0xFFFFF800  }
0x22b: {  	_ =	swait.ge [sflag:s1], $0x800  }
0x22c: {  	[sflag:s1] =	ssyncset.done $0x0  }
0x22d: {  	s11 =	rddreg [dreg:$0x3];
	[sflag:s1] =	ssyncadd.s32 $0xFFFFF800  }
0x22e: {  	[hbm4b:s11+s2] =	stream.linear.scatter [tilespmem:s7], [sflag:$0x2], $0x2000, $0x38;
	[tilespmem:$0xB400] =	vst v63  }
0x22f: {  	_ =	swait.ge [sflag:s5], $0x2000  }
0x230: {  	[sflag:s5] =	ssyncset.done $0x0  }
0x231: {  	s12 =	rddreg [dreg:$0x4];
	[sflag:s5] =	ssyncadd.s32 $0xFFFFE000  }
0x232: {  	[hbm4b:s12+s2] =	stream.linear.scatter [tilespmem:s8], [sflag:$0x2], $0x2000, $0x38;
	[tilespmem:$0xB400] =	vst v63  }
0x233: {  	_ =	swait.ge [sflag:s5], $0x2000  }
0x234: {  	[sflag:s5] =	ssyncset.done $0x0  }
0x235: {  	s10 =	rddreg [dreg:$0x5];
	[sflag:s5] =	ssyncadd.s32 $0xFFFFE000  }
0x236: {  	[hbm4b:s10+s2] =	stream.linear.scatter [tilespmem:s9], [sflag:$0x2], $0x2000, $0x38;
	[tilespmem:$0xB400] =	vst v63  }
0x237: {  	_ =	swait.ge [sflag:s5], $0x2000  }
0x238: {  	[sflag:s5] =	ssyncset.done $0x0  }
0x239: {  	s11 =	rddreg [dreg:$0x6];
	[sflag:s5] =	ssyncadd.s32 $0xFFFFE000  }
0x23a: {  	[hbm4b:s11+s2] =	stream.linear.scatter [tilespmem:s16], [sflag:$0x2], $0x2000, $0x38;
	[tilespmem:$0xB400] =	vst v63  }
0x23b: {  	_ =	swait.ge [sflag:s5], $0x2000  }
0x23c: {  	p0 =	sne.s32 s4, $0x1;
	[sflag:s5] =	ssyncset.done $0x0  }
.Ltmp0:
0x23d: {  	s12 =	rddreg [dreg:$0x7];
	[sflag:s5] =	ssyncadd.s32 $0xFFFFE000;
	(pc) =	sbr.rel @p0 .LBB2_1-.Ltmp0, $4  }
0x23e: {  	[hbm4b:s12+s2] =	stream.linear.scatter [tilespmem:s24], [sflag:$0x2], $0x2000, $0x38;
	[tilespmem:$0xB400] =	vst v63  }
0x23f: {  	_ =	swait.ge [sflag:s5], $0x2000  }
0x240: {  	[sflag:s5] =	ssyncset.done $0x0  }
0x241: {  	s4 =	sadd.s32 $0xFFFFFFFF, s4;
	[sflag:s5] =	ssyncadd.s32 $0xFFFFE000  }
0x242: {  	_ =	sfence.sel $0x180000  }
0x243: {  	[bflag:$0x0] =	sbarrier.arrive $0xFFFF  }
0x244: {  	_ =	strace $0x90000047  }
0x245: {  	s0 =	stileid.u32;
	[bflag:$0x2] =	sbarrier.arrive $0xFFFF  }
0x246: {  	p0 =	sne.s32 s0, $0x0;
	s0 =	rddreg [dreg:$0x1]  }
0x247: {  	s0 =	sadd.s32 @!p0 $0x100000, s0  }
0x248: {  	[sflag:s0] =	ssyncadd.tile.s32 @!p0 $0x1;
	_ =	shalt  }
.Lfunc_end2:
_tile_overlayer_lowered:
.L_overlay_start_2:
0x249: {  	(tag) =	ssettag $0x2  }
0x24a: {  	s0 =	rddreg [dreg:$0x0];
	s2 =	stileid.u32  }
0x24b: {  	s1 =	rddreg [dreg:$0x1];
	p0 =	sne.s32 s2, $0x0  }
0x24c: {  	s3 =	rddreg [dreg:$0x2];
	[bflag:$0x3] =	sbarrier.arrive $0xFFFF;
	s2 =	simm.s32 @!p0 $0x1C02  }
0x24d: {  	[timem:s3], [sflag:s2] =	dma.local @!p0 [hbm:s0], s1  }
0x24e: {  	s0 =	simm.s32 @!p0 $0x2  }
0x24f: {  	_ =	swait.ge @!p0 [sflag:s0], s1  }
0x250: {  	s1 =	ssub.s32 @!p0 $0x0, s1;
	[sflag:s0] =	ssyncset.done @!p0 $0x0  }
0x251: {  	[sflag:s0] =	ssyncadd.s32 @!p0 s1  }
0x252: {  	[bflag:$0x3] =	sbarrier.arrive $0xFFFF  }
0x253: {  	_ =	shalt  }

</sc_bundles>
